<compile_context>
chip_gen: v7x
topology: tpu7x:2x2x1
jax: 0.10.2.dev20260603
libtpu: 0.0.44.dev20260713+nightly
codegen_flags: <defaults>
</compile_context>

<pallas_src>
import functools

import jax
import jax.numpy as jnp
from jax import lax
from jax.experimental import pallas as pl
from jax.experimental.pallas import tpu as pltpu
from jax.experimental.pallas import tpu_sc as plsc

_C = 5
_B, _N, _T = 32, 64, 256
_L = 16
_NCHUNK = _T // _L
_MAXCL = 48
_BIGI = 1 << 30
_NEGF = -3.0e38


def _sc_body(vmem_hbm, labels_hbm, spike_hbm, part_hbm,
             v_v, lab_v, cnt_v, sp_v, spk_v, pv_v):
    wid = lax.axis_index("s") * 2 + lax.axis_index("c")
    pltpu.sync_copy(vmem_hbm.at[wid], v_v)
    pltpu.sync_copy(labels_hbm, lab_v)

    iota = lax.iota(jnp.int32, _L)
    tk = jnp.maximum(iota - 1, 0)
    ones_i = jnp.where(iota >= 0, jnp.int32(1), jnp.int32(0))
    lane0 = iota == 0

    labv = plsc.load_gather(lab_v, [jnp.full((_L,), wid, jnp.int32)])
    lab_s = jnp.max(labv)

    def row_body(n, loss):
        zer = jnp.where(iota < 0, jnp.int32(1), jnp.int32(0))
        for t in range(_MAXCL // _L):
            cnt_v[pl.ds(t * _L, _L)] = zer
        carry_cm = jnp.int32(-1)
        carry_nc = jnp.int32(0)
        row_max = jnp.float32(_NEGF)
        for k in range(_NCHUNK):
            vv = v_v[n, pl.ds(k * _L, _L)]
            idx_k = iota + (k * _L)
            sb = vv >= 0.0
            posv = jnp.where(sb, idx_k, jnp.int32(-1))
            cml = plsc.cummax(posv)
            sh = jnp.take_along_axis(cml, tk, axis=0)
            prev = jnp.maximum(jnp.where(iota >= 1, sh, jnp.int32(-1)),
                               carry_cm)
            newb = sb & ((prev < 0) | ((idx_k - prev) > _C))
            ncl = plsc.cumsum(jnp.where(newb, jnp.int32(1), jnp.int32(0)))
            r = ncl - 1 + carry_nc
            plsc.addupdate_scatter(cnt_v, [r], ones_i, mask=sb)
            plsc.store_scatter(sp_v, [r], idx_k, mask=newb)
            carry_cm = jnp.maximum(carry_cm, jnp.max(posv))
            carry_nc = carry_nc + jnp.max(ncl)
            row_max = jnp.maximum(row_max, jnp.max(vv))
        m_cl = carry_nc
        kmin = jnp.int32(_BIGI)
        for t in range(_MAXCL // _L):
            ct = cnt_v[pl.ds(t * _L, _L)]
            lane = iota + (t * _L)
            key = jnp.where(lane < m_cl, ct * 512 + lane, jnp.int32(_BIGI))
            kmin = jnp.minimum(kmin, jnp.min(key))
        ic = jnp.bitwise_and(kmin, jnp.int32(511))
        icc = jnp.minimum(ic, jnp.int32(_MAXCL - 1))
        bv = plsc.load_gather(sp_v, [jnp.full((_L,), icc, jnp.int32)])
        nv = plsc.load_gather(
            sp_v, [jnp.full((_L,), jnp.minimum(icc + 1, _MAXCL - 1),
                            jnp.int32)])
        b_s = jnp.where(m_cl > 0, jnp.max(bv), jnp.int32(_T + 1))
        nb_s = jnp.where(ic + 1 < m_cl, jnp.max(nv), jnp.int32(_T))
        tu = jnp.float32(_NEGF)
        for k in range(_NCHUNK):
            vv = v_v[n, pl.ds(k * _L, _L)]
            idx_k = iota + (k * _L)
            span = (idx_k >= b_s) & (idx_k < nb_s)
            tu = jnp.maximum(tu, jnp.max(jnp.where(span, vv, jnp.float32(_NEGF))))
        ltf = jnp.where(lab_s == n, jnp.float32(1.0), jnp.float32(0.0))
        mf = m_cl.astype(jnp.float32)
        contrib = (jnp.where(ltf > mf, -row_max, jnp.float32(0.0))
                   + jnp.where(ltf < mf, tu, jnp.float32(0.0)))
        plsc.store_scatter(spk_v, [jnp.full((_L,), n, jnp.int32)],
                           jnp.full((_L,), mf, jnp.float32), mask=lane0)
        return loss + contrib

    loss = lax.fori_loop(0, _N, row_body, jnp.float32(0.0))

    pltpu.sync_copy(spk_v, spike_hbm.at[wid])
    pv_v[...] = jnp.where(lane0, loss, jnp.float32(0.0))
    pltpu.sync_copy(pv_v, part_hbm.at[wid])


@jax.jit
def _sc_call(vmem, labels):
    mesh = plsc.VectorSubcoreMesh(core_axis_name="c", subcore_axis_name="s")
    fn = pl.kernel(
        _sc_body,
        out_type=(
            jax.ShapeDtypeStruct((_B, _N), jnp.float32),
            jax.ShapeDtypeStruct((_B, _L), jnp.float32),
        ),
        mesh=mesh,
        compiler_params=pltpu.CompilerParams(needs_layout_passes=False),
        scratch_types=[
            pltpu.VMEM((_N, _T), jnp.float32),
            pltpu.VMEM((_B,), jnp.int32),
            pltpu.VMEM((_MAXCL,), jnp.int32),
            pltpu.VMEM((_MAXCL,), jnp.int32),
            pltpu.VMEM((_N,), jnp.float32),
            pltpu.VMEM((_L,), jnp.float32),
        ],
    )
    return fn(vmem, labels)


def _tc_sum(part):
    def body(p_ref, o_ref):
        o_ref[0, 0] = jnp.sum(p_ref[...])

    return pl.pallas_call(
        body,
        out_shape=jax.ShapeDtypeStruct((1, 1), jnp.float32),
        out_specs=pl.BlockSpec(memory_space=pltpu.SMEM),
    )(part)


def kernel(vmem, vlastmem, labels):
    del vlastmem
    spike, part = _sc_call(vmem, labels.astype(jnp.int32))
    loss = _tc_sum(part).reshape(())
    return loss, spike

# --- scband reference (transcript-rebuilt; emitter-appended) ---
"""Pipeline reference for scband-stca-tca-loss-80504866996734 (READ-ONLY COPY).

The authoritative reference and input builder live on the scoring server;
editing this copy changes nothing except your own understanding.
"""

import jax, jax.numpy as jnp
from jax import lax
import numpy as np
import random

C = 5

def setup_inputs(seed: int = 0):
    key = jax.random.key(seed)
    k1, k2, k3 = jax.random.split(key, 3)
    B, N, T = 32, 64, 256
    vmem = jax.random.normal(k1, (B, N, T), dtype=jnp.float32)
    vlastmem = jax.random.normal(k2, (B, N, T), dtype=jnp.float32)
    labels = jax.random.randint(k3, (B,), 0, N)
    return {"vmem": vmem, "vlastmem": vlastmem, "labels": labels}

def _structure(v_np):
    pos = np.nonzero(v_np >= 0)[0]
    beg = [0]
    end = []
    for isp in range(1, pos.shape[0]):
        if pos[isp] - pos[isp - 1] > C:
            end.append(isp - 1)
            beg.append(isp)
    end.append(pos.shape[0] - 1)
    num_cluster = len(beg)
    if end[-1] < 0:
        num_cluster = 0
    return pos, beg, end, num_cluster

def _row_structure(v):
    T = v.shape[0]
    idx = jnp.arange(T, dtype=jnp.int32)
    s = v >= 0
    pos_or_neg1 = jnp.where(s, idx, jnp.int32(-1))
    cm = lax.cummax(pos_or_neg1)
    prev = jnp.concatenate([jnp.full((1,), -1, dtype=jnp.int32), cm[:-1]])
    new = s & ((prev < 0) | ((idx - prev) > C))
    cid = jnp.cumsum(new.astype(jnp.int32)) - 1
    num_cluster = jnp.sum(new.astype(jnp.int32))
    cid_full = jnp.where(s, cid, jnp.int32(T))
    counts = jnp.zeros(T + 1, dtype=jnp.int32).at[cid_full].add(1)[:T]
    beg_pos = jnp.full(T + 1, T, dtype=jnp.int32).at[cid_full].min(idx)[:T]
    end_pos = jnp.full(T + 1, -1, dtype=jnp.int32).at[cid_full].max(
        jnp.where(s, idx, jnp.int32(-1)))[:T]
    big = jnp.int32(T + 1)
    ic = jnp.argmin(jnp.where(idx < num_cluster, counts, big))
    b = beg_pos[ic]
    e = end_pos[ic]
    span_mask = (idx >= b) & (idx <= e)
    term_over = -jnp.max(v)
    term_under = jnp.max(jnp.where(span_mask, v, -jnp.inf))
    return num_cluster, term_over, term_under

def reference(vmem, vlastmem, labels):
    random.seed(0)
    B, N, T = vmem.shape
    labels_t = jnp.zeros((B, N), dtype=jnp.float32).at[
        jnp.arange(B), labels].set(1.0)
    v_flat = vmem.reshape(B * N, T)
    num_cluster, term_over, term_under = jax.vmap(_row_structure)(v_flat)
    lt = labels_t.reshape(B * N)
    contrib = (jnp.where(lt > num_cluster, term_over, jnp.float32(0.0))
               + jnp.where(lt < num_cluster, term_under, jnp.float32(0.0)))
    loss = lax.fori_loop(0, B * N, lambda i, a: a + contrib[i],
                         jnp.float32(0.0))
    spike_output = num_cluster.astype(jnp.float32).reshape(B, N)
    return loss, spike_output

if __name__ == "__main__":
    import jax
    _d = setup_inputs()
    print(jax.jit(kernel)(*tuple(_d.values())))

</pallas_src>

<mosaic_0001>
#map = affine_map<(d0, d1) -> (0, 0, 0)>
#map1 = affine_map<(d0, d1) -> (0)>
#map2 = affine_map<(d0, d1) -> (0, 0)>
module attributes {stable_mosaic.version = 14 : i64} {
  func.func @_sc_body(%arg0: i32, %arg1: i32, %arg2: memref<32x64x256xf32, #tpu.memory_space<hbm>>, %arg3: memref<32xi32, #tpu.memory_space<hbm>>, %arg4: memref<32x64xf32, #tpu.memory_space<hbm>>, %arg5: memref<32x16xf32, #tpu.memory_space<hbm>>, %arg6: memref<64x256xf32, #tpu.memory_space<vmem>>, %arg7: memref<32xi32, #tpu.memory_space<vmem>>, %arg8: memref<48xi32, #tpu.memory_space<vmem>>, %arg9: memref<48xi32, #tpu.memory_space<vmem>>, %arg10: memref<64xf32, #tpu.memory_space<vmem>>, %arg11: memref<16xf32, #tpu.memory_space<vmem>>) attributes {dimension_semantics = [#tpu.dimension_semantics<core_parallel>, #tpu.dimension_semantics<subcore_parallel>], iteration_bounds = array<i64: 2, 16>, scalar_prefetch = 0 : i64, scratch_operands = 6 : i64, tpu.core_type = #tpu.core_type<sc_vector_subcore>, window_params = [{transform_indices = #map}, {transform_indices = #map1}, {transform_indices = #map2}, {transform_indices = #map2}]} {
    %mul3A = arith.constant 2 : i32
    %mul3A_0 = arith.muli %arg1, %mul3A : i32
    %add3A = arith.addi %mul3A_0, %arg0 : i32
    "tpu.region"() ({
      %run_scoped3A = tpu.sem_alloc : memref<!tpu.dma_semaphore, #tpu.memory_space<semaphore_mem>>
      %dma_start3A = arith.constant 0 : i32
      %dma_start3A_30 = arith.constant 0 : i32
      %dma_start3A_31 = tpu.memref_slice %arg2[%add3A, %dma_start3A, %dma_start3A_30] : memref<32x64x256xf32, #tpu.memory_space<hbm>> -> memref<1x64x256xf32, #tpu.memory_space<hbm>>
      %dma_start3A_32 = tpu.memref_squeeze %dma_start3A_31 : memref<1x64x256xf32, #tpu.memory_space<hbm>> -> memref<64x256xf32, #tpu.memory_space<hbm>>
      %dma_start3A_33 = arith.constant 0 : i32
      %dma_start3A_34 = arith.constant 0 : i32
      %dma_start3A_35 = tpu.memref_slice %arg2[%add3A, %dma_start3A_33, %dma_start3A_34] : memref<32x64x256xf32, #tpu.memory_space<hbm>> -> memref<1x64x256xf32, #tpu.memory_space<hbm>>
      %dma_start3A_36 = tpu.memref_squeeze %dma_start3A_35 : memref<1x64x256xf32, #tpu.memory_space<hbm>> -> memref<64x256xf32, #tpu.memory_space<hbm>>
      tpu.enqueue_dma source(%dma_start3A_36 : memref<64x256xf32, #tpu.memory_space<hbm>>) target(%arg6 : memref<64x256xf32, #tpu.memory_space<vmem>>) target_semaphore(%run_scoped3A : memref<!tpu.dma_semaphore, #tpu.memory_space<semaphore_mem>>)
      %dma_wait3A = arith.constant 0 : i32
      %dma_wait3A_37 = arith.constant 0 : i32
      %dma_wait3A_38 = tpu.memref_slice %arg2[%add3A, %dma_wait3A, %dma_wait3A_37] : memref<32x64x256xf32, #tpu.memory_space<hbm>> -> memref<1x64x256xf32, #tpu.memory_space<hbm>>
      %dma_wait3A_39 = tpu.memref_squeeze %dma_wait3A_38 : memref<1x64x256xf32, #tpu.memory_space<hbm>> -> memref<64x256xf32, #tpu.memory_space<hbm>>
      %dma_wait3A_40 = arith.constant 0 : i32
      %dma_wait3A_41 = arith.constant 0 : i32
      %dma_wait3A_42 = tpu.memref_slice %arg2[%add3A, %dma_wait3A_40, %dma_wait3A_41] : memref<32x64x256xf32, #tpu.memory_space<hbm>> -> memref<1x64x256xf32, #tpu.memory_space<hbm>>
      %dma_wait3A_43 = tpu.memref_squeeze %dma_wait3A_42 : memref<1x64x256xf32, #tpu.memory_space<hbm>> -> memref<64x256xf32, #tpu.memory_space<hbm>>
      tpu.wait_dma2 semaphore(%run_scoped3A : memref<!tpu.dma_semaphore, #tpu.memory_space<semaphore_mem>>) src(%dma_wait3A_43 : memref<64x256xf32, #tpu.memory_space<hbm>>) dst(%arg6 : memref<64x256xf32, #tpu.memory_space<vmem>>)
      tpu.yield
    }) : () -> ()
    "tpu.region"() ({
      %run_scoped3A = tpu.sem_alloc : memref<!tpu.dma_semaphore, #tpu.memory_space<semaphore_mem>>
      tpu.enqueue_dma source(%arg3 : memref<32xi32, #tpu.memory_space<hbm>>) target(%arg7 : memref<32xi32, #tpu.memory_space<vmem>>) target_semaphore(%run_scoped3A : memref<!tpu.dma_semaphore, #tpu.memory_space<semaphore_mem>>)
      tpu.wait_dma2 semaphore(%run_scoped3A : memref<!tpu.dma_semaphore, #tpu.memory_space<semaphore_mem>>) src(%arg3 : memref<32xi32, #tpu.memory_space<hbm>>) dst(%arg7 : memref<32xi32, #tpu.memory_space<vmem>>)
      tpu.yield
    }) : () -> ()
    %iota3A = tpu.iota {dimensions = array<i32: 0>} : vector<16xi32>
    %sub3A = arith.constant 1 : i32
    %sub3A_1 = vector.broadcast %sub3A : i32 to vector<16xi32>
    %sub3A_2 = arith.subi %iota3A, %sub3A_1 : vector<16xi32>
    %max3A = arith.constant 0 : i32
    %max3A_3 = vector.broadcast %max3A : i32 to vector<16xi32>
    %max3A_4 = arith.maxsi %sub3A_2, %max3A_3 : vector<16xi32>
    %ge3A = arith.constant 0 : i32
    %ge3A_5 = vector.broadcast %ge3A : i32 to vector<16xi32>
    %ge3A_6 = arith.cmpi sge, %iota3A, %ge3A_5 : vector<16xi32>
    %jit3A = arith.constant 1 : i32
    %jit3A_7 = arith.constant 0 : i32
    %broadcast_in_dim3A = vector.broadcast %jit3A : i32 to vector<16xi32>
    %broadcast_in_dim3A_8 = vector.broadcast %jit3A_7 : i32 to vector<16xi32>
    %select_n3A = arith.select %ge3A_6, %broadcast_in_dim3A, %broadcast_in_dim3A_8 : vector<16xi1>, vector<16xi32>
    %eq3A = arith.constant 0 : i32
    %eq3A_9 = vector.broadcast %eq3A : i32 to vector<16xi32>
    %eq3A_10 = arith.cmpi eq, %iota3A, %eq3A_9 : vector<16xi32>
    %broadcast_in_dim3A_11 = vector.broadcast %add3A : i32 to vector<16xi32>
    %gather3A = tpu.vector_load_idx %arg7[%broadcast_in_dim3A_11] : memref<32xi32, #tpu.memory_space<vmem>>[vector<16xi32>], vector<16xi32>,
    %reduce_max3A = arith.constant true
    %reduce_max3A_12 = vector.broadcast %reduce_max3A : i1 to vector<16xi1>
    %reduce_max3A_13 = arith.constant -2147483648 : i32
    %reduce_max3A_14 = vector.broadcast %reduce_max3A_13 : i32 to vector<16xi32>
    %reduce_max3A_15 = arith.xori %gather3A, %reduce_max3A_14 : vector<16xi32>
    %reduce_max3A_16 = tpu.scan <max>, %reduce_max3A_15 masked %reduce_max3A_12 : vector<16xi32>, vector<16xi1> -> vector<16xi32>
    %reduce_max3A_17 = arith.xori %reduce_max3A_16, %reduce_max3A_14 : vector<16xi32>
    %reduce_max3A_18 = vector.extract %reduce_max3A_17[15] : i32 from vector<16xi32>
    %scan3A = arith.constant 0.000000e+00 : f32
    %scan3A_19 = arith.constant 0 : i32
    %scan3A_20 = arith.constant 64 : i32
    %scan3A_21 = arith.addi %scan3A_19, %scan3A_20 : i32
    %scan3A_22 = arith.constant 1 : i32
    %scan3A_23 = scf.for %scan3A_30 = %scan3A_19 to %scan3A_21 step %scan3A_22 iter_args(%scan3A_31 = %scan3A) -> (f32)  : i32 {
      %lt3A = arith.constant 0 : i32
      %lt3A_32 = vector.broadcast %lt3A : i32 to vector<16xi32>
      %lt3A_33 = arith.cmpi slt, %iota3A, %lt3A_32 : vector<16xi32>
      %jit3A_34 = arith.constant 1 : i32
      %jit3A_35 = arith.constant 0 : i32
      %broadcast_in_dim3A_36 = vector.broadcast %jit3A_34 : i32 to vector<16xi32>
      %broadcast_in_dim3A_37 = vector.broadcast %jit3A_35 : i32 to vector<16xi32>
      %select_n3A_38 = arith.select %lt3A_33, %broadcast_in_dim3A_36, %broadcast_in_dim3A_37 : vector<16xi1>, vector<16xi32>
      %swap3A_39 = arith.constant 0 : index
      %swap3A_40 = tpu.vector_load %arg8[%swap3A_39] {strides = array<i32>} : memref<48xi32, #tpu.memory_space<vmem>>, vector<16xi32>,
      tpu.vector_store %arg8[%swap3A_39], %select_n3A_38 {strides = array<i32>} : memref<48xi32, #tpu.memory_space<vmem>>, vector<16xi32>,
      %swap3A_41 = arith.constant 16 : index
      %swap3A_42 = tpu.vector_load %arg8[%swap3A_41] {strides = array<i32>} : memref<48xi32, #tpu.memory_space<vmem>>, vector<16xi32>,
      tpu.vector_store %arg8[%swap3A_41], %select_n3A_38 {strides = array<i32>} : memref<48xi32, #tpu.memory_space<vmem>>, vector<16xi32>,
      %swap3A_43 = arith.constant 32 : index
      %swap3A_44 = tpu.vector_load %arg8[%swap3A_43] {strides = array<i32>} : memref<48xi32, #tpu.memory_space<vmem>>, vector<16xi32>,
      tpu.vector_store %arg8[%swap3A_43], %select_n3A_38 {strides = array<i32>} : memref<48xi32, #tpu.memory_space<vmem>>, vector<16xi32>,
      %get3A = arith.index_cast %scan3A_30 : i32 to index
      %get3A_45 = arith.constant 0 : index
      %get3A_46 = tpu.vector_load %arg6[%get3A, %get3A_45] {strides = array<i32>} : memref<64x256xf32, #tpu.memory_space<vmem>>, vector<16xf32>,
      %add3A_47 = arith.constant 0 : i32
      %add3A_48 = vector.broadcast %add3A_47 : i32 to vector<16xi32>
      %add3A_49 = arith.addi %iota3A, %add3A_48 : vector<16xi32>
      %ge3A_50 = arith.constant 0.000000e+00 : f32
      %ge3A_51 = vector.broadcast %ge3A_50 : f32 to vector<16xf32>
      %ge3A_52 = arith.cmpf oge, %get3A_46, %ge3A_51 : vector<16xf32>
      %jit3A_53 = arith.constant -1 : i32
      %broadcast_in_dim3A_54 = vector.broadcast %jit3A_53 : i32 to vector<16xi32>
      %select_n3A_55 = arith.select %ge3A_52, %add3A_49, %broadcast_in_dim3A_54 : vector<16xi1>, vector<16xi32>
      %broadcast_in_dim3A_56 = arith.constant true
      %broadcast_in_dim3A_57 = vector.broadcast %broadcast_in_dim3A_56 : i1 to vector<16xi1>
      %masked_cummax3A = arith.constant -2147483648 : i32
      %masked_cummax3A_58 = vector.broadcast %masked_cummax3A : i32 to vector<16xi32>
      %masked_cummax3A_59 = arith.xori %select_n3A_55, %masked_cummax3A_58 : vector<16xi32>
      %masked_cummax3A_60 = tpu.scan <max>, %masked_cummax3A_59 masked %broadcast_in_dim3A_57 : vector<16xi32>, vector<16xi1> -> vector<16xi32>
      %masked_cummax3A_61 = arith.xori %masked_cummax3A_60, %masked_cummax3A_58 : vector<16xi32>
      %lt3A_62 = arith.constant 0 : i32
      %lt3A_63 = vector.broadcast %lt3A_62 : i32 to vector<16xi32>
      %lt3A_64 = arith.cmpi slt, %max3A_4, %lt3A_63 : vector<16xi32>
      %add3A_65 = arith.constant 16 : i32
      %add3A_66 = vector.broadcast %add3A_65 : i32 to vector<16xi32>
      %add3A_67 = arith.addi %max3A_4, %add3A_66 : vector<16xi32>
      %select_n3A_68 = arith.select %lt3A_64, %add3A_67, %max3A_4 : vector<16xi1>, vector<16xi32>
      %reshape3A = vector.shape_cast %select_n3A_68 : vector<16xi32> to vector<16x1xi32>
      %gather3A_69 = vector.shape_cast %reshape3A : vector<16x1xi32> to vector<16xi32>
      %gather3A_70 = tpu.dynamic_gather %masked_cummax3A_61[%gather3A_69] in [0] : vector<16xi32>, vector<16xi32> -> vector<16xi32>
      %ge3A_71 = arith.constant 1 : i32
      %ge3A_72 = vector.broadcast %ge3A_71 : i32 to vector<16xi32>
      %ge3A_73 = arith.cmpi sge, %iota3A, %ge3A_72 : vector<16xi32>
      %jit3A_74 = arith.constant -1 : i32
      %broadcast_in_dim3A_75 = vector.broadcast %jit3A_74 : i32 to vector<16xi32>
      %select_n3A_76 = arith.select %ge3A_73, %gather3A_70, %broadcast_in_dim3A_75 : vector<16xi1>, vector<16xi32>
      %max3A_77 = arith.constant -1 : i32
      %max3A_78 = vector.broadcast %max3A_77 : i32 to vector<16xi32>
      %max3A_79 = arith.maxsi %select_n3A_76, %max3A_78 : vector<16xi32>
      %lt3A_80 = arith.constant 0 : i32
      %lt3A_81 = vector.broadcast %lt3A_80 : i32 to vector<16xi32>
      %lt3A_82 = arith.cmpi slt, %max3A_79, %lt3A_81 : vector<16xi32>
      %sub3A_83 = arith.subi %add3A_49, %max3A_79 : vector<16xi32>
      %gt3A = arith.constant 5 : i32
      %gt3A_84 = vector.broadcast %gt3A : i32 to vector<16xi32>
      %gt3A_85 = arith.cmpi sgt, %sub3A_83, %gt3A_84 : vector<16xi32>
      %or3A = arith.ori %lt3A_82, %gt3A_85 : vector<16xi1>
      %and3A = arith.andi %ge3A_52, %or3A : vector<16xi1>
      %jit3A_86 = arith.constant 1 : i32
      %jit3A_87 = arith.constant 0 : i32
      %broadcast_in_dim3A_88 = vector.broadcast %jit3A_86 : i32 to vector<16xi32>
      %broadcast_in_dim3A_89 = vector.broadcast %jit3A_87 : i32 to vector<16xi32>
      %select_n3A_90 = arith.select %and3A, %broadcast_in_dim3A_88, %broadcast_in_dim3A_89 : vector<16xi1>, vector<16xi32>
      %broadcast_in_dim3A_91 = arith.constant true
      %broadcast_in_dim3A_92 = vector.broadcast %broadcast_in_dim3A_91 : i1 to vector<16xi1>
      %masked_cumsum3A = tpu.scan <sum>, %select_n3A_90 masked %broadcast_in_dim3A_92 : vector<16xi32>, vector<16xi1> -> vector<16xi32>
      %sub3A_93 = arith.constant 1 : i32
      %sub3A_94 = vector.broadcast %sub3A_93 : i32 to vector<16xi32>
      %sub3A_95 = arith.subi %masked_cumsum3A, %sub3A_94 : vector<16xi32>
      %add3A_96 = arith.constant 0 : i32
      %add3A_97 = vector.broadcast %add3A_96 : i32 to vector<16xi32>
      %add3A_98 = arith.addi %sub3A_95, %add3A_97 : vector<16xi32>
      tpu.vector_store_idx %arg8[%add3A_98], %select_n3A masked %ge3A_52 {add = true} : memref<48xi32, #tpu.memory_space<vmem>>[vector<16xi32>], vector<16xi32>, vector<16xi1>
      tpu.vector_store_idx %arg9[%add3A_98], %add3A_49 masked %and3A : memref<48xi32, #tpu.memory_space<vmem>>[vector<16xi32>], vector<16xi32>, vector<16xi1>
      %reduce_max3A_99 = arith.constant true
      %reduce_max3A_100 = vector.broadcast %reduce_max3A_99 : i1 to vector<16xi1>
      %reduce_max3A_101 = arith.constant -2147483648 : i32
      %reduce_max3A_102 = vector.broadcast %reduce_max3A_101 : i32 to vector<16xi32>
      %reduce_max3A_103 = arith.xori %select_n3A_55, %reduce_max3A_102 : vector<16xi32>
      %reduce_max3A_104 = tpu.scan <max>, %reduce_max3A_103 masked %reduce_max3A_100 : vector<16xi32>, vector<16xi1> -> vector<16xi32>
      %reduce_max3A_105 = arith.xori %reduce_max3A_104, %reduce_max3A_102 : vector<16xi32>
      %reduce_max3A_106 = vector.extract %reduce_max3A_105[15] : i32 from vector<16xi32>
      %max3A_107 = arith.constant -1 : i32
      %max3A_108 = arith.maxsi %max3A_107, %reduce_max3A_106 : i32
      %reduce_max3A_109 = arith.constant true
      %reduce_max3A_110 = vector.broadcast %reduce_max3A_109 : i1 to vector<16xi1>
      %reduce_max3A_111 = arith.constant -2147483648 : i32
      %reduce_max3A_112 = vector.broadcast %reduce_max3A_111 : i32 to vector<16xi32>
      %reduce_max3A_113 = arith.xori %masked_cumsum3A, %reduce_max3A_112 : vector<16xi32>
      %reduce_max3A_114 = tpu.scan <max>, %reduce_max3A_113 masked %reduce_max3A_110 : vector<16xi32>, vector<16xi1> -> vector<16xi32>
      %reduce_max3A_115 = arith.xori %reduce_max3A_114, %reduce_max3A_112 : vector<16xi32>
      %reduce_max3A_116 = vector.extract %reduce_max3A_115[15] : i32 from vector<16xi32>
      %add3A_117 = arith.constant 0 : i32
      %add3A_118 = arith.addi %add3A_117, %reduce_max3A_116 : i32
      %reduce_max3A_119 = arith.constant true
      %reduce_max3A_120 = vector.broadcast %reduce_max3A_119 : i1 to vector<16xi1>
      %reduce_max3A_121 = tpu.scan <max>, %get3A_46 masked %reduce_max3A_120 : vector<16xf32>, vector<16xi1> -> vector<16xf32>
      %reduce_max3A_122 = vector.extract %reduce_max3A_121[15] : f32 from vector<16xf32>
      %max3A_123 = arith.constant -3.000000e+38 : f32
      %max3A_124 = arith.maximumf %max3A_123, %reduce_max3A_122 : f32
      %get3A_125 = arith.index_cast %scan3A_30 : i32 to index
      %get3A_126 = arith.constant 16 : index
      %get3A_127 = tpu.vector_load %arg6[%get3A_125, %get3A_126] {strides = array<i32>} : memref<64x256xf32, #tpu.memory_space<vmem>>, vector<16xf32>,
      %add3A_128 = arith.constant 16 : i32
      %add3A_129 = vector.broadcast %add3A_128 : i32 to vector<16xi32>
      %add3A_130 = arith.addi %iota3A, %add3A_129 : vector<16xi32>
      %ge3A_131 = arith.constant 0.000000e+00 : f32
      %ge3A_132 = vector.broadcast %ge3A_131 : f32 to vector<16xf32>
      %ge3A_133 = arith.cmpf oge, %get3A_127, %ge3A_132 : vector<16xf32>
      %jit3A_134 = arith.constant -1 : i32
      %broadcast_in_dim3A_135 = vector.broadcast %jit3A_134 : i32 to vector<16xi32>
      %select_n3A_136 = arith.select %ge3A_133, %add3A_130, %broadcast_in_dim3A_135 : vector<16xi1>, vector<16xi32>
      %broadcast_in_dim3A_137 = arith.constant true
      %broadcast_in_dim3A_138 = vector.broadcast %broadcast_in_dim3A_137 : i1 to vector<16xi1>
      %masked_cummax3A_139 = arith.constant -2147483648 : i32
      %masked_cummax3A_140 = vector.broadcast %masked_cummax3A_139 : i32 to vector<16xi32>
      %masked_cummax3A_141 = arith.xori %select_n3A_136, %masked_cummax3A_140 : vector<16xi32>
      %masked_cummax3A_142 = tpu.scan <max>, %masked_cummax3A_141 masked %broadcast_in_dim3A_138 : vector<16xi32>, vector<16xi1> -> vector<16xi32>
      %masked_cummax3A_143 = arith.xori %masked_cummax3A_142, %masked_cummax3A_140 : vector<16xi32>
      %lt3A_144 = arith.constant 0 : i32
      %lt3A_145 = vector.broadcast %lt3A_144 : i32 to vector<16xi32>
      %lt3A_146 = arith.cmpi slt, %max3A_4, %lt3A_145 : vector<16xi32>
      %add3A_147 = arith.constant 16 : i32
      %add3A_148 = vector.broadcast %add3A_147 : i32 to vector<16xi32>
      %add3A_149 = arith.addi %max3A_4, %add3A_148 : vector<16xi32>
      %select_n3A_150 = arith.select %lt3A_146, %add3A_149, %max3A_4 : vector<16xi1>, vector<16xi32>
      %reshape3A_151 = vector.shape_cast %select_n3A_150 : vector<16xi32> to vector<16x1xi32>
      %gather3A_152 = vector.shape_cast %reshape3A_151 : vector<16x1xi32> to vector<16xi32>
      %gather3A_153 = tpu.dynamic_gather %masked_cummax3A_143[%gather3A_152] in [0] : vector<16xi32>, vector<16xi32> -> vector<16xi32>
      %ge3A_154 = arith.constant 1 : i32
      %ge3A_155 = vector.broadcast %ge3A_154 : i32 to vector<16xi32>
      %ge3A_156 = arith.cmpi sge, %iota3A, %ge3A_155 : vector<16xi32>
      %jit3A_157 = arith.constant -1 : i32
      %broadcast_in_dim3A_158 = vector.broadcast %jit3A_157 : i32 to vector<16xi32>
      %select_n3A_159 = arith.select %ge3A_156, %gather3A_153, %broadcast_in_dim3A_158 : vector<16xi1>, vector<16xi32>
      %max3A_160 = vector.broadcast %max3A_108 : i32 to vector<16xi32>
      %max3A_161 = arith.maxsi %select_n3A_159, %max3A_160 : vector<16xi32>
      %lt3A_162 = arith.constant 0 : i32
      %lt3A_163 = vector.broadcast %lt3A_162 : i32 to vector<16xi32>
      %lt3A_164 = arith.cmpi slt, %max3A_161, %lt3A_163 : vector<16xi32>
      %sub3A_165 = arith.subi %add3A_130, %max3A_161 : vector<16xi32>
      %gt3A_166 = arith.constant 5 : i32
      %gt3A_167 = vector.broadcast %gt3A_166 : i32 to vector<16xi32>
      %gt3A_168 = arith.cmpi sgt, %sub3A_165, %gt3A_167 : vector<16xi32>
      %or3A_169 = arith.ori %lt3A_164, %gt3A_168 : vector<16xi1>
      %and3A_170 = arith.andi %ge3A_133, %or3A_169 : vector<16xi1>
      %jit3A_171 = arith.constant 1 : i32
      %jit3A_172 = arith.constant 0 : i32
      %broadcast_in_dim3A_173 = vector.broadcast %jit3A_171 : i32 to vector<16xi32>
      %broadcast_in_dim3A_174 = vector.broadcast %jit3A_172 : i32 to vector<16xi32>
      %select_n3A_175 = arith.select %and3A_170, %broadcast_in_dim3A_173, %broadcast_in_dim3A_174 : vector<16xi1>, vector<16xi32>
      %broadcast_in_dim3A_176 = arith.constant true
      %broadcast_in_dim3A_177 = vector.broadcast %broadcast_in_dim3A_176 : i1 to vector<16xi1>
      %masked_cumsum3A_178 = tpu.scan <sum>, %select_n3A_175 masked %broadcast_in_dim3A_177 : vector<16xi32>, vector<16xi1> -> vector<16xi32>
      %sub3A_179 = arith.constant 1 : i32
      %sub3A_180 = vector.broadcast %sub3A_179 : i32 to vector<16xi32>
      %sub3A_181 = arith.subi %masked_cumsum3A_178, %sub3A_180 : vector<16xi32>
      %add3A_182 = vector.broadcast %add3A_118 : i32 to vector<16xi32>
      %add3A_183 = arith.addi %sub3A_181, %add3A_182 : vector<16xi32>
      tpu.vector_store_idx %arg8[%add3A_183], %select_n3A masked %ge3A_133 {add = true} : memref<48xi32, #tpu.memory_space<vmem>>[vector<16xi32>], vector<16xi32>, vector<16xi1>
      tpu.vector_store_idx %arg9[%add3A_183], %add3A_130 masked %and3A_170 : memref<48xi32, #tpu.memory_space<vmem>>[vector<16xi32>], vector<16xi32>, vector<16xi1>
      %reduce_max3A_184 = arith.constant true
      %reduce_max3A_185 = vector.broadcast %reduce_max3A_184 : i1 to vector<16xi1>
      %reduce_max3A_186 = arith.constant -2147483648 : i32
      %reduce_max3A_187 = vector.broadcast %reduce_max3A_186 : i32 to vector<16xi32>
      %reduce_max3A_188 = arith.xori %select_n3A_136, %reduce_max3A_187 : vector<16xi32>
      %reduce_max3A_189 = tpu.scan <max>, %reduce_max3A_188 masked %reduce_max3A_185 : vector<16xi32>, vector<16xi1> -> vector<16xi32>
      %reduce_max3A_190 = arith.xori %reduce_max3A_189, %reduce_max3A_187 : vector<16xi32>
      %reduce_max3A_191 = vector.extract %reduce_max3A_190[15] : i32 from vector<16xi32>
      %max3A_192 = arith.maxsi %max3A_108, %reduce_max3A_191 : i32
      %reduce_max3A_193 = arith.constant true
      %reduce_max3A_194 = vector.broadcast %reduce_max3A_193 : i1 to vector<16xi1>
      %reduce_max3A_195 = arith.constant -2147483648 : i32
      %reduce_max3A_196 = vector.broadcast %reduce_max3A_195 : i32 to vector<16xi32>
      %reduce_max3A_197 = arith.xori %masked_cumsum3A_178, %reduce_max3A_196 : vector<16xi32>
      %reduce_max3A_198 = tpu.scan <max>, %reduce_max3A_197 masked %reduce_max3A_194 : vector<16xi32>, vector<16xi1> -> vector<16xi32>
      %reduce_max3A_199 = arith.xori %reduce_max3A_198, %reduce_max3A_196 : vector<16xi32>
      %reduce_max3A_200 = vector.extract %reduce_max3A_199[15] : i32 from vector<16xi32>
      %add3A_201 = arith.addi %add3A_118, %reduce_max3A_200 : i32
      %reduce_max3A_202 = arith.constant true
      %reduce_max3A_203 = vector.broadcast %reduce_max3A_202 : i1 to vector<16xi1>
      %reduce_max3A_204 = tpu.scan <max>, %get3A_127 masked %reduce_max3A_203 : vector<16xf32>, vector<16xi1> -> vector<16xf32>
      %reduce_max3A_205 = vector.extract %reduce_max3A_204[15] : f32 from vector<16xf32>
      %max3A_206 = arith.maximumf %max3A_124, %reduce_max3A_205 : f32
      %get3A_207 = arith.index_cast %scan3A_30 : i32 to index
      %get3A_208 = arith.constant 32 : index
      %get3A_209 = tpu.vector_load %arg6[%get3A_207, %get3A_208] {strides = array<i32>} : memref<64x256xf32, #tpu.memory_space<vmem>>, vector<16xf32>,
      %add3A_210 = arith.constant 32 : i32
      %add3A_211 = vector.broadcast %add3A_210 : i32 to vector<16xi32>
      %add3A_212 = arith.addi %iota3A, %add3A_211 : vector<16xi32>
      %ge3A_213 = arith.constant 0.000000e+00 : f32
      %ge3A_214 = vector.broadcast %ge3A_213 : f32 to vector<16xf32>
      %ge3A_215 = arith.cmpf oge, %get3A_209, %ge3A_214 : vector<16xf32>
      %jit3A_216 = arith.constant -1 : i32
      %broadcast_in_dim3A_217 = vector.broadcast %jit3A_216 : i32 to vector<16xi32>
      %select_n3A_218 = arith.select %ge3A_215, %add3A_212, %broadcast_in_dim3A_217 : vector<16xi1>, vector<16xi32>
      %broadcast_in_dim3A_219 = arith.constant true
      %broadcast_in_dim3A_220 = vector.broadcast %broadcast_in_dim3A_219 : i1 to vector<16xi1>
      %masked_cummax3A_221 = arith.constant -2147483648 : i32
      %masked_cummax3A_222 = vector.broadcast %masked_cummax3A_221 : i32 to vector<16xi32>
      %masked_cummax3A_223 = arith.xori %select_n3A_218, %masked_cummax3A_222 : vector<16xi32>
      %masked_cummax3A_224 = tpu.scan <max>, %masked_cummax3A_223 masked %broadcast_in_dim3A_220 : vector<16xi32>, vector<16xi1> -> vector<16xi32>
      %masked_cummax3A_225 = arith.xori %masked_cummax3A_224, %masked_cummax3A_222 : vector<16xi32>
      %lt3A_226 = arith.constant 0 : i32
      %lt3A_227 = vector.broadcast %lt3A_226 : i32 to vector<16xi32>
      %lt3A_228 = arith.cmpi slt, %max3A_4, %lt3A_227 : vector<16xi32>
      %add3A_229 = arith.constant 16 : i32
      %add3A_230 = vector.broadcast %add3A_229 : i32 to vector<16xi32>
      %add3A_231 = arith.addi %max3A_4, %add3A_230 : vector<16xi32>
      %select_n3A_232 = arith.select %lt3A_228, %add3A_231, %max3A_4 : vector<16xi1>, vector<16xi32>
      %reshape3A_233 = vector.shape_cast %select_n3A_232 : vector<16xi32> to vector<16x1xi32>
      %gather3A_234 = vector.shape_cast %reshape3A_233 : vector<16x1xi32> to vector<16xi32>
      %gather3A_235 = tpu.dynamic_gather %masked_cummax3A_225[%gather3A_234] in [0] : vector<16xi32>, vector<16xi32> -> vector<16xi32>
      %ge3A_236 = arith.constant 1 : i32
      %ge3A_237 = vector.broadcast %ge3A_236 : i32 to vector<16xi32>
      %ge3A_238 = arith.cmpi sge, %iota3A, %ge3A_237 : vector<16xi32>
      %jit3A_239 = arith.constant -1 : i32
      %broadcast_in_dim3A_240 = vector.broadcast %jit3A_239 : i32 to vector<16xi32>
      %select_n3A_241 = arith.select %ge3A_238, %gather3A_235, %broadcast_in_dim3A_240 : vector<16xi1>, vector<16xi32>
      %max3A_242 = vector.broadcast %max3A_192 : i32 to vector<16xi32>
      %max3A_243 = arith.maxsi %select_n3A_241, %max3A_242 : vector<16xi32>
      %lt3A_244 = arith.constant 0 : i32
      %lt3A_245 = vector.broadcast %lt3A_244 : i32 to vector<16xi32>
      %lt3A_246 = arith.cmpi slt, %max3A_243, %lt3A_245 : vector<16xi32>
      %sub3A_247 = arith.subi %add3A_212, %max3A_243 : vector<16xi32>
      %gt3A_248 = arith.constant 5 : i32
      %gt3A_249 = vector.broadcast %gt3A_248 : i32 to vector<16xi32>
      %gt3A_250 = arith.cmpi sgt, %sub3A_247, %gt3A_249 : vector<16xi32>
      %or3A_251 = arith.ori %lt3A_246, %gt3A_250 : vector<16xi1>
      %and3A_252 = arith.andi %ge3A_215, %or3A_251 : vector<16xi1>
      %jit3A_253 = arith.constant 1 : i32
      %jit3A_254 = arith.constant 0 : i32
      %broadcast_in_dim3A_255 = vector.broadcast %jit3A_253 : i32 to vector<16xi32>
      %broadcast_in_dim3A_256 = vector.broadcast %jit3A_254 : i32 to vector<16xi32>
      %select_n3A_257 = arith.select %and3A_252, %broadcast_in_dim3A_255, %broadcast_in_dim3A_256 : vector<16xi1>, vector<16xi32>
      %broadcast_in_dim3A_258 = arith.constant true
      %broadcast_in_dim3A_259 = vector.broadcast %broadcast_in_dim3A_258 : i1 to vector<16xi1>
      %masked_cumsum3A_260 = tpu.scan <sum>, %select_n3A_257 masked %broadcast_in_dim3A_259 : vector<16xi32>, vector<16xi1> -> vector<16xi32>
      %sub3A_261 = arith.constant 1 : i32
      %sub3A_262 = vector.broadcast %sub3A_261 : i32 to vector<16xi32>
      %sub3A_263 = arith.subi %masked_cumsum3A_260, %sub3A_262 : vector<16xi32>
      %add3A_264 = vector.broadcast %add3A_201 : i32 to vector<16xi32>
      %add3A_265 = arith.addi %sub3A_263, %add3A_264 : vector<16xi32>
      tpu.vector_store_idx %arg8[%add3A_265], %select_n3A masked %ge3A_215 {add = true} : memref<48xi32, #tpu.memory_space<vmem>>[vector<16xi32>], vector<16xi32>, vector<16xi1>
      tpu.vector_store_idx %arg9[%add3A_265], %add3A_212 masked %and3A_252 : memref<48xi32, #tpu.memory_space<vmem>>[vector<16xi32>], vector<16xi32>, vector<16xi1>
      %reduce_max3A_266 = arith.constant true
      %reduce_max3A_267 = vector.broadcast %reduce_max3A_266 : i1 to vector<16xi1>
      %reduce_max3A_268 = arith.constant -2147483648 : i32
      %reduce_max3A_269 = vector.broadcast %reduce_max3A_268 : i32 to vector<16xi32>
      %reduce_max3A_270 = arith.xori %select_n3A_218, %reduce_max3A_269 : vector<16xi32>
      %reduce_max3A_271 = tpu.scan <max>, %reduce_max3A_270 masked %reduce_max3A_267 : vector<16xi32>, vector<16xi1> -> vector<16xi32>
      %reduce_max3A_272 = arith.xori %reduce_max3A_271, %reduce_max3A_269 : vector<16xi32>
      %reduce_max3A_273 = vector.extract %reduce_max3A_272[15] : i32 from vector<16xi32>
      %max3A_274 = arith.maxsi %max3A_192, %reduce_max3A_273 : i32
      %reduce_max3A_275 = arith.constant true
      %reduce_max3A_276 = vector.broadcast %reduce_max3A_275 : i1 to vector<16xi1>
      %reduce_max3A_277 = arith.constant -2147483648 : i32
      %reduce_max3A_278 = vector.broadcast %reduce_max3A_277 : i32 to vector<16xi32>
      %reduce_max3A_279 = arith.xori %masked_cumsum3A_260, %reduce_max3A_278 : vector<16xi32>
      %reduce_max3A_280 = tpu.scan <max>, %reduce_max3A_279 masked %reduce_max3A_276 : vector<16xi32>, vector<16xi1> -> vector<16xi32>
      %reduce_max3A_281 = arith.xori %reduce_max3A_280, %reduce_max3A_278 : vector<16xi32>
      %reduce_max3A_282 = vector.extract %reduce_max3A_281[15] : i32 from vector<16xi32>
      %add3A_283 = arith.addi %add3A_201, %reduce_max3A_282 : i32
      %reduce_max3A_284 = arith.constant true
      %reduce_max3A_285 = vector.broadcast %reduce_max3A_284 : i1 to vector<16xi1>
      %reduce_max3A_286 = tpu.scan <max>, %get3A_209 masked %reduce_max3A_285 : vector<16xf32>, vector<16xi1> -> vector<16xf32>
      %reduce_max3A_287 = vector.extract %reduce_max3A_286[15] : f32 from vector<16xf32>
      %max3A_288 = arith.maximumf %max3A_206, %reduce_max3A_287 : f32
      %get3A_289 = arith.index_cast %scan3A_30 : i32 to index
      %get3A_290 = arith.constant 48 : index
      %get3A_291 = tpu.vector_load %arg6[%get3A_289, %get3A_290] {strides = array<i32>} : memref<64x256xf32, #tpu.memory_space<vmem>>, vector<16xf32>,
      %add3A_292 = arith.constant 48 : i32
      %add3A_293 = vector.broadcast %add3A_292 : i32 to vector<16xi32>
      %add3A_294 = arith.addi %iota3A, %add3A_293 : vector<16xi32>
      %ge3A_295 = arith.constant 0.000000e+00 : f32
      %ge3A_296 = vector.broadcast %ge3A_295 : f32 to vector<16xf32>
      %ge3A_297 = arith.cmpf oge, %get3A_291, %ge3A_296 : vector<16xf32>
      %jit3A_298 = arith.constant -1 : i32
      %broadcast_in_dim3A_299 = vector.broadcast %jit3A_298 : i32 to vector<16xi32>
      %select_n3A_300 = arith.select %ge3A_297, %add3A_294, %broadcast_in_dim3A_299 : vector<16xi1>, vector<16xi32>
      %broadcast_in_dim3A_301 = arith.constant true
      %broadcast_in_dim3A_302 = vector.broadcast %broadcast_in_dim3A_301 : i1 to vector<16xi1>
      %masked_cummax3A_303 = arith.constant -2147483648 : i32
      %masked_cummax3A_304 = vector.broadcast %masked_cummax3A_303 : i32 to vector<16xi32>
      %masked_cummax3A_305 = arith.xori %select_n3A_300, %masked_cummax3A_304 : vector<16xi32>
      %masked_cummax3A_306 = tpu.scan <max>, %masked_cummax3A_305 masked %broadcast_in_dim3A_302 : vector<16xi32>, vector<16xi1> -> vector<16xi32>
      %masked_cummax3A_307 = arith.xori %masked_cummax3A_306, %masked_cummax3A_304 : vector<16xi32>
      %lt3A_308 = arith.constant 0 : i32
      %lt3A_309 = vector.broadcast %lt3A_308 : i32 to vector<16xi32>
      %lt3A_310 = arith.cmpi slt, %max3A_4, %lt3A_309 : vector<16xi32>
      %add3A_311 = arith.constant 16 : i32
      %add3A_312 = vector.broadcast %add3A_311 : i32 to vector<16xi32>
      %add3A_313 = arith.addi %max3A_4, %add3A_312 : vector<16xi32>
      %select_n3A_314 = arith.select %lt3A_310, %add3A_313, %max3A_4 : vector<16xi1>, vector<16xi32>
      %reshape3A_315 = vector.shape_cast %select_n3A_314 : vector<16xi32> to vector<16x1xi32>
      %gather3A_316 = vector.shape_cast %reshape3A_315 : vector<16x1xi32> to vector<16xi32>
      %gather3A_317 = tpu.dynamic_gather %masked_cummax3A_307[%gather3A_316] in [0] : vector<16xi32>, vector<16xi32> -> vector<16xi32>
      %ge3A_318 = arith.constant 1 : i32
      %ge3A_319 = vector.broadcast %ge3A_318 : i32 to vector<16xi32>
      %ge3A_320 = arith.cmpi sge, %iota3A, %ge3A_319 : vector<16xi32>
      %jit3A_321 = arith.constant -1 : i32
      %broadcast_in_dim3A_322 = vector.broadcast %jit3A_321 : i32 to vector<16xi32>
      %select_n3A_323 = arith.select %ge3A_320, %gather3A_317, %broadcast_in_dim3A_322 : vector<16xi1>, vector<16xi32>
      %max3A_324 = vector.broadcast %max3A_274 : i32 to vector<16xi32>
      %max3A_325 = arith.maxsi %select_n3A_323, %max3A_324 : vector<16xi32>
      %lt3A_326 = arith.constant 0 : i32
      %lt3A_327 = vector.broadcast %lt3A_326 : i32 to vector<16xi32>
      %lt3A_328 = arith.cmpi slt, %max3A_325, %lt3A_327 : vector<16xi32>
      %sub3A_329 = arith.subi %add3A_294, %max3A_325 : vector<16xi32>
      %gt3A_330 = arith.constant 5 : i32
      %gt3A_331 = vector.broadcast %gt3A_330 : i32 to vector<16xi32>
      %gt3A_332 = arith.cmpi sgt, %sub3A_329, %gt3A_331 : vector<16xi32>
      %or3A_333 = arith.ori %lt3A_328, %gt3A_332 : vector<16xi1>
      %and3A_334 = arith.andi %ge3A_297, %or3A_333 : vector<16xi1>
      %jit3A_335 = arith.constant 1 : i32
      %jit3A_336 = arith.constant 0 : i32
      %broadcast_in_dim3A_337 = vector.broadcast %jit3A_335 : i32 to vector<16xi32>
      %broadcast_in_dim3A_338 = vector.broadcast %jit3A_336 : i32 to vector<16xi32>
      %select_n3A_339 = arith.select %and3A_334, %broadcast_in_dim3A_337, %broadcast_in_dim3A_338 : vector<16xi1>, vector<16xi32>
      %broadcast_in_dim3A_340 = arith.constant true
      %broadcast_in_dim3A_341 = vector.broadcast %broadcast_in_dim3A_340 : i1 to vector<16xi1>
      %masked_cumsum3A_342 = tpu.scan <sum>, %select_n3A_339 masked %broadcast_in_dim3A_341 : vector<16xi32>, vector<16xi1> -> vector<16xi32>
      %sub3A_343 = arith.constant 1 : i32
      %sub3A_344 = vector.broadcast %sub3A_343 : i32 to vector<16xi32>
      %sub3A_345 = arith.subi %masked_cumsum3A_342, %sub3A_344 : vector<16xi32>
      %add3A_346 = vector.broadcast %add3A_283 : i32 to vector<16xi32>
      %add3A_347 = arith.addi %sub3A_345, %add3A_346 : vector<16xi32>
      tpu.vector_store_idx %arg8[%add3A_347], %select_n3A masked %ge3A_297 {add = true} : memref<48xi32, #tpu.memory_space<vmem>>[vector<16xi32>], vector<16xi32>, vector<16xi1>
      tpu.vector_store_idx %arg9[%add3A_347], %add3A_294 masked %and3A_334 : memref<48xi32, #tpu.memory_space<vmem>>[vector<16xi32>], vector<16xi32>, vector<16xi1>
      %reduce_max3A_348 = arith.constant true
      %reduce_max3A_349 = vector.broadcast %reduce_max3A_348 : i1 to vector<16xi1>
      %reduce_max3A_350 = arith.constant -2147483648 : i32
      %reduce_max3A_351 = vector.broadcast %reduce_max3A_350 : i32 to vector<16xi32>
      %reduce_max3A_352 = arith.xori %select_n3A_300, %reduce_max3A_351 : vector<16xi32>
      %reduce_max3A_353 = tpu.scan <max>, %reduce_max3A_352 masked %reduce_max3A_349 : vector<16xi32>, vector<16xi1> -> vector<16xi32>
      %reduce_max3A_354 = arith.xori %reduce_max3A_353, %reduce_max3A_351 : vector<16xi32>
      %reduce_max3A_355 = vector.extract %reduce_max3A_354[15] : i32 from vector<16xi32>
      %max3A_356 = arith.maxsi %max3A_274, %reduce_max3A_355 : i32
      %reduce_max3A_357 = arith.constant true
      %reduce_max3A_358 = vector.broadcast %reduce_max3A_357 : i1 to vector<16xi1>
      %reduce_max3A_359 = arith.constant -2147483648 : i32
      %reduce_max3A_360 = vector.broadcast %reduce_max3A_359 : i32 to vector<16xi32>
      %reduce_max3A_361 = arith.xori %masked_cumsum3A_342, %reduce_max3A_360 : vector<16xi32>
      %reduce_max3A_362 = tpu.scan <max>, %reduce_max3A_361 masked %reduce_max3A_358 : vector<16xi32>, vector<16xi1> -> vector<16xi32>
      %reduce_max3A_363 = arith.xori %reduce_max3A_362, %reduce_max3A_360 : vector<16xi32>
      %reduce_max3A_364 = vector.extract %reduce_max3A_363[15] : i32 from vector<16xi32>
      %add3A_365 = arith.addi %add3A_283, %reduce_max3A_364 : i32
      %reduce_max3A_366 = arith.constant true
      %reduce_max3A_367 = vector.broadcast %reduce_max3A_366 : i1 to vector<16xi1>
      %reduce_max3A_368 = tpu.scan <max>, %get3A_291 masked %reduce_max3A_367 : vector<16xf32>, vector<16xi1> -> vector<16xf32>
      %reduce_max3A_369 = vector.extract %reduce_max3A_368[15] : f32 from vector<16xf32>
      %max3A_370 = arith.maximumf %max3A_288, %reduce_max3A_369 : f32
      %get3A_371 = arith.index_cast %scan3A_30 : i32 to index
      %get3A_372 = arith.constant 64 : index
      %get3A_373 = tpu.vector_load %arg6[%get3A_371, %get3A_372] {strides = array<i32>} : memref<64x256xf32, #tpu.memory_space<vmem>>, vector<16xf32>,
      %add3A_374 = arith.constant 64 : i32
      %add3A_375 = vector.broadcast %add3A_374 : i32 to vector<16xi32>
      %add3A_376 = arith.addi %iota3A, %add3A_375 : vector<16xi32>
      %ge3A_377 = arith.constant 0.000000e+00 : f32
      %ge3A_378 = vector.broadcast %ge3A_377 : f32 to vector<16xf32>
      %ge3A_379 = arith.cmpf oge, %get3A_373, %ge3A_378 : vector<16xf32>
      %jit3A_380 = arith.constant -1 : i32
      %broadcast_in_dim3A_381 = vector.broadcast %jit3A_380 : i32 to vector<16xi32>
      %select_n3A_382 = arith.select %ge3A_379, %add3A_376, %broadcast_in_dim3A_381 : vector<16xi1>, vector<16xi32>
      %broadcast_in_dim3A_383 = arith.constant true
      %broadcast_in_dim3A_384 = vector.broadcast %broadcast_in_dim3A_383 : i1 to vector<16xi1>
      %masked_cummax3A_385 = arith.constant -2147483648 : i32
      %masked_cummax3A_386 = vector.broadcast %masked_cummax3A_385 : i32 to vector<16xi32>
      %masked_cummax3A_387 = arith.xori %select_n3A_382, %masked_cummax3A_386 : vector<16xi32>
      %masked_cummax3A_388 = tpu.scan <max>, %masked_cummax3A_387 masked %broadcast_in_dim3A_384 : vector<16xi32>, vector<16xi1> -> vector<16xi32>
      %masked_cummax3A_389 = arith.xori %masked_cummax3A_388, %masked_cummax3A_386 : vector<16xi32>
      %lt3A_390 = arith.constant 0 : i32
      %lt3A_391 = vector.broadcast %lt3A_390 : i32 to vector<16xi32>
      %lt3A_392 = arith.cmpi slt, %max3A_4, %lt3A_391 : vector<16xi32>
      %add3A_393 = arith.constant 16 : i32
      %add3A_394 = vector.broadcast %add3A_393 : i32 to vector<16xi32>
      %add3A_395 = arith.addi %max3A_4, %add3A_394 : vector<16xi32>
      %select_n3A_396 = arith.select %lt3A_392, %add3A_395, %max3A_4 : vector<16xi1>, vector<16xi32>
      %reshape3A_397 = vector.shape_cast %select_n3A_396 : vector<16xi32> to vector<16x1xi32>
      %gather3A_398 = vector.shape_cast %reshape3A_397 : vector<16x1xi32> to vector<16xi32>
      %gather3A_399 = tpu.dynamic_gather %masked_cummax3A_389[%gather3A_398] in [0] : vector<16xi32>, vector<16xi32> -> vector<16xi32>
      %ge3A_400 = arith.constant 1 : i32
      %ge3A_401 = vector.broadcast %ge3A_400 : i32 to vector<16xi32>
      %ge3A_402 = arith.cmpi sge, %iota3A, %ge3A_401 : vector<16xi32>
      %jit3A_403 = arith.constant -1 : i32
      %broadcast_in_dim3A_404 = vector.broadcast %jit3A_403 : i32 to vector<16xi32>
      %select_n3A_405 = arith.select %ge3A_402, %gather3A_399, %broadcast_in_dim3A_404 : vector<16xi1>, vector<16xi32>
      %max3A_406 = vector.broadcast %max3A_356 : i32 to vector<16xi32>
      %max3A_407 = arith.maxsi %select_n3A_405, %max3A_406 : vector<16xi32>
      %lt3A_408 = arith.constant 0 : i32
      %lt3A_409 = vector.broadcast %lt3A_408 : i32 to vector<16xi32>
      %lt3A_410 = arith.cmpi slt, %max3A_407, %lt3A_409 : vector<16xi32>
      %sub3A_411 = arith.subi %add3A_376, %max3A_407 : vector<16xi32>
      %gt3A_412 = arith.constant 5 : i32
      %gt3A_413 = vector.broadcast %gt3A_412 : i32 to vector<16xi32>
      %gt3A_414 = arith.cmpi sgt, %sub3A_411, %gt3A_413 : vector<16xi32>
      %or3A_415 = arith.ori %lt3A_410, %gt3A_414 : vector<16xi1>
      %and3A_416 = arith.andi %ge3A_379, %or3A_415 : vector<16xi1>
      %jit3A_417 = arith.constant 1 : i32
      %jit3A_418 = arith.constant 0 : i32
      %broadcast_in_dim3A_419 = vector.broadcast %jit3A_417 : i32 to vector<16xi32>
      %broadcast_in_dim3A_420 = vector.broadcast %jit3A_418 : i32 to vector<16xi32>
      %select_n3A_421 = arith.select %and3A_416, %broadcast_in_dim3A_419, %broadcast_in_dim3A_420 : vector<16xi1>, vector<16xi32>
      %broadcast_in_dim3A_422 = arith.constant true
      %broadcast_in_dim3A_423 = vector.broadcast %broadcast_in_dim3A_422 : i1 to vector<16xi1>
      %masked_cumsum3A_424 = tpu.scan <sum>, %select_n3A_421 masked %broadcast_in_dim3A_423 : vector<16xi32>, vector<16xi1> -> vector<16xi32>
      %sub3A_425 = arith.constant 1 : i32
      %sub3A_426 = vector.broadcast %sub3A_425 : i32 to vector<16xi32>
      %sub3A_427 = arith.subi %masked_cumsum3A_424, %sub3A_426 : vector<16xi32>
      %add3A_428 = vector.broadcast %add3A_365 : i32 to vector<16xi32>
      %add3A_429 = arith.addi %sub3A_427, %add3A_428 : vector<16xi32>
      tpu.vector_store_idx %arg8[%add3A_429], %select_n3A masked %ge3A_379 {add = true} : memref<48xi32, #tpu.memory_space<vmem>>[vector<16xi32>], vector<16xi32>, vector<16xi1>
      tpu.vector_store_idx %arg9[%add3A_429], %add3A_376 masked %and3A_416 : memref<48xi32, #tpu.memory_space<vmem>>[vector<16xi32>], vector<16xi32>, vector<16xi1>
      %reduce_max3A_430 = arith.constant true
      %reduce_max3A_431 = vector.broadcast %reduce_max3A_430 : i1 to vector<16xi1>
      %reduce_max3A_432 = arith.constant -2147483648 : i32
      %reduce_max3A_433 = vector.broadcast %reduce_max3A_432 : i32 to vector<16xi32>
      %reduce_max3A_434 = arith.xori %select_n3A_382, %reduce_max3A_433 : vector<16xi32>
      %reduce_max3A_435 = tpu.scan <max>, %reduce_max3A_434 masked %reduce_max3A_431 : vector<16xi32>, vector<16xi1> -> vector<16xi32>
      %reduce_max3A_436 = arith.xori %reduce_max3A_435, %reduce_max3A_433 : vector<16xi32>
      %reduce_max3A_437 = vector.extract %reduce_max3A_436[15] : i32 from vector<16xi32>
      %max3A_438 = arith.maxsi %max3A_356, %reduce_max3A_437 : i32
      %reduce_max3A_439 = arith.constant true
      %reduce_max3A_440 = vector.broadcast %reduce_max3A_439 : i1 to vector<16xi1>
      %reduce_max3A_441 = arith.constant -2147483648 : i32
      %reduce_max3A_442 = vector.broadcast %reduce_max3A_441 : i32 to vector<16xi32>
      %reduce_max3A_443 = arith.xori %masked_cumsum3A_424, %reduce_max3A_442 : vector<16xi32>
      %reduce_max3A_444 = tpu.scan <max>, %reduce_max3A_443 masked %reduce_max3A_440 : vector<16xi32>, vector<16xi1> -> vector<16xi32>
      %reduce_max3A_445 = arith.xori %reduce_max3A_444, %reduce_max3A_442 : vector<16xi32>
      %reduce_max3A_446 = vector.extract %reduce_max3A_445[15] : i32 from vector<16xi32>
      %add3A_447 = arith.addi %add3A_365, %reduce_max3A_446 : i32
      %reduce_max3A_448 = arith.constant true
      %reduce_max3A_449 = vector.broadcast %reduce_max3A_448 : i1 to vector<16xi1>
      %reduce_max3A_450 = tpu.scan <max>, %get3A_373 masked %reduce_max3A_449 : vector<16xf32>, vector<16xi1> -> vector<16xf32>
      %reduce_max3A_451 = vector.extract %reduce_max3A_450[15] : f32 from vector<16xf32>
      %max3A_452 = arith.maximumf %max3A_370, %reduce_max3A_451 : f32
      %get3A_453 = arith.index_cast %scan3A_30 : i32 to index
      %get3A_454 = arith.constant 80 : index
      %get3A_455 = tpu.vector_load %arg6[%get3A_453, %get3A_454] {strides = array<i32>} : memref<64x256xf32, #tpu.memory_space<vmem>>, vector<16xf32>,
      %add3A_456 = arith.constant 80 : i32
      %add3A_457 = vector.broadcast %add3A_456 : i32 to vector<16xi32>
      %add3A_458 = arith.addi %iota3A, %add3A_457 : vector<16xi32>
      %ge3A_459 = arith.constant 0.000000e+00 : f32
      %ge3A_460 = vector.broadcast %ge3A_459 : f32 to vector<16xf32>
      %ge3A_461 = arith.cmpf oge, %get3A_455, %ge3A_460 : vector<16xf32>
      %jit3A_462 = arith.constant -1 : i32
      %broadcast_in_dim3A_463 = vector.broadcast %jit3A_462 : i32 to vector<16xi32>
      %select_n3A_464 = arith.select %ge3A_461, %add3A_458, %broadcast_in_dim3A_463 : vector<16xi1>, vector<16xi32>
      %broadcast_in_dim3A_465 = arith.constant true
      %broadcast_in_dim3A_466 = vector.broadcast %broadcast_in_dim3A_465 : i1 to vector<16xi1>
      %masked_cummax3A_467 = arith.constant -2147483648 : i32
      %masked_cummax3A_468 = vector.broadcast %masked_cummax3A_467 : i32 to vector<16xi32>
      %masked_cummax3A_469 = arith.xori %select_n3A_464, %masked_cummax3A_468 : vector<16xi32>
      %masked_cummax3A_470 = tpu.scan <max>, %masked_cummax3A_469 masked %broadcast_in_dim3A_466 : vector<16xi32>, vector<16xi1> -> vector<16xi32>
      %masked_cummax3A_471 = arith.xori %masked_cummax3A_470, %masked_cummax3A_468 : vector<16xi32>
      %lt3A_472 = arith.constant 0 : i32
      %lt3A_473 = vector.broadcast %lt3A_472 : i32 to vector<16xi32>
      %lt3A_474 = arith.cmpi slt, %max3A_4, %lt3A_473 : vector<16xi32>
      %add3A_475 = arith.constant 16 : i32
      %add3A_476 = vector.broadcast %add3A_475 : i32 to vector<16xi32>
      %add3A_477 = arith.addi %max3A_4, %add3A_476 : vector<16xi32>
      %select_n3A_478 = arith.select %lt3A_474, %add3A_477, %max3A_4 : vector<16xi1>, vector<16xi32>
      %reshape3A_479 = vector.shape_cast %select_n3A_478 : vector<16xi32> to vector<16x1xi32>
      %gather3A_480 = vector.shape_cast %reshape3A_479 : vector<16x1xi32> to vector<16xi32>
      %gather3A_481 = tpu.dynamic_gather %masked_cummax3A_471[%gather3A_480] in [0] : vector<16xi32>, vector<16xi32> -> vector<16xi32>
      %ge3A_482 = arith.constant 1 : i32
      %ge3A_483 = vector.broadcast %ge3A_482 : i32 to vector<16xi32>
      %ge3A_484 = arith.cmpi sge, %iota3A, %ge3A_483 : vector<16xi32>
      %jit3A_485 = arith.constant -1 : i32
      %broadcast_in_dim3A_486 = vector.broadcast %jit3A_485 : i32 to vector<16xi32>
      %select_n3A_487 = arith.select %ge3A_484, %gather3A_481, %broadcast_in_dim3A_486 : vector<16xi1>, vector<16xi32>
      %max3A_488 = vector.broadcast %max3A_438 : i32 to vector<16xi32>
      %max3A_489 = arith.maxsi %select_n3A_487, %max3A_488 : vector<16xi32>
      %lt3A_490 = arith.constant 0 : i32
      %lt3A_491 = vector.broadcast %lt3A_490 : i32 to vector<16xi32>
      %lt3A_492 = arith.cmpi slt, %max3A_489, %lt3A_491 : vector<16xi32>
      %sub3A_493 = arith.subi %add3A_458, %max3A_489 : vector<16xi32>
      %gt3A_494 = arith.constant 5 : i32
      %gt3A_495 = vector.broadcast %gt3A_494 : i32 to vector<16xi32>
      %gt3A_496 = arith.cmpi sgt, %sub3A_493, %gt3A_495 : vector<16xi32>
      %or3A_497 = arith.ori %lt3A_492, %gt3A_496 : vector<16xi1>
      %and3A_498 = arith.andi %ge3A_461, %or3A_497 : vector<16xi1>
      %jit3A_499 = arith.constant 1 : i32
      %jit3A_500 = arith.constant 0 : i32
      %broadcast_in_dim3A_501 = vector.broadcast %jit3A_499 : i32 to vector<16xi32>
      %broadcast_in_dim3A_502 = vector.broadcast %jit3A_500 : i32 to vector<16xi32>
      %select_n3A_503 = arith.select %and3A_498, %broadcast_in_dim3A_501, %broadcast_in_dim3A_502 : vector<16xi1>, vector<16xi32>
      %broadcast_in_dim3A_504 = arith.constant true
      %broadcast_in_dim3A_505 = vector.broadcast %broadcast_in_dim3A_504 : i1 to vector<16xi1>
      %masked_cumsum3A_506 = tpu.scan <sum>, %select_n3A_503 masked %broadcast_in_dim3A_505 : vector<16xi32>, vector<16xi1> -> vector<16xi32>
      %sub3A_507 = arith.constant 1 : i32
      %sub3A_508 = vector.broadcast %sub3A_507 : i32 to vector<16xi32>
      %sub3A_509 = arith.subi %masked_cumsum3A_506, %sub3A_508 : vector<16xi32>
      %add3A_510 = vector.broadcast %add3A_447 : i32 to vector<16xi32>
      %add3A_511 = arith.addi %sub3A_509, %add3A_510 : vector<16xi32>
      tpu.vector_store_idx %arg8[%add3A_511], %select_n3A masked %ge3A_461 {add = true} : memref<48xi32, #tpu.memory_space<vmem>>[vector<16xi32>], vector<16xi32>, vector<16xi1>
      tpu.vector_store_idx %arg9[%add3A_511], %add3A_458 masked %and3A_498 : memref<48xi32, #tpu.memory_space<vmem>>[vector<16xi32>], vector<16xi32>, vector<16xi1>
      %reduce_max3A_512 = arith.constant true
      %reduce_max3A_513 = vector.broadcast %reduce_max3A_512 : i1 to vector<16xi1>
      %reduce_max3A_514 = arith.constant -2147483648 : i32
      %reduce_max3A_515 = vector.broadcast %reduce_max3A_514 : i32 to vector<16xi32>
      %reduce_max3A_516 = arith.xori %select_n3A_464, %reduce_max3A_515 : vector<16xi32>
      %reduce_max3A_517 = tpu.scan <max>, %reduce_max3A_516 masked %reduce_max3A_513 : vector<16xi32>, vector<16xi1> -> vector<16xi32>
      %reduce_max3A_518 = arith.xori %reduce_max3A_517, %reduce_max3A_515 : vector<16xi32>
      %reduce_max3A_519 = vector.extract %reduce_max3A_518[15] : i32 from vector<16xi32>
      %max3A_520 = arith.maxsi %max3A_438, %reduce_max3A_519 : i32
      %reduce_max3A_521 = arith.constant true
      %reduce_max3A_522 = vector.broadcast %reduce_max3A_521 : i1 to vector<16xi1>
      %reduce_max3A_523 = arith.constant -2147483648 : i32
      %reduce_max3A_524 = vector.broadcast %reduce_max3A_523 : i32 to vector<16xi32>
      %reduce_max3A_525 = arith.xori %masked_cumsum3A_506, %reduce_max3A_524 : vector<16xi32>
      %reduce_max3A_526 = tpu.scan <max>, %reduce_max3A_525 masked %reduce_max3A_522 : vector<16xi32>, vector<16xi1> -> vector<16xi32>
      %reduce_max3A_527 = arith.xori %reduce_max3A_526, %reduce_max3A_524 : vector<16xi32>
      %reduce_max3A_528 = vector.extract %reduce_max3A_527[15] : i32 from vector<16xi32>
      %add3A_529 = arith.addi %add3A_447, %reduce_max3A_528 : i32
      %reduce_max3A_530 = arith.constant true
      %reduce_max3A_531 = vector.broadcast %reduce_max3A_530 : i1 to vector<16xi1>
      %reduce_max3A_532 = tpu.scan <max>, %get3A_455 masked %reduce_max3A_531 : vector<16xf32>, vector<16xi1> -> vector<16xf32>
      %reduce_max3A_533 = vector.extract %reduce_max3A_532[15] : f32 from vector<16xf32>
      %max3A_534 = arith.maximumf %max3A_452, %reduce_max3A_533 : f32
      %get3A_535 = arith.index_cast %scan3A_30 : i32 to index
      %get3A_536 = arith.constant 96 : index
      %get3A_537 = tpu.vector_load %arg6[%get3A_535, %get3A_536] {strides = array<i32>} : memref<64x256xf32, #tpu.memory_space<vmem>>, vector<16xf32>,
      %add3A_538 = arith.constant 96 : i32
      %add3A_539 = vector.broadcast %add3A_538 : i32 to vector<16xi32>
      %add3A_540 = arith.addi %iota3A, %add3A_539 : vector<16xi32>
      %ge3A_541 = arith.constant 0.000000e+00 : f32
      %ge3A_542 = vector.broadcast %ge3A_541 : f32 to vector<16xf32>
      %ge3A_543 = arith.cmpf oge, %get3A_537, %ge3A_542 : vector<16xf32>
      %jit3A_544 = arith.constant -1 : i32
      %broadcast_in_dim3A_545 = vector.broadcast %jit3A_544 : i32 to vector<16xi32>
      %select_n3A_546 = arith.select %ge3A_543, %add3A_540, %broadcast_in_dim3A_545 : vector<16xi1>, vector<16xi32>
      %broadcast_in_dim3A_547 = arith.constant true
      %broadcast_in_dim3A_548 = vector.broadcast %broadcast_in_dim3A_547 : i1 to vector<16xi1>
      %masked_cummax3A_549 = arith.constant -2147483648 : i32
      %masked_cummax3A_550 = vector.broadcast %masked_cummax3A_549 : i32 to vector<16xi32>
      %masked_cummax3A_551 = arith.xori %select_n3A_546, %masked_cummax3A_550 : vector<16xi32>
      %masked_cummax3A_552 = tpu.scan <max>, %masked_cummax3A_551 masked %broadcast_in_dim3A_548 : vector<16xi32>, vector<16xi1> -> vector<16xi32>
      %masked_cummax3A_553 = arith.xori %masked_cummax3A_552, %masked_cummax3A_550 : vector<16xi32>
      %lt3A_554 = arith.constant 0 : i32
      %lt3A_555 = vector.broadcast %lt3A_554 : i32 to vector<16xi32>
      %lt3A_556 = arith.cmpi slt, %max3A_4, %lt3A_555 : vector<16xi32>
      %add3A_557 = arith.constant 16 : i32
      %add3A_558 = vector.broadcast %add3A_557 : i32 to vector<16xi32>
      %add3A_559 = arith.addi %max3A_4, %add3A_558 : vector<16xi32>
      %select_n3A_560 = arith.select %lt3A_556, %add3A_559, %max3A_4 : vector<16xi1>, vector<16xi32>
      %reshape3A_561 = vector.shape_cast %select_n3A_560 : vector<16xi32> to vector<16x1xi32>
      %gather3A_562 = vector.shape_cast %reshape3A_561 : vector<16x1xi32> to vector<16xi32>
      %gather3A_563 = tpu.dynamic_gather %masked_cummax3A_553[%gather3A_562] in [0] : vector<16xi32>, vector<16xi32> -> vector<16xi32>
      %ge3A_564 = arith.constant 1 : i32
      %ge3A_565 = vector.broadcast %ge3A_564 : i32 to vector<16xi32>
      %ge3A_566 = arith.cmpi sge, %iota3A, %ge3A_565 : vector<16xi32>
      %jit3A_567 = arith.constant -1 : i32
      %broadcast_in_dim3A_568 = vector.broadcast %jit3A_567 : i32 to vector<16xi32>
      %select_n3A_569 = arith.select %ge3A_566, %gather3A_563, %broadcast_in_dim3A_568 : vector<16xi1>, vector<16xi32>
      %max3A_570 = vector.broadcast %max3A_520 : i32 to vector<16xi32>
      %max3A_571 = arith.maxsi %select_n3A_569, %max3A_570 : vector<16xi32>
      %lt3A_572 = arith.constant 0 : i32
      %lt3A_573 = vector.broadcast %lt3A_572 : i32 to vector<16xi32>
      %lt3A_574 = arith.cmpi slt, %max3A_571, %lt3A_573 : vector<16xi32>
      %sub3A_575 = arith.subi %add3A_540, %max3A_571 : vector<16xi32>
      %gt3A_576 = arith.constant 5 : i32
      %gt3A_577 = vector.broadcast %gt3A_576 : i32 to vector<16xi32>
      %gt3A_578 = arith.cmpi sgt, %sub3A_575, %gt3A_577 : vector<16xi32>
      %or3A_579 = arith.ori %lt3A_574, %gt3A_578 : vector<16xi1>
      %and3A_580 = arith.andi %ge3A_543, %or3A_579 : vector<16xi1>
      %jit3A_581 = arith.constant 1 : i32
      %jit3A_582 = arith.constant 0 : i32
      %broadcast_in_dim3A_583 = vector.broadcast %jit3A_581 : i32 to vector<16xi32>
      %broadcast_in_dim3A_584 = vector.broadcast %jit3A_582 : i32 to vector<16xi32>
      %select_n3A_585 = arith.select %and3A_580, %broadcast_in_dim3A_583, %broadcast_in_dim3A_584 : vector<16xi1>, vector<16xi32>
      %broadcast_in_dim3A_586 = arith.constant true
      %broadcast_in_dim3A_587 = vector.broadcast %broadcast_in_dim3A_586 : i1 to vector<16xi1>
      %masked_cumsum3A_588 = tpu.scan <sum>, %select_n3A_585 masked %broadcast_in_dim3A_587 : vector<16xi32>, vector<16xi1> -> vector<16xi32>
      %sub3A_589 = arith.constant 1 : i32
      %sub3A_590 = vector.broadcast %sub3A_589 : i32 to vector<16xi32>
      %sub3A_591 = arith.subi %masked_cumsum3A_588, %sub3A_590 : vector<16xi32>
      %add3A_592 = vector.broadcast %add3A_529 : i32 to vector<16xi32>
      %add3A_593 = arith.addi %sub3A_591, %add3A_592 : vector<16xi32>
      tpu.vector_store_idx %arg8[%add3A_593], %select_n3A masked %ge3A_543 {add = true} : memref<48xi32, #tpu.memory_space<vmem>>[vector<16xi32>], vector<16xi32>, vector<16xi1>
      tpu.vector_store_idx %arg9[%add3A_593], %add3A_540 masked %and3A_580 : memref<48xi32, #tpu.memory_space<vmem>>[vector<16xi32>], vector<16xi32>, vector<16xi1>
      %reduce_max3A_594 = arith.constant true
      %reduce_max3A_595 = vector.broadcast %reduce_max3A_594 : i1 to vector<16xi1>
      %reduce_max3A_596 = arith.constant -2147483648 : i32
      %reduce_max3A_597 = vector.broadcast %reduce_max3A_596 : i32 to vector<16xi32>
      %reduce_max3A_598 = arith.xori %select_n3A_546, %reduce_max3A_597 : vector<16xi32>
      %reduce_max3A_599 = tpu.scan <max>, %reduce_max3A_598 masked %reduce_max3A_595 : vector<16xi32>, vector<16xi1> -> vector<16xi32>
      %reduce_max3A_600 = arith.xori %reduce_max3A_599, %reduce_max3A_597 : vector<16xi32>
      %reduce_max3A_601 = vector.extract %reduce_max3A_600[15] : i32 from vector<16xi32>
      %max3A_602 = arith.maxsi %max3A_520, %reduce_max3A_601 : i32
      %reduce_max3A_603 = arith.constant true
      %reduce_max3A_604 = vector.broadcast %reduce_max3A_603 : i1 to vector<16xi1>
      %reduce_max3A_605 = arith.constant -2147483648 : i32
      %reduce_max3A_606 = vector.broadcast %reduce_max3A_605 : i32 to vector<16xi32>
      %reduce_max3A_607 = arith.xori %masked_cumsum3A_588, %reduce_max3A_606 : vector<16xi32>
      %reduce_max3A_608 = tpu.scan <max>, %reduce_max3A_607 masked %reduce_max3A_604 : vector<16xi32>, vector<16xi1> -> vector<16xi32>
      %reduce_max3A_609 = arith.xori %reduce_max3A_608, %reduce_max3A_606 : vector<16xi32>
      %reduce_max3A_610 = vector.extract %reduce_max3A_609[15] : i32 from vector<16xi32>
      %add3A_611 = arith.addi %add3A_529, %reduce_max3A_610 : i32
      %reduce_max3A_612 = arith.constant true
      %reduce_max3A_613 = vector.broadcast %reduce_max3A_612 : i1 to vector<16xi1>
      %reduce_max3A_614 = tpu.scan <max>, %get3A_537 masked %reduce_max3A_613 : vector<16xf32>, vector<16xi1> -> vector<16xf32>
      %reduce_max3A_615 = vector.extract %reduce_max3A_614[15] : f32 from vector<16xf32>
      %max3A_616 = arith.maximumf %max3A_534, %reduce_max3A_615 : f32
      %get3A_617 = arith.index_cast %scan3A_30 : i32 to index
      %get3A_618 = arith.constant 112 : index
      %get3A_619 = tpu.vector_load %arg6[%get3A_617, %get3A_618] {strides = array<i32>} : memref<64x256xf32, #tpu.memory_space<vmem>>, vector<16xf32>,
      %add3A_620 = arith.constant 112 : i32
      %add3A_621 = vector.broadcast %add3A_620 : i32 to vector<16xi32>
      %add3A_622 = arith.addi %iota3A, %add3A_621 : vector<16xi32>
      %ge3A_623 = arith.constant 0.000000e+00 : f32
      %ge3A_624 = vector.broadcast %ge3A_623 : f32 to vector<16xf32>
      %ge3A_625 = arith.cmpf oge, %get3A_619, %ge3A_624 : vector<16xf32>
      %jit3A_626 = arith.constant -1 : i32
      %broadcast_in_dim3A_627 = vector.broadcast %jit3A_626 : i32 to vector<16xi32>
      %select_n3A_628 = arith.select %ge3A_625, %add3A_622, %broadcast_in_dim3A_627 : vector<16xi1>, vector<16xi32>
      %broadcast_in_dim3A_629 = arith.constant true
      %broadcast_in_dim3A_630 = vector.broadcast %broadcast_in_dim3A_629 : i1 to vector<16xi1>
      %masked_cummax3A_631 = arith.constant -2147483648 : i32
      %masked_cummax3A_632 = vector.broadcast %masked_cummax3A_631 : i32 to vector<16xi32>
      %masked_cummax3A_633 = arith.xori %select_n3A_628, %masked_cummax3A_632 : vector<16xi32>
      %masked_cummax3A_634 = tpu.scan <max>, %masked_cummax3A_633 masked %broadcast_in_dim3A_630 : vector<16xi32>, vector<16xi1> -> vector<16xi32>
      %masked_cummax3A_635 = arith.xori %masked_cummax3A_634, %masked_cummax3A_632 : vector<16xi32>
      %lt3A_636 = arith.constant 0 : i32
      %lt3A_637 = vector.broadcast %lt3A_636 : i32 to vector<16xi32>
      %lt3A_638 = arith.cmpi slt, %max3A_4, %lt3A_637 : vector<16xi32>
      %add3A_639 = arith.constant 16 : i32
      %add3A_640 = vector.broadcast %add3A_639 : i32 to vector<16xi32>
      %add3A_641 = arith.addi %max3A_4, %add3A_640 : vector<16xi32>
      %select_n3A_642 = arith.select %lt3A_638, %add3A_641, %max3A_4 : vector<16xi1>, vector<16xi32>
      %reshape3A_643 = vector.shape_cast %select_n3A_642 : vector<16xi32> to vector<16x1xi32>
      %gather3A_644 = vector.shape_cast %reshape3A_643 : vector<16x1xi32> to vector<16xi32>
      %gather3A_645 = tpu.dynamic_gather %masked_cummax3A_635[%gather3A_644] in [0] : vector<16xi32>, vector<16xi32> -> vector<16xi32>
      %ge3A_646 = arith.constant 1 : i32
      %ge3A_647 = vector.broadcast %ge3A_646 : i32 to vector<16xi32>
      %ge3A_648 = arith.cmpi sge, %iota3A, %ge3A_647 : vector<16xi32>
      %jit3A_649 = arith.constant -1 : i32
      %broadcast_in_dim3A_650 = vector.broadcast %jit3A_649 : i32 to vector<16xi32>
      %select_n3A_651 = arith.select %ge3A_648, %gather3A_645, %broadcast_in_dim3A_650 : vector<16xi1>, vector<16xi32>
      %max3A_652 = vector.broadcast %max3A_602 : i32 to vector<16xi32>
      %max3A_653 = arith.maxsi %select_n3A_651, %max3A_652 : vector<16xi32>
      %lt3A_654 = arith.constant 0 : i32
      %lt3A_655 = vector.broadcast %lt3A_654 : i32 to vector<16xi32>
      %lt3A_656 = arith.cmpi slt, %max3A_653, %lt3A_655 : vector<16xi32>
      %sub3A_657 = arith.subi %add3A_622, %max3A_653 : vector<16xi32>
      %gt3A_658 = arith.constant 5 : i32
      %gt3A_659 = vector.broadcast %gt3A_658 : i32 to vector<16xi32>
      %gt3A_660 = arith.cmpi sgt, %sub3A_657, %gt3A_659 : vector<16xi32>
      %or3A_661 = arith.ori %lt3A_656, %gt3A_660 : vector<16xi1>
      %and3A_662 = arith.andi %ge3A_625, %or3A_661 : vector<16xi1>
      %jit3A_663 = arith.constant 1 : i32
      %jit3A_664 = arith.constant 0 : i32
      %broadcast_in_dim3A_665 = vector.broadcast %jit3A_663 : i32 to vector<16xi32>
      %broadcast_in_dim3A_666 = vector.broadcast %jit3A_664 : i32 to vector<16xi32>
      %select_n3A_667 = arith.select %and3A_662, %broadcast_in_dim3A_665, %broadcast_in_dim3A_666 : vector<16xi1>, vector<16xi32>
      %broadcast_in_dim3A_668 = arith.constant true
      %broadcast_in_dim3A_669 = vector.broadcast %broadcast_in_dim3A_668 : i1 to vector<16xi1>
      %masked_cumsum3A_670 = tpu.scan <sum>, %select_n3A_667 masked %broadcast_in_dim3A_669 : vector<16xi32>, vector<16xi1> -> vector<16xi32>
      %sub3A_671 = arith.constant 1 : i32
      %sub3A_672 = vector.broadcast %sub3A_671 : i32 to vector<16xi32>
      %sub3A_673 = arith.subi %masked_cumsum3A_670, %sub3A_672 : vector<16xi32>
      %add3A_674 = vector.broadcast %add3A_611 : i32 to vector<16xi32>
      %add3A_675 = arith.addi %sub3A_673, %add3A_674 : vector<16xi32>
      tpu.vector_store_idx %arg8[%add3A_675], %select_n3A masked %ge3A_625 {add = true} : memref<48xi32, #tpu.memory_space<vmem>>[vector<16xi32>], vector<16xi32>, vector<16xi1>
      tpu.vector_store_idx %arg9[%add3A_675], %add3A_622 masked %and3A_662 : memref<48xi32, #tpu.memory_space<vmem>>[vector<16xi32>], vector<16xi32>, vector<16xi1>
      %reduce_max3A_676 = arith.constant true
      %reduce_max3A_677 = vector.broadcast %reduce_max3A_676 : i1 to vector<16xi1>
      %reduce_max3A_678 = arith.constant -2147483648 : i32
      %reduce_max3A_679 = vector.broadcast %reduce_max3A_678 : i32 to vector<16xi32>
      %reduce_max3A_680 = arith.xori %select_n3A_628, %reduce_max3A_679 : vector<16xi32>
      %reduce_max3A_681 = tpu.scan <max>, %reduce_max3A_680 masked %reduce_max3A_677 : vector<16xi32>, vector<16xi1> -> vector<16xi32>
      %reduce_max3A_682 = arith.xori %reduce_max3A_681, %reduce_max3A_679 : vector<16xi32>
      %reduce_max3A_683 = vector.extract %reduce_max3A_682[15] : i32 from vector<16xi32>
      %max3A_684 = arith.maxsi %max3A_602, %reduce_max3A_683 : i32
      %reduce_max3A_685 = arith.constant true
      %reduce_max3A_686 = vector.broadcast %reduce_max3A_685 : i1 to vector<16xi1>
      %reduce_max3A_687 = arith.constant -2147483648 : i32
      %reduce_max3A_688 = vector.broadcast %reduce_max3A_687 : i32 to vector<16xi32>
      %reduce_max3A_689 = arith.xori %masked_cumsum3A_670, %reduce_max3A_688 : vector<16xi32>
      %reduce_max3A_690 = tpu.scan <max>, %reduce_max3A_689 masked %reduce_max3A_686 : vector<16xi32>, vector<16xi1> -> vector<16xi32>
      %reduce_max3A_691 = arith.xori %reduce_max3A_690, %reduce_max3A_688 : vector<16xi32>
      %reduce_max3A_692 = vector.extract %reduce_max3A_691[15] : i32 from vector<16xi32>
      %add3A_693 = arith.addi %add3A_611, %reduce_max3A_692 : i32
      %reduce_max3A_694 = arith.constant true
      %reduce_max3A_695 = vector.broadcast %reduce_max3A_694 : i1 to vector<16xi1>
      %reduce_max3A_696 = tpu.scan <max>, %get3A_619 masked %reduce_max3A_695 : vector<16xf32>, vector<16xi1> -> vector<16xf32>
      %reduce_max3A_697 = vector.extract %reduce_max3A_696[15] : f32 from vector<16xf32>
      %max3A_698 = arith.maximumf %max3A_616, %reduce_max3A_697 : f32
      %get3A_699 = arith.index_cast %scan3A_30 : i32 to index
      %get3A_700 = arith.constant 128 : index
      %get3A_701 = tpu.vector_load %arg6[%get3A_699, %get3A_700] {strides = array<i32>} : memref<64x256xf32, #tpu.memory_space<vmem>>, vector<16xf32>,
      %add3A_702 = arith.constant 128 : i32
      %add3A_703 = vector.broadcast %add3A_702 : i32 to vector<16xi32>
      %add3A_704 = arith.addi %iota3A, %add3A_703 : vector<16xi32>
      %ge3A_705 = arith.constant 0.000000e+00 : f32
      %ge3A_706 = vector.broadcast %ge3A_705 : f32 to vector<16xf32>
      %ge3A_707 = arith.cmpf oge, %get3A_701, %ge3A_706 : vector<16xf32>
      %jit3A_708 = arith.constant -1 : i32
      %broadcast_in_dim3A_709 = vector.broadcast %jit3A_708 : i32 to vector<16xi32>
      %select_n3A_710 = arith.select %ge3A_707, %add3A_704, %broadcast_in_dim3A_709 : vector<16xi1>, vector<16xi32>
      %broadcast_in_dim3A_711 = arith.constant true
      %broadcast_in_dim3A_712 = vector.broadcast %broadcast_in_dim3A_711 : i1 to vector<16xi1>
      %masked_cummax3A_713 = arith.constant -2147483648 : i32
      %masked_cummax3A_714 = vector.broadcast %masked_cummax3A_713 : i32 to vector<16xi32>
      %masked_cummax3A_715 = arith.xori %select_n3A_710, %masked_cummax3A_714 : vector<16xi32>
      %masked_cummax3A_716 = tpu.scan <max>, %masked_cummax3A_715 masked %broadcast_in_dim3A_712 : vector<16xi32>, vector<16xi1> -> vector<16xi32>
      %masked_cummax3A_717 = arith.xori %masked_cummax3A_716, %masked_cummax3A_714 : vector<16xi32>
      %lt3A_718 = arith.constant 0 : i32
      %lt3A_719 = vector.broadcast %lt3A_718 : i32 to vector<16xi32>
      %lt3A_720 = arith.cmpi slt, %max3A_4, %lt3A_719 : vector<16xi32>
      %add3A_721 = arith.constant 16 : i32
      %add3A_722 = vector.broadcast %add3A_721 : i32 to vector<16xi32>
      %add3A_723 = arith.addi %max3A_4, %add3A_722 : vector<16xi32>
      %select_n3A_724 = arith.select %lt3A_720, %add3A_723, %max3A_4 : vector<16xi1>, vector<16xi32>
      %reshape3A_725 = vector.shape_cast %select_n3A_724 : vector<16xi32> to vector<16x1xi32>
      %gather3A_726 = vector.shape_cast %reshape3A_725 : vector<16x1xi32> to vector<16xi32>
      %gather3A_727 = tpu.dynamic_gather %masked_cummax3A_717[%gather3A_726] in [0] : vector<16xi32>, vector<16xi32> -> vector<16xi32>
      %ge3A_728 = arith.constant 1 : i32
      %ge3A_729 = vector.broadcast %ge3A_728 : i32 to vector<16xi32>
      %ge3A_730 = arith.cmpi sge, %iota3A, %ge3A_729 : vector<16xi32>
      %jit3A_731 = arith.constant -1 : i32
      %broadcast_in_dim3A_732 = vector.broadcast %jit3A_731 : i32 to vector<16xi32>
      %select_n3A_733 = arith.select %ge3A_730, %gather3A_727, %broadcast_in_dim3A_732 : vector<16xi1>, vector<16xi32>
      %max3A_734 = vector.broadcast %max3A_684 : i32 to vector<16xi32>
      %max3A_735 = arith.maxsi %select_n3A_733, %max3A_734 : vector<16xi32>
      %lt3A_736 = arith.constant 0 : i32
      %lt3A_737 = vector.broadcast %lt3A_736 : i32 to vector<16xi32>
      %lt3A_738 = arith.cmpi slt, %max3A_735, %lt3A_737 : vector<16xi32>
      %sub3A_739 = arith.subi %add3A_704, %max3A_735 : vector<16xi32>
      %gt3A_740 = arith.constant 5 : i32
      %gt3A_741 = vector.broadcast %gt3A_740 : i32 to vector<16xi32>
      %gt3A_742 = arith.cmpi sgt, %sub3A_739, %gt3A_741 : vector<16xi32>
      %or3A_743 = arith.ori %lt3A_738, %gt3A_742 : vector<16xi1>
      %and3A_744 = arith.andi %ge3A_707, %or3A_743 : vector<16xi1>
      %jit3A_745 = arith.constant 1 : i32
      %jit3A_746 = arith.constant 0 : i32
      %broadcast_in_dim3A_747 = vector.broadcast %jit3A_745 : i32 to vector<16xi32>
      %broadcast_in_dim3A_748 = vector.broadcast %jit3A_746 : i32 to vector<16xi32>
      %select_n3A_749 = arith.select %and3A_744, %broadcast_in_dim3A_747, %broadcast_in_dim3A_748 : vector<16xi1>, vector<16xi32>
      %broadcast_in_dim3A_750 = arith.constant true
      %broadcast_in_dim3A_751 = vector.broadcast %broadcast_in_dim3A_750 : i1 to vector<16xi1>
      %masked_cumsum3A_752 = tpu.scan <sum>, %select_n3A_749 masked %broadcast_in_dim3A_751 : vector<16xi32>, vector<16xi1> -> vector<16xi32>
      %sub3A_753 = arith.constant 1 : i32
      %sub3A_754 = vector.broadcast %sub3A_753 : i32 to vector<16xi32>
      %sub3A_755 = arith.subi %masked_cumsum3A_752, %sub3A_754 : vector<16xi32>
      %add3A_756 = vector.broadcast %add3A_693 : i32 to vector<16xi32>
      %add3A_757 = arith.addi %sub3A_755, %add3A_756 : vector<16xi32>
      tpu.vector_store_idx %arg8[%add3A_757], %select_n3A masked %ge3A_707 {add = true} : memref<48xi32, #tpu.memory_space<vmem>>[vector<16xi32>], vector<16xi32>, vector<16xi1>
      tpu.vector_store_idx %arg9[%add3A_757], %add3A_704 masked %and3A_744 : memref<48xi32, #tpu.memory_space<vmem>>[vector<16xi32>], vector<16xi32>, vector<16xi1>
      %reduce_max3A_758 = arith.constant true
      %reduce_max3A_759 = vector.broadcast %reduce_max3A_758 : i1 to vector<16xi1>
      %reduce_max3A_760 = arith.constant -2147483648 : i32
      %reduce_max3A_761 = vector.broadcast %reduce_max3A_760 : i32 to vector<16xi32>
      %reduce_max3A_762 = arith.xori %select_n3A_710, %reduce_max3A_761 : vector<16xi32>
      %reduce_max3A_763 = tpu.scan <max>, %reduce_max3A_762 masked %reduce_max3A_759 : vector<16xi32>, vector<16xi1> -> vector<16xi32>
      %reduce_max3A_764 = arith.xori %reduce_max3A_763, %reduce_max3A_761 : vector<16xi32>
      %reduce_max3A_765 = vector.extract %reduce_max3A_764[15] : i32 from vector<16xi32>
      %max3A_766 = arith.maxsi %max3A_684, %reduce_max3A_765 : i32
      %reduce_max3A_767 = arith.constant true
      %reduce_max3A_768 = vector.broadcast %reduce_max3A_767 : i1 to vector<16xi1>
      %reduce_max3A_769 = arith.constant -2147483648 : i32
      %reduce_max3A_770 = vector.broadcast %reduce_max3A_769 : i32 to vector<16xi32>
      %reduce_max3A_771 = arith.xori %masked_cumsum3A_752, %reduce_max3A_770 : vector<16xi32>
      %reduce_max3A_772 = tpu.scan <max>, %reduce_max3A_771 masked %reduce_max3A_768 : vector<16xi32>, vector<16xi1> -> vector<16xi32>
      %reduce_max3A_773 = arith.xori %reduce_max3A_772, %reduce_max3A_770 : vector<16xi32>
      %reduce_max3A_774 = vector.extract %reduce_max3A_773[15] : i32 from vector<16xi32>
      %add3A_775 = arith.addi %add3A_693, %reduce_max3A_774 : i32
      %reduce_max3A_776 = arith.constant true
      %reduce_max3A_777 = vector.broadcast %reduce_max3A_776 : i1 to vector<16xi1>
      %reduce_max3A_778 = tpu.scan <max>, %get3A_701 masked %reduce_max3A_777 : vector<16xf32>, vector<16xi1> -> vector<16xf32>
      %reduce_max3A_779 = vector.extract %reduce_max3A_778[15] : f32 from vector<16xf32>
      %max3A_780 = arith.maximumf %max3A_698, %reduce_max3A_779 : f32
      %get3A_781 = arith.index_cast %scan3A_30 : i32 to index
      %get3A_782 = arith.constant 144 : index
      %get3A_783 = tpu.vector_load %arg6[%get3A_781, %get3A_782] {strides = array<i32>} : memref<64x256xf32, #tpu.memory_space<vmem>>, vector<16xf32>,
      %add3A_784 = arith.constant 144 : i32
      %add3A_785 = vector.broadcast %add3A_784 : i32 to vector<16xi32>
      %add3A_786 = arith.addi %iota3A, %add3A_785 : vector<16xi32>
      %ge3A_787 = arith.constant 0.000000e+00 : f32
      %ge3A_788 = vector.broadcast %ge3A_787 : f32 to vector<16xf32>
      %ge3A_789 = arith.cmpf oge, %get3A_783, %ge3A_788 : vector<16xf32>
      %jit3A_790 = arith.constant -1 : i32
      %broadcast_in_dim3A_791 = vector.broadcast %jit3A_790 : i32 to vector<16xi32>
      %select_n3A_792 = arith.select %ge3A_789, %add3A_786, %broadcast_in_dim3A_791 : vector<16xi1>, vector<16xi32>
      %broadcast_in_dim3A_793 = arith.constant true
      %broadcast_in_dim3A_794 = vector.broadcast %broadcast_in_dim3A_793 : i1 to vector<16xi1>
      %masked_cummax3A_795 = arith.constant -2147483648 : i32
      %masked_cummax3A_796 = vector.broadcast %masked_cummax3A_795 : i32 to vector<16xi32>
      %masked_cummax3A_797 = arith.xori %select_n3A_792, %masked_cummax3A_796 : vector<16xi32>
      %masked_cummax3A_798 = tpu.scan <max>, %masked_cummax3A_797 masked %broadcast_in_dim3A_794 : vector<16xi32>, vector<16xi1> -> vector<16xi32>
      %masked_cummax3A_799 = arith.xori %masked_cummax3A_798, %masked_cummax3A_796 : vector<16xi32>
      %lt3A_800 = arith.constant 0 : i32
      %lt3A_801 = vector.broadcast %lt3A_800 : i32 to vector<16xi32>
      %lt3A_802 = arith.cmpi slt, %max3A_4, %lt3A_801 : vector<16xi32>
      %add3A_803 = arith.constant 16 : i32
      %add3A_804 = vector.broadcast %add3A_803 : i32 to vector<16xi32>
      %add3A_805 = arith.addi %max3A_4, %add3A_804 : vector<16xi32>
      %select_n3A_806 = arith.select %lt3A_802, %add3A_805, %max3A_4 : vector<16xi1>, vector<16xi32>
      %reshape3A_807 = vector.shape_cast %select_n3A_806 : vector<16xi32> to vector<16x1xi32>
      %gather3A_808 = vector.shape_cast %reshape3A_807 : vector<16x1xi32> to vector<16xi32>
      %gather3A_809 = tpu.dynamic_gather %masked_cummax3A_799[%gather3A_808] in [0] : vector<16xi32>, vector<16xi32> -> vector<16xi32>
      %ge3A_810 = arith.constant 1 : i32
      %ge3A_811 = vector.broadcast %ge3A_810 : i32 to vector<16xi32>
      %ge3A_812 = arith.cmpi sge, %iota3A, %ge3A_811 : vector<16xi32>
      %jit3A_813 = arith.constant -1 : i32
      %broadcast_in_dim3A_814 = vector.broadcast %jit3A_813 : i32 to vector<16xi32>
      %select_n3A_815 = arith.select %ge3A_812, %gather3A_809, %broadcast_in_dim3A_814 : vector<16xi1>, vector<16xi32>
      %max3A_816 = vector.broadcast %max3A_766 : i32 to vector<16xi32>
      %max3A_817 = arith.maxsi %select_n3A_815, %max3A_816 : vector<16xi32>
      %lt3A_818 = arith.constant 0 : i32
      %lt3A_819 = vector.broadcast %lt3A_818 : i32 to vector<16xi32>
      %lt3A_820 = arith.cmpi slt, %max3A_817, %lt3A_819 : vector<16xi32>
      %sub3A_821 = arith.subi %add3A_786, %max3A_817 : vector<16xi32>
      %gt3A_822 = arith.constant 5 : i32
      %gt3A_823 = vector.broadcast %gt3A_822 : i32 to vector<16xi32>
      %gt3A_824 = arith.cmpi sgt, %sub3A_821, %gt3A_823 : vector<16xi32>
      %or3A_825 = arith.ori %lt3A_820, %gt3A_824 : vector<16xi1>
      %and3A_826 = arith.andi %ge3A_789, %or3A_825 : vector<16xi1>
      %jit3A_827 = arith.constant 1 : i32
      %jit3A_828 = arith.constant 0 : i32
      %broadcast_in_dim3A_829 = vector.broadcast %jit3A_827 : i32 to vector<16xi32>
      %broadcast_in_dim3A_830 = vector.broadcast %jit3A_828 : i32 to vector<16xi32>
      %select_n3A_831 = arith.select %and3A_826, %broadcast_in_dim3A_829, %broadcast_in_dim3A_830 : vector<16xi1>, vector<16xi32>
      %broadcast_in_dim3A_832 = arith.constant true
      %broadcast_in_dim3A_833 = vector.broadcast %broadcast_in_dim3A_832 : i1 to vector<16xi1>
      %masked_cumsum3A_834 = tpu.scan <sum>, %select_n3A_831 masked %broadcast_in_dim3A_833 : vector<16xi32>, vector<16xi1> -> vector<16xi32>
      %sub3A_835 = arith.constant 1 : i32
      %sub3A_836 = vector.broadcast %sub3A_835 : i32 to vector<16xi32>
      %sub3A_837 = arith.subi %masked_cumsum3A_834, %sub3A_836 : vector<16xi32>
      %add3A_838 = vector.broadcast %add3A_775 : i32 to vector<16xi32>
      %add3A_839 = arith.addi %sub3A_837, %add3A_838 : vector<16xi32>
      tpu.vector_store_idx %arg8[%add3A_839], %select_n3A masked %ge3A_789 {add = true} : memref<48xi32, #tpu.memory_space<vmem>>[vector<16xi32>], vector<16xi32>, vector<16xi1>
      tpu.vector_store_idx %arg9[%add3A_839], %add3A_786 masked %and3A_826 : memref<48xi32, #tpu.memory_space<vmem>>[vector<16xi32>], vector<16xi32>, vector<16xi1>
      %reduce_max3A_840 = arith.constant true
      %reduce_max3A_841 = vector.broadcast %reduce_max3A_840 : i1 to vector<16xi1>
      %reduce_max3A_842 = arith.constant -2147483648 : i32
      %reduce_max3A_843 = vector.broadcast %reduce_max3A_842 : i32 to vector<16xi32>
      %reduce_max3A_844 = arith.xori %select_n3A_792, %reduce_max3A_843 : vector<16xi32>
      %reduce_max3A_845 = tpu.scan <max>, %reduce_max3A_844 masked %reduce_max3A_841 : vector<16xi32>, vector<16xi1> -> vector<16xi32>
      %reduce_max3A_846 = arith.xori %reduce_max3A_845, %reduce_max3A_843 : vector<16xi32>
      %reduce_max3A_847 = vector.extract %reduce_max3A_846[15] : i32 from vector<16xi32>
      %max3A_848 = arith.maxsi %max3A_766, %reduce_max3A_847 : i32
      %reduce_max3A_849 = arith.constant true
      %reduce_max3A_850 = vector.broadcast %reduce_max3A_849 : i1 to vector<16xi1>
      %reduce_max3A_851 = arith.constant -2147483648 : i32
      %reduce_max3A_852 = vector.broadcast %reduce_max3A_851 : i32 to vector<16xi32>
      %reduce_max3A_853 = arith.xori %masked_cumsum3A_834, %reduce_max3A_852 : vector<16xi32>
      %reduce_max3A_854 = tpu.scan <max>, %reduce_max3A_853 masked %reduce_max3A_850 : vector<16xi32>, vector<16xi1> -> vector<16xi32>
      %reduce_max3A_855 = arith.xori %reduce_max3A_854, %reduce_max3A_852 : vector<16xi32>
      %reduce_max3A_856 = vector.extract %reduce_max3A_855[15] : i32 from vector<16xi32>
      %add3A_857 = arith.addi %add3A_775, %reduce_max3A_856 : i32
      %reduce_max3A_858 = arith.constant true
      %reduce_max3A_859 = vector.broadcast %reduce_max3A_858 : i1 to vector<16xi1>
      %reduce_max3A_860 = tpu.scan <max>, %get3A_783 masked %reduce_max3A_859 : vector<16xf32>, vector<16xi1> -> vector<16xf32>
      %reduce_max3A_861 = vector.extract %reduce_max3A_860[15] : f32 from vector<16xf32>
      %max3A_862 = arith.maximumf %max3A_780, %reduce_max3A_861 : f32
      %get3A_863 = arith.index_cast %scan3A_30 : i32 to index
      %get3A_864 = arith.constant 160 : index
      %get3A_865 = tpu.vector_load %arg6[%get3A_863, %get3A_864] {strides = array<i32>} : memref<64x256xf32, #tpu.memory_space<vmem>>, vector<16xf32>,
      %add3A_866 = arith.constant 160 : i32
      %add3A_867 = vector.broadcast %add3A_866 : i32 to vector<16xi32>
      %add3A_868 = arith.addi %iota3A, %add3A_867 : vector<16xi32>
      %ge3A_869 = arith.constant 0.000000e+00 : f32
      %ge3A_870 = vector.broadcast %ge3A_869 : f32 to vector<16xf32>
      %ge3A_871 = arith.cmpf oge, %get3A_865, %ge3A_870 : vector<16xf32>
      %jit3A_872 = arith.constant -1 : i32
      %broadcast_in_dim3A_873 = vector.broadcast %jit3A_872 : i32 to vector<16xi32>
      %select_n3A_874 = arith.select %ge3A_871, %add3A_868, %broadcast_in_dim3A_873 : vector<16xi1>, vector<16xi32>
      %broadcast_in_dim3A_875 = arith.constant true
      %broadcast_in_dim3A_876 = vector.broadcast %broadcast_in_dim3A_875 : i1 to vector<16xi1>
      %masked_cummax3A_877 = arith.constant -2147483648 : i32
      %masked_cummax3A_878 = vector.broadcast %masked_cummax3A_877 : i32 to vector<16xi32>
      %masked_cummax3A_879 = arith.xori %select_n3A_874, %masked_cummax3A_878 : vector<16xi32>
      %masked_cummax3A_880 = tpu.scan <max>, %masked_cummax3A_879 masked %broadcast_in_dim3A_876 : vector<16xi32>, vector<16xi1> -> vector<16xi32>
      %masked_cummax3A_881 = arith.xori %masked_cummax3A_880, %masked_cummax3A_878 : vector<16xi32>
      %lt3A_882 = arith.constant 0 : i32
      %lt3A_883 = vector.broadcast %lt3A_882 : i32 to vector<16xi32>
      %lt3A_884 = arith.cmpi slt, %max3A_4, %lt3A_883 : vector<16xi32>
      %add3A_885 = arith.constant 16 : i32
      %add3A_886 = vector.broadcast %add3A_885 : i32 to vector<16xi32>
      %add3A_887 = arith.addi %max3A_4, %add3A_886 : vector<16xi32>
      %select_n3A_888 = arith.select %lt3A_884, %add3A_887, %max3A_4 : vector<16xi1>, vector<16xi32>
      %reshape3A_889 = vector.shape_cast %select_n3A_888 : vector<16xi32> to vector<16x1xi32>
      %gather3A_890 = vector.shape_cast %reshape3A_889 : vector<16x1xi32> to vector<16xi32>
      %gather3A_891 = tpu.dynamic_gather %masked_cummax3A_881[%gather3A_890] in [0] : vector<16xi32>, vector<16xi32> -> vector<16xi32>
      %ge3A_892 = arith.constant 1 : i32
      %ge3A_893 = vector.broadcast %ge3A_892 : i32 to vector<16xi32>
      %ge3A_894 = arith.cmpi sge, %iota3A, %ge3A_893 : vector<16xi32>
      %jit3A_895 = arith.constant -1 : i32
      %broadcast_in_dim3A_896 = vector.broadcast %jit3A_895 : i32 to vector<16xi32>
      %select_n3A_897 = arith.select %ge3A_894, %gather3A_891, %broadcast_in_dim3A_896 : vector<16xi1>, vector<16xi32>
      %max3A_898 = vector.broadcast %max3A_848 : i32 to vector<16xi32>
      %max3A_899 = arith.maxsi %select_n3A_897, %max3A_898 : vector<16xi32>
      %lt3A_900 = arith.constant 0 : i32
      %lt3A_901 = vector.broadcast %lt3A_900 : i32 to vector<16xi32>
      %lt3A_902 = arith.cmpi slt, %max3A_899, %lt3A_901 : vector<16xi32>
      %sub3A_903 = arith.subi %add3A_868, %max3A_899 : vector<16xi32>
      %gt3A_904 = arith.constant 5 : i32
      %gt3A_905 = vector.broadcast %gt3A_904 : i32 to vector<16xi32>
      %gt3A_906 = arith.cmpi sgt, %sub3A_903, %gt3A_905 : vector<16xi32>
      %or3A_907 = arith.ori %lt3A_902, %gt3A_906 : vector<16xi1>
      %and3A_908 = arith.andi %ge3A_871, %or3A_907 : vector<16xi1>
      %jit3A_909 = arith.constant 1 : i32
      %jit3A_910 = arith.constant 0 : i32
      %broadcast_in_dim3A_911 = vector.broadcast %jit3A_909 : i32 to vector<16xi32>
      %broadcast_in_dim3A_912 = vector.broadcast %jit3A_910 : i32 to vector<16xi32>
      %select_n3A_913 = arith.select %and3A_908, %broadcast_in_dim3A_911, %broadcast_in_dim3A_912 : vector<16xi1>, vector<16xi32>
      %broadcast_in_dim3A_914 = arith.constant true
      %broadcast_in_dim3A_915 = vector.broadcast %broadcast_in_dim3A_914 : i1 to vector<16xi1>
      %masked_cumsum3A_916 = tpu.scan <sum>, %select_n3A_913 masked %broadcast_in_dim3A_915 : vector<16xi32>, vector<16xi1> -> vector<16xi32>
      %sub3A_917 = arith.constant 1 : i32
      %sub3A_918 = vector.broadcast %sub3A_917 : i32 to vector<16xi32>
      %sub3A_919 = arith.subi %masked_cumsum3A_916, %sub3A_918 : vector<16xi32>
      %add3A_920 = vector.broadcast %add3A_857 : i32 to vector<16xi32>
      %add3A_921 = arith.addi %sub3A_919, %add3A_920 : vector<16xi32>
      tpu.vector_store_idx %arg8[%add3A_921], %select_n3A masked %ge3A_871 {add = true} : memref<48xi32, #tpu.memory_space<vmem>>[vector<16xi32>], vector<16xi32>, vector<16xi1>
      tpu.vector_store_idx %arg9[%add3A_921], %add3A_868 masked %and3A_908 : memref<48xi32, #tpu.memory_space<vmem>>[vector<16xi32>], vector<16xi32>, vector<16xi1>
      %reduce_max3A_922 = arith.constant true
      %reduce_max3A_923 = vector.broadcast %reduce_max3A_922 : i1 to vector<16xi1>
      %reduce_max3A_924 = arith.constant -2147483648 : i32
      %reduce_max3A_925 = vector.broadcast %reduce_max3A_924 : i32 to vector<16xi32>
      %reduce_max3A_926 = arith.xori %select_n3A_874, %reduce_max3A_925 : vector<16xi32>
      %reduce_max3A_927 = tpu.scan <max>, %reduce_max3A_926 masked %reduce_max3A_923 : vector<16xi32>, vector<16xi1> -> vector<16xi32>
      %reduce_max3A_928 = arith.xori %reduce_max3A_927, %reduce_max3A_925 : vector<16xi32>
      %reduce_max3A_929 = vector.extract %reduce_max3A_928[15] : i32 from vector<16xi32>
      %max3A_930 = arith.maxsi %max3A_848, %reduce_max3A_929 : i32
      %reduce_max3A_931 = arith.constant true
      %reduce_max3A_932 = vector.broadcast %reduce_max3A_931 : i1 to vector<16xi1>
      %reduce_max3A_933 = arith.constant -2147483648 : i32
      %reduce_max3A_934 = vector.broadcast %reduce_max3A_933 : i32 to vector<16xi32>
      %reduce_max3A_935 = arith.xori %masked_cumsum3A_916, %reduce_max3A_934 : vector<16xi32>
      %reduce_max3A_936 = tpu.scan <max>, %reduce_max3A_935 masked %reduce_max3A_932 : vector<16xi32>, vector<16xi1> -> vector<16xi32>
      %reduce_max3A_937 = arith.xori %reduce_max3A_936, %reduce_max3A_934 : vector<16xi32>
      %reduce_max3A_938 = vector.extract %reduce_max3A_937[15] : i32 from vector<16xi32>
      %add3A_939 = arith.addi %add3A_857, %reduce_max3A_938 : i32
      %reduce_max3A_940 = arith.constant true
      %reduce_max3A_941 = vector.broadcast %reduce_max3A_940 : i1 to vector<16xi1>
      %reduce_max3A_942 = tpu.scan <max>, %get3A_865 masked %reduce_max3A_941 : vector<16xf32>, vector<16xi1> -> vector<16xf32>
      %reduce_max3A_943 = vector.extract %reduce_max3A_942[15] : f32 from vector<16xf32>
      %max3A_944 = arith.maximumf %max3A_862, %reduce_max3A_943 : f32
      %get3A_945 = arith.index_cast %scan3A_30 : i32 to index
      %get3A_946 = arith.constant 176 : index
      %get3A_947 = tpu.vector_load %arg6[%get3A_945, %get3A_946] {strides = array<i32>} : memref<64x256xf32, #tpu.memory_space<vmem>>, vector<16xf32>,
      %add3A_948 = arith.constant 176 : i32
      %add3A_949 = vector.broadcast %add3A_948 : i32 to vector<16xi32>
      %add3A_950 = arith.addi %iota3A, %add3A_949 : vector<16xi32>
      %ge3A_951 = arith.constant 0.000000e+00 : f32
      %ge3A_952 = vector.broadcast %ge3A_951 : f32 to vector<16xf32>
      %ge3A_953 = arith.cmpf oge, %get3A_947, %ge3A_952 : vector<16xf32>
      %jit3A_954 = arith.constant -1 : i32
      %broadcast_in_dim3A_955 = vector.broadcast %jit3A_954 : i32 to vector<16xi32>
      %select_n3A_956 = arith.select %ge3A_953, %add3A_950, %broadcast_in_dim3A_955 : vector<16xi1>, vector<16xi32>
      %broadcast_in_dim3A_957 = arith.constant true
      %broadcast_in_dim3A_958 = vector.broadcast %broadcast_in_dim3A_957 : i1 to vector<16xi1>
      %masked_cummax3A_959 = arith.constant -2147483648 : i32
      %masked_cummax3A_960 = vector.broadcast %masked_cummax3A_959 : i32 to vector<16xi32>
      %masked_cummax3A_961 = arith.xori %select_n3A_956, %masked_cummax3A_960 : vector<16xi32>
      %masked_cummax3A_962 = tpu.scan <max>, %masked_cummax3A_961 masked %broadcast_in_dim3A_958 : vector<16xi32>, vector<16xi1> -> vector<16xi32>
      %masked_cummax3A_963 = arith.xori %masked_cummax3A_962, %masked_cummax3A_960 : vector<16xi32>
      %lt3A_964 = arith.constant 0 : i32
      %lt3A_965 = vector.broadcast %lt3A_964 : i32 to vector<16xi32>
      %lt3A_966 = arith.cmpi slt, %max3A_4, %lt3A_965 : vector<16xi32>
      %add3A_967 = arith.constant 16 : i32
      %add3A_968 = vector.broadcast %add3A_967 : i32 to vector<16xi32>
      %add3A_969 = arith.addi %max3A_4, %add3A_968 : vector<16xi32>
      %select_n3A_970 = arith.select %lt3A_966, %add3A_969, %max3A_4 : vector<16xi1>, vector<16xi32>
      %reshape3A_971 = vector.shape_cast %select_n3A_970 : vector<16xi32> to vector<16x1xi32>
      %gather3A_972 = vector.shape_cast %reshape3A_971 : vector<16x1xi32> to vector<16xi32>
      %gather3A_973 = tpu.dynamic_gather %masked_cummax3A_963[%gather3A_972] in [0] : vector<16xi32>, vector<16xi32> -> vector<16xi32>
      %ge3A_974 = arith.constant 1 : i32
      %ge3A_975 = vector.broadcast %ge3A_974 : i32 to vector<16xi32>
      %ge3A_976 = arith.cmpi sge, %iota3A, %ge3A_975 : vector<16xi32>
      %jit3A_977 = arith.constant -1 : i32
      %broadcast_in_dim3A_978 = vector.broadcast %jit3A_977 : i32 to vector<16xi32>
      %select_n3A_979 = arith.select %ge3A_976, %gather3A_973, %broadcast_in_dim3A_978 : vector<16xi1>, vector<16xi32>
      %max3A_980 = vector.broadcast %max3A_930 : i32 to vector<16xi32>
      %max3A_981 = arith.maxsi %select_n3A_979, %max3A_980 : vector<16xi32>
      %lt3A_982 = arith.constant 0 : i32
      %lt3A_983 = vector.broadcast %lt3A_982 : i32 to vector<16xi32>
      %lt3A_984 = arith.cmpi slt, %max3A_981, %lt3A_983 : vector<16xi32>
      %sub3A_985 = arith.subi %add3A_950, %max3A_981 : vector<16xi32>
      %gt3A_986 = arith.constant 5 : i32
      %gt3A_987 = vector.broadcast %gt3A_986 : i32 to vector<16xi32>
      %gt3A_988 = arith.cmpi sgt, %sub3A_985, %gt3A_987 : vector<16xi32>
      %or3A_989 = arith.ori %lt3A_984, %gt3A_988 : vector<16xi1>
      %and3A_990 = arith.andi %ge3A_953, %or3A_989 : vector<16xi1>
      %jit3A_991 = arith.constant 1 : i32
      %jit3A_992 = arith.constant 0 : i32
      %broadcast_in_dim3A_993 = vector.broadcast %jit3A_991 : i32 to vector<16xi32>
      %broadcast_in_dim3A_994 = vector.broadcast %jit3A_992 : i32 to vector<16xi32>
      %select_n3A_995 = arith.select %and3A_990, %broadcast_in_dim3A_993, %broadcast_in_dim3A_994 : vector<16xi1>, vector<16xi32>
      %broadcast_in_dim3A_996 = arith.constant true
      %broadcast_in_dim3A_997 = vector.broadcast %broadcast_in_dim3A_996 : i1 to vector<16xi1>
      %masked_cumsum3A_998 = tpu.scan <sum>, %select_n3A_995 masked %broadcast_in_dim3A_997 : vector<16xi32>, vector<16xi1> -> vector<16xi32>
      %sub3A_999 = arith.constant 1 : i32
      %sub3A_1000 = vector.broadcast %sub3A_999 : i32 to vector<16xi32>
      %sub3A_1001 = arith.subi %masked_cumsum3A_998, %sub3A_1000 : vector<16xi32>
      %add3A_1002 = vector.broadcast %add3A_939 : i32 to vector<16xi32>
      %add3A_1003 = arith.addi %sub3A_1001, %add3A_1002 : vector<16xi32>
      tpu.vector_store_idx %arg8[%add3A_1003], %select_n3A masked %ge3A_953 {add = true} : memref<48xi32, #tpu.memory_space<vmem>>[vector<16xi32>], vector<16xi32>, vector<16xi1>
      tpu.vector_store_idx %arg9[%add3A_1003], %add3A_950 masked %and3A_990 : memref<48xi32, #tpu.memory_space<vmem>>[vector<16xi32>], vector<16xi32>, vector<16xi1>
      %reduce_max3A_1004 = arith.constant true
      %reduce_max3A_1005 = vector.broadcast %reduce_max3A_1004 : i1 to vector<16xi1>
      %reduce_max3A_1006 = arith.constant -2147483648 : i32
      %reduce_max3A_1007 = vector.broadcast %reduce_max3A_1006 : i32 to vector<16xi32>
      %reduce_max3A_1008 = arith.xori %select_n3A_956, %reduce_max3A_1007 : vector<16xi32>
      %reduce_max3A_1009 = tpu.scan <max>, %reduce_max3A_1008 masked %reduce_max3A_1005 : vector<16xi32>, vector<16xi1> -> vector<16xi32>
      %reduce_max3A_1010 = arith.xori %reduce_max3A_1009, %reduce_max3A_1007 : vector<16xi32>
      %reduce_max3A_1011 = vector.extract %reduce_max3A_1010[15] : i32 from vector<16xi32>
      %max3A_1012 = arith.maxsi %max3A_930, %reduce_max3A_1011 : i32
      %reduce_max3A_1013 = arith.constant true
      %reduce_max3A_1014 = vector.broadcast %reduce_max3A_1013 : i1 to vector<16xi1>
      %reduce_max3A_1015 = arith.constant -2147483648 : i32
      %reduce_max3A_1016 = vector.broadcast %reduce_max3A_1015 : i32 to vector<16xi32>
      %reduce_max3A_1017 = arith.xori %masked_cumsum3A_998, %reduce_max3A_1016 : vector<16xi32>
      %reduce_max3A_1018 = tpu.scan <max>, %reduce_max3A_1017 masked %reduce_max3A_1014 : vector<16xi32>, vector<16xi1> -> vector<16xi32>
      %reduce_max3A_1019 = arith.xori %reduce_max3A_1018, %reduce_max3A_1016 : vector<16xi32>
      %reduce_max3A_1020 = vector.extract %reduce_max3A_1019[15] : i32 from vector<16xi32>
      %add3A_1021 = arith.addi %add3A_939, %reduce_max3A_1020 : i32
      %reduce_max3A_1022 = arith.constant true
      %reduce_max3A_1023 = vector.broadcast %reduce_max3A_1022 : i1 to vector<16xi1>
      %reduce_max3A_1024 = tpu.scan <max>, %get3A_947 masked %reduce_max3A_1023 : vector<16xf32>, vector<16xi1> -> vector<16xf32>
      %reduce_max3A_1025 = vector.extract %reduce_max3A_1024[15] : f32 from vector<16xf32>
      %max3A_1026 = arith.maximumf %max3A_944, %reduce_max3A_1025 : f32
      %get3A_1027 = arith.index_cast %scan3A_30 : i32 to index
      %get3A_1028 = arith.constant 192 : index
      %get3A_1029 = tpu.vector_load %arg6[%get3A_1027, %get3A_1028] {strides = array<i32>} : memref<64x256xf32, #tpu.memory_space<vmem>>, vector<16xf32>,
      %add3A_1030 = arith.constant 192 : i32
      %add3A_1031 = vector.broadcast %add3A_1030 : i32 to vector<16xi32>
      %add3A_1032 = arith.addi %iota3A, %add3A_1031 : vector<16xi32>
      %ge3A_1033 = arith.constant 0.000000e+00 : f32
      %ge3A_1034 = vector.broadcast %ge3A_1033 : f32 to vector<16xf32>
      %ge3A_1035 = arith.cmpf oge, %get3A_1029, %ge3A_1034 : vector<16xf32>
      %jit3A_1036 = arith.constant -1 : i32
      %broadcast_in_dim3A_1037 = vector.broadcast %jit3A_1036 : i32 to vector<16xi32>
      %select_n3A_1038 = arith.select %ge3A_1035, %add3A_1032, %broadcast_in_dim3A_1037 : vector<16xi1>, vector<16xi32>
      %broadcast_in_dim3A_1039 = arith.constant true
      %broadcast_in_dim3A_1040 = vector.broadcast %broadcast_in_dim3A_1039 : i1 to vector<16xi1>
      %masked_cummax3A_1041 = arith.constant -2147483648 : i32
      %masked_cummax3A_1042 = vector.broadcast %masked_cummax3A_1041 : i32 to vector<16xi32>
      %masked_cummax3A_1043 = arith.xori %select_n3A_1038, %masked_cummax3A_1042 : vector<16xi32>
      %masked_cummax3A_1044 = tpu.scan <max>, %masked_cummax3A_1043 masked %broadcast_in_dim3A_1040 : vector<16xi32>, vector<16xi1> -> vector<16xi32>
      %masked_cummax3A_1045 = arith.xori %masked_cummax3A_1044, %masked_cummax3A_1042 : vector<16xi32>
      %lt3A_1046 = arith.constant 0 : i32
      %lt3A_1047 = vector.broadcast %lt3A_1046 : i32 to vector<16xi32>
      %lt3A_1048 = arith.cmpi slt, %max3A_4, %lt3A_1047 : vector<16xi32>
      %add3A_1049 = arith.constant 16 : i32
      %add3A_1050 = vector.broadcast %add3A_1049 : i32 to vector<16xi32>
      %add3A_1051 = arith.addi %max3A_4, %add3A_1050 : vector<16xi32>
      %select_n3A_1052 = arith.select %lt3A_1048, %add3A_1051, %max3A_4 : vector<16xi1>, vector<16xi32>
      %reshape3A_1053 = vector.shape_cast %select_n3A_1052 : vector<16xi32> to vector<16x1xi32>
      %gather3A_1054 = vector.shape_cast %reshape3A_1053 : vector<16x1xi32> to vector<16xi32>
      %gather3A_1055 = tpu.dynamic_gather %masked_cummax3A_1045[%gather3A_1054] in [0] : vector<16xi32>, vector<16xi32> -> vector<16xi32>
      %ge3A_1056 = arith.constant 1 : i32
      %ge3A_1057 = vector.broadcast %ge3A_1056 : i32 to vector<16xi32>
      %ge3A_1058 = arith.cmpi sge, %iota3A, %ge3A_1057 : vector<16xi32>
      %jit3A_1059 = arith.constant -1 : i32
      %broadcast_in_dim3A_1060 = vector.broadcast %jit3A_1059 : i32 to vector<16xi32>
      %select_n3A_1061 = arith.select %ge3A_1058, %gather3A_1055, %broadcast_in_dim3A_1060 : vector<16xi1>, vector<16xi32>
      %max3A_1062 = vector.broadcast %max3A_1012 : i32 to vector<16xi32>
      %max3A_1063 = arith.maxsi %select_n3A_1061, %max3A_1062 : vector<16xi32>
      %lt3A_1064 = arith.constant 0 : i32
      %lt3A_1065 = vector.broadcast %lt3A_1064 : i32 to vector<16xi32>
      %lt3A_1066 = arith.cmpi slt, %max3A_1063, %lt3A_1065 : vector<16xi32>
      %sub3A_1067 = arith.subi %add3A_1032, %max3A_1063 : vector<16xi32>
      %gt3A_1068 = arith.constant 5 : i32
      %gt3A_1069 = vector.broadcast %gt3A_1068 : i32 to vector<16xi32>
      %gt3A_1070 = arith.cmpi sgt, %sub3A_1067, %gt3A_1069 : vector<16xi32>
      %or3A_1071 = arith.ori %lt3A_1066, %gt3A_1070 : vector<16xi1>
      %and3A_1072 = arith.andi %ge3A_1035, %or3A_1071 : vector<16xi1>
      %jit3A_1073 = arith.constant 1 : i32
      %jit3A_1074 = arith.constant 0 : i32
      %broadcast_in_dim3A_1075 = vector.broadcast %jit3A_1073 : i32 to vector<16xi32>
      %broadcast_in_dim3A_1076 = vector.broadcast %jit3A_1074 : i32 to vector<16xi32>
      %select_n3A_1077 = arith.select %and3A_1072, %broadcast_in_dim3A_1075, %broadcast_in_dim3A_1076 : vector<16xi1>, vector<16xi32>
      %broadcast_in_dim3A_1078 = arith.constant true
      %broadcast_in_dim3A_1079 = vector.broadcast %broadcast_in_dim3A_1078 : i1 to vector<16xi1>
      %masked_cumsum3A_1080 = tpu.scan <sum>, %select_n3A_1077 masked %broadcast_in_dim3A_1079 : vector<16xi32>, vector<16xi1> -> vector<16xi32>
      %sub3A_1081 = arith.constant 1 : i32
      %sub3A_1082 = vector.broadcast %sub3A_1081 : i32 to vector<16xi32>
      %sub3A_1083 = arith.subi %masked_cumsum3A_1080, %sub3A_1082 : vector<16xi32>
      %add3A_1084 = vector.broadcast %add3A_1021 : i32 to vector<16xi32>
      %add3A_1085 = arith.addi %sub3A_1083, %add3A_1084 : vector<16xi32>
      tpu.vector_store_idx %arg8[%add3A_1085], %select_n3A masked %ge3A_1035 {add = true} : memref<48xi32, #tpu.memory_space<vmem>>[vector<16xi32>], vector<16xi32>, vector<16xi1>
      tpu.vector_store_idx %arg9[%add3A_1085], %add3A_1032 masked %and3A_1072 : memref<48xi32, #tpu.memory_space<vmem>>[vector<16xi32>], vector<16xi32>, vector<16xi1>
      %reduce_max3A_1086 = arith.constant true
      %reduce_max3A_1087 = vector.broadcast %reduce_max3A_1086 : i1 to vector<16xi1>
      %reduce_max3A_1088 = arith.constant -2147483648 : i32
      %reduce_max3A_1089 = vector.broadcast %reduce_max3A_1088 : i32 to vector<16xi32>
      %reduce_max3A_1090 = arith.xori %select_n3A_1038, %reduce_max3A_1089 : vector<16xi32>
      %reduce_max3A_1091 = tpu.scan <max>, %reduce_max3A_1090 masked %reduce_max3A_1087 : vector<16xi32>, vector<16xi1> -> vector<16xi32>
      %reduce_max3A_1092 = arith.xori %reduce_max3A_1091, %reduce_max3A_1089 : vector<16xi32>
      %reduce_max3A_1093 = vector.extract %reduce_max3A_1092[15] : i32 from vector<16xi32>
      %max3A_1094 = arith.maxsi %max3A_1012, %reduce_max3A_1093 : i32
      %reduce_max3A_1095 = arith.constant true
      %reduce_max3A_1096 = vector.broadcast %reduce_max3A_1095 : i1 to vector<16xi1>
      %reduce_max3A_1097 = arith.constant -2147483648 : i32
      %reduce_max3A_1098 = vector.broadcast %reduce_max3A_1097 : i32 to vector<16xi32>
      %reduce_max3A_1099 = arith.xori %masked_cumsum3A_1080, %reduce_max3A_1098 : vector<16xi32>
      %reduce_max3A_1100 = tpu.scan <max>, %reduce_max3A_1099 masked %reduce_max3A_1096 : vector<16xi32>, vector<16xi1> -> vector<16xi32>
      %reduce_max3A_1101 = arith.xori %reduce_max3A_1100, %reduce_max3A_1098 : vector<16xi32>
      %reduce_max3A_1102 = vector.extract %reduce_max3A_1101[15] : i32 from vector<16xi32>
      %add3A_1103 = arith.addi %add3A_1021, %reduce_max3A_1102 : i32
      %reduce_max3A_1104 = arith.constant true
      %reduce_max3A_1105 = vector.broadcast %reduce_max3A_1104 : i1 to vector<16xi1>
      %reduce_max3A_1106 = tpu.scan <max>, %get3A_1029 masked %reduce_max3A_1105 : vector<16xf32>, vector<16xi1> -> vector<16xf32>
      %reduce_max3A_1107 = vector.extract %reduce_max3A_1106[15] : f32 from vector<16xf32>
      %max3A_1108 = arith.maximumf %max3A_1026, %reduce_max3A_1107 : f32
      %get3A_1109 = arith.index_cast %scan3A_30 : i32 to index
      %get3A_1110 = arith.constant 208 : index
      %get3A_1111 = tpu.vector_load %arg6[%get3A_1109, %get3A_1110] {strides = array<i32>} : memref<64x256xf32, #tpu.memory_space<vmem>>, vector<16xf32>,
      %add3A_1112 = arith.constant 208 : i32
      %add3A_1113 = vector.broadcast %add3A_1112 : i32 to vector<16xi32>
      %add3A_1114 = arith.addi %iota3A, %add3A_1113 : vector<16xi32>
      %ge3A_1115 = arith.constant 0.000000e+00 : f32
      %ge3A_1116 = vector.broadcast %ge3A_1115 : f32 to vector<16xf32>
      %ge3A_1117 = arith.cmpf oge, %get3A_1111, %ge3A_1116 : vector<16xf32>
      %jit3A_1118 = arith.constant -1 : i32
      %broadcast_in_dim3A_1119 = vector.broadcast %jit3A_1118 : i32 to vector<16xi32>
      %select_n3A_1120 = arith.select %ge3A_1117, %add3A_1114, %broadcast_in_dim3A_1119 : vector<16xi1>, vector<16xi32>
      %broadcast_in_dim3A_1121 = arith.constant true
      %broadcast_in_dim3A_1122 = vector.broadcast %broadcast_in_dim3A_1121 : i1 to vector<16xi1>
      %masked_cummax3A_1123 = arith.constant -2147483648 : i32
      %masked_cummax3A_1124 = vector.broadcast %masked_cummax3A_1123 : i32 to vector<16xi32>
      %masked_cummax3A_1125 = arith.xori %select_n3A_1120, %masked_cummax3A_1124 : vector<16xi32>
      %masked_cummax3A_1126 = tpu.scan <max>, %masked_cummax3A_1125 masked %broadcast_in_dim3A_1122 : vector<16xi32>, vector<16xi1> -> vector<16xi32>
      %masked_cummax3A_1127 = arith.xori %masked_cummax3A_1126, %masked_cummax3A_1124 : vector<16xi32>
      %lt3A_1128 = arith.constant 0 : i32
      %lt3A_1129 = vector.broadcast %lt3A_1128 : i32 to vector<16xi32>
      %lt3A_1130 = arith.cmpi slt, %max3A_4, %lt3A_1129 : vector<16xi32>
      %add3A_1131 = arith.constant 16 : i32
      %add3A_1132 = vector.broadcast %add3A_1131 : i32 to vector<16xi32>
      %add3A_1133 = arith.addi %max3A_4, %add3A_1132 : vector<16xi32>
      %select_n3A_1134 = arith.select %lt3A_1130, %add3A_1133, %max3A_4 : vector<16xi1>, vector<16xi32>
      %reshape3A_1135 = vector.shape_cast %select_n3A_1134 : vector<16xi32> to vector<16x1xi32>
      %gather3A_1136 = vector.shape_cast %reshape3A_1135 : vector<16x1xi32> to vector<16xi32>
      %gather3A_1137 = tpu.dynamic_gather %masked_cummax3A_1127[%gather3A_1136] in [0] : vector<16xi32>, vector<16xi32> -> vector<16xi32>
      %ge3A_1138 = arith.constant 1 : i32
      %ge3A_1139 = vector.broadcast %ge3A_1138 : i32 to vector<16xi32>
      %ge3A_1140 = arith.cmpi sge, %iota3A, %ge3A_1139 : vector<16xi32>
      %jit3A_1141 = arith.constant -1 : i32
      %broadcast_in_dim3A_1142 = vector.broadcast %jit3A_1141 : i32 to vector<16xi32>
      %select_n3A_1143 = arith.select %ge3A_1140, %gather3A_1137, %broadcast_in_dim3A_1142 : vector<16xi1>, vector<16xi32>
      %max3A_1144 = vector.broadcast %max3A_1094 : i32 to vector<16xi32>
      %max3A_1145 = arith.maxsi %select_n3A_1143, %max3A_1144 : vector<16xi32>
      %lt3A_1146 = arith.constant 0 : i32
      %lt3A_1147 = vector.broadcast %lt3A_1146 : i32 to vector<16xi32>
      %lt3A_1148 = arith.cmpi slt, %max3A_1145, %lt3A_1147 : vector<16xi32>
      %sub3A_1149 = arith.subi %add3A_1114, %max3A_1145 : vector<16xi32>
      %gt3A_1150 = arith.constant 5 : i32
      %gt3A_1151 = vector.broadcast %gt3A_1150 : i32 to vector<16xi32>
      %gt3A_1152 = arith.cmpi sgt, %sub3A_1149, %gt3A_1151 : vector<16xi32>
      %or3A_1153 = arith.ori %lt3A_1148, %gt3A_1152 : vector<16xi1>
      %and3A_1154 = arith.andi %ge3A_1117, %or3A_1153 : vector<16xi1>
      %jit3A_1155 = arith.constant 1 : i32
      %jit3A_1156 = arith.constant 0 : i32
      %broadcast_in_dim3A_1157 = vector.broadcast %jit3A_1155 : i32 to vector<16xi32>
      %broadcast_in_dim3A_1158 = vector.broadcast %jit3A_1156 : i32 to vector<16xi32>
      %select_n3A_1159 = arith.select %and3A_1154, %broadcast_in_dim3A_1157, %broadcast_in_dim3A_1158 : vector<16xi1>, vector<16xi32>
      %broadcast_in_dim3A_1160 = arith.constant true
      %broadcast_in_dim3A_1161 = vector.broadcast %broadcast_in_dim3A_1160 : i1 to vector<16xi1>
      %masked_cumsum3A_1162 = tpu.scan <sum>, %select_n3A_1159 masked %broadcast_in_dim3A_1161 : vector<16xi32>, vector<16xi1> -> vector<16xi32>
      %sub3A_1163 = arith.constant 1 : i32
      %sub3A_1164 = vector.broadcast %sub3A_1163 : i32 to vector<16xi32>
      %sub3A_1165 = arith.subi %masked_cumsum3A_1162, %sub3A_1164 : vector<16xi32>
      %add3A_1166 = vector.broadcast %add3A_1103 : i32 to vector<16xi32>
      %add3A_1167 = arith.addi %sub3A_1165, %add3A_1166 : vector<16xi32>
      tpu.vector_store_idx %arg8[%add3A_1167], %select_n3A masked %ge3A_1117 {add = true} : memref<48xi32, #tpu.memory_space<vmem>>[vector<16xi32>], vector<16xi32>, vector<16xi1>
      tpu.vector_store_idx %arg9[%add3A_1167], %add3A_1114 masked %and3A_1154 : memref<48xi32, #tpu.memory_space<vmem>>[vector<16xi32>], vector<16xi32>, vector<16xi1>
      %reduce_max3A_1168 = arith.constant true
      %reduce_max3A_1169 = vector.broadcast %reduce_max3A_1168 : i1 to vector<16xi1>
      %reduce_max3A_1170 = arith.constant -2147483648 : i32
      %reduce_max3A_1171 = vector.broadcast %reduce_max3A_1170 : i32 to vector<16xi32>
      %reduce_max3A_1172 = arith.xori %select_n3A_1120, %reduce_max3A_1171 : vector<16xi32>
      %reduce_max3A_1173 = tpu.scan <max>, %reduce_max3A_1172 masked %reduce_max3A_1169 : vector<16xi32>, vector<16xi1> -> vector<16xi32>
      %reduce_max3A_1174 = arith.xori %reduce_max3A_1173, %reduce_max3A_1171 : vector<16xi32>
      %reduce_max3A_1175 = vector.extract %reduce_max3A_1174[15] : i32 from vector<16xi32>
      %max3A_1176 = arith.maxsi %max3A_1094, %reduce_max3A_1175 : i32
      %reduce_max3A_1177 = arith.constant true
      %reduce_max3A_1178 = vector.broadcast %reduce_max3A_1177 : i1 to vector<16xi1>
      %reduce_max3A_1179 = arith.constant -2147483648 : i32
      %reduce_max3A_1180 = vector.broadcast %reduce_max3A_1179 : i32 to vector<16xi32>
      %reduce_max3A_1181 = arith.xori %masked_cumsum3A_1162, %reduce_max3A_1180 : vector<16xi32>
      %reduce_max3A_1182 = tpu.scan <max>, %reduce_max3A_1181 masked %reduce_max3A_1178 : vector<16xi32>, vector<16xi1> -> vector<16xi32>
      %reduce_max3A_1183 = arith.xori %reduce_max3A_1182, %reduce_max3A_1180 : vector<16xi32>
      %reduce_max3A_1184 = vector.extract %reduce_max3A_1183[15] : i32 from vector<16xi32>
      %add3A_1185 = arith.addi %add3A_1103, %reduce_max3A_1184 : i32
      %reduce_max3A_1186 = arith.constant true
      %reduce_max3A_1187 = vector.broadcast %reduce_max3A_1186 : i1 to vector<16xi1>
      %reduce_max3A_1188 = tpu.scan <max>, %get3A_1111 masked %reduce_max3A_1187 : vector<16xf32>, vector<16xi1> -> vector<16xf32>
      %reduce_max3A_1189 = vector.extract %reduce_max3A_1188[15] : f32 from vector<16xf32>
      %max3A_1190 = arith.maximumf %max3A_1108, %reduce_max3A_1189 : f32
      %get3A_1191 = arith.index_cast %scan3A_30 : i32 to index
      %get3A_1192 = arith.constant 224 : index
      %get3A_1193 = tpu.vector_load %arg6[%get3A_1191, %get3A_1192] {strides = array<i32>} : memref<64x256xf32, #tpu.memory_space<vmem>>, vector<16xf32>,
      %add3A_1194 = arith.constant 224 : i32
      %add3A_1195 = vector.broadcast %add3A_1194 : i32 to vector<16xi32>
      %add3A_1196 = arith.addi %iota3A, %add3A_1195 : vector<16xi32>
      %ge3A_1197 = arith.constant 0.000000e+00 : f32
      %ge3A_1198 = vector.broadcast %ge3A_1197 : f32 to vector<16xf32>
      %ge3A_1199 = arith.cmpf oge, %get3A_1193, %ge3A_1198 : vector<16xf32>
      %jit3A_1200 = arith.constant -1 : i32
      %broadcast_in_dim3A_1201 = vector.broadcast %jit3A_1200 : i32 to vector<16xi32>
      %select_n3A_1202 = arith.select %ge3A_1199, %add3A_1196, %broadcast_in_dim3A_1201 : vector<16xi1>, vector<16xi32>
      %broadcast_in_dim3A_1203 = arith.constant true
      %broadcast_in_dim3A_1204 = vector.broadcast %broadcast_in_dim3A_1203 : i1 to vector<16xi1>
      %masked_cummax3A_1205 = arith.constant -2147483648 : i32
      %masked_cummax3A_1206 = vector.broadcast %masked_cummax3A_1205 : i32 to vector<16xi32>
      %masked_cummax3A_1207 = arith.xori %select_n3A_1202, %masked_cummax3A_1206 : vector<16xi32>
      %masked_cummax3A_1208 = tpu.scan <max>, %masked_cummax3A_1207 masked %broadcast_in_dim3A_1204 : vector<16xi32>, vector<16xi1> -> vector<16xi32>
      %masked_cummax3A_1209 = arith.xori %masked_cummax3A_1208, %masked_cummax3A_1206 : vector<16xi32>
      %lt3A_1210 = arith.constant 0 : i32
      %lt3A_1211 = vector.broadcast %lt3A_1210 : i32 to vector<16xi32>
      %lt3A_1212 = arith.cmpi slt, %max3A_4, %lt3A_1211 : vector<16xi32>
      %add3A_1213 = arith.constant 16 : i32
      %add3A_1214 = vector.broadcast %add3A_1213 : i32 to vector<16xi32>
      %add3A_1215 = arith.addi %max3A_4, %add3A_1214 : vector<16xi32>
      %select_n3A_1216 = arith.select %lt3A_1212, %add3A_1215, %max3A_4 : vector<16xi1>, vector<16xi32>
      %reshape3A_1217 = vector.shape_cast %select_n3A_1216 : vector<16xi32> to vector<16x1xi32>
      %gather3A_1218 = vector.shape_cast %reshape3A_1217 : vector<16x1xi32> to vector<16xi32>
      %gather3A_1219 = tpu.dynamic_gather %masked_cummax3A_1209[%gather3A_1218] in [0] : vector<16xi32>, vector<16xi32> -> vector<16xi32>
      %ge3A_1220 = arith.constant 1 : i32
      %ge3A_1221 = vector.broadcast %ge3A_1220 : i32 to vector<16xi32>
      %ge3A_1222 = arith.cmpi sge, %iota3A, %ge3A_1221 : vector<16xi32>
      %jit3A_1223 = arith.constant -1 : i32
      %broadcast_in_dim3A_1224 = vector.broadcast %jit3A_1223 : i32 to vector<16xi32>
      %select_n3A_1225 = arith.select %ge3A_1222, %gather3A_1219, %broadcast_in_dim3A_1224 : vector<16xi1>, vector<16xi32>
      %max3A_1226 = vector.broadcast %max3A_1176 : i32 to vector<16xi32>
      %max3A_1227 = arith.maxsi %select_n3A_1225, %max3A_1226 : vector<16xi32>
      %lt3A_1228 = arith.constant 0 : i32
      %lt3A_1229 = vector.broadcast %lt3A_1228 : i32 to vector<16xi32>
      %lt3A_1230 = arith.cmpi slt, %max3A_1227, %lt3A_1229 : vector<16xi32>
      %sub3A_1231 = arith.subi %add3A_1196, %max3A_1227 : vector<16xi32>
      %gt3A_1232 = arith.constant 5 : i32
      %gt3A_1233 = vector.broadcast %gt3A_1232 : i32 to vector<16xi32>
      %gt3A_1234 = arith.cmpi sgt, %sub3A_1231, %gt3A_1233 : vector<16xi32>
      %or3A_1235 = arith.ori %lt3A_1230, %gt3A_1234 : vector<16xi1>
      %and3A_1236 = arith.andi %ge3A_1199, %or3A_1235 : vector<16xi1>
      %jit3A_1237 = arith.constant 1 : i32
      %jit3A_1238 = arith.constant 0 : i32
      %broadcast_in_dim3A_1239 = vector.broadcast %jit3A_1237 : i32 to vector<16xi32>
      %broadcast_in_dim3A_1240 = vector.broadcast %jit3A_1238 : i32 to vector<16xi32>
      %select_n3A_1241 = arith.select %and3A_1236, %broadcast_in_dim3A_1239, %broadcast_in_dim3A_1240 : vector<16xi1>, vector<16xi32>
      %broadcast_in_dim3A_1242 = arith.constant true
      %broadcast_in_dim3A_1243 = vector.broadcast %broadcast_in_dim3A_1242 : i1 to vector<16xi1>
      %masked_cumsum3A_1244 = tpu.scan <sum>, %select_n3A_1241 masked %broadcast_in_dim3A_1243 : vector<16xi32>, vector<16xi1> -> vector<16xi32>
      %sub3A_1245 = arith.constant 1 : i32
      %sub3A_1246 = vector.broadcast %sub3A_1245 : i32 to vector<16xi32>
      %sub3A_1247 = arith.subi %masked_cumsum3A_1244, %sub3A_1246 : vector<16xi32>
      %add3A_1248 = vector.broadcast %add3A_1185 : i32 to vector<16xi32>
      %add3A_1249 = arith.addi %sub3A_1247, %add3A_1248 : vector<16xi32>
      tpu.vector_store_idx %arg8[%add3A_1249], %select_n3A masked %ge3A_1199 {add = true} : memref<48xi32, #tpu.memory_space<vmem>>[vector<16xi32>], vector<16xi32>, vector<16xi1>
      tpu.vector_store_idx %arg9[%add3A_1249], %add3A_1196 masked %and3A_1236 : memref<48xi32, #tpu.memory_space<vmem>>[vector<16xi32>], vector<16xi32>, vector<16xi1>
      %reduce_max3A_1250 = arith.constant true
      %reduce_max3A_1251 = vector.broadcast %reduce_max3A_1250 : i1 to vector<16xi1>
      %reduce_max3A_1252 = arith.constant -2147483648 : i32
      %reduce_max3A_1253 = vector.broadcast %reduce_max3A_1252 : i32 to vector<16xi32>
      %reduce_max3A_1254 = arith.xori %select_n3A_1202, %reduce_max3A_1253 : vector<16xi32>
      %reduce_max3A_1255 = tpu.scan <max>, %reduce_max3A_1254 masked %reduce_max3A_1251 : vector<16xi32>, vector<16xi1> -> vector<16xi32>
      %reduce_max3A_1256 = arith.xori %reduce_max3A_1255, %reduce_max3A_1253 : vector<16xi32>
      %reduce_max3A_1257 = vector.extract %reduce_max3A_1256[15] : i32 from vector<16xi32>
      %max3A_1258 = arith.maxsi %max3A_1176, %reduce_max3A_1257 : i32
      %reduce_max3A_1259 = arith.constant true
      %reduce_max3A_1260 = vector.broadcast %reduce_max3A_1259 : i1 to vector<16xi1>
      %reduce_max3A_1261 = arith.constant -2147483648 : i32
      %reduce_max3A_1262 = vector.broadcast %reduce_max3A_1261 : i32 to vector<16xi32>
      %reduce_max3A_1263 = arith.xori %masked_cumsum3A_1244, %reduce_max3A_1262 : vector<16xi32>
      %reduce_max3A_1264 = tpu.scan <max>, %reduce_max3A_1263 masked %reduce_max3A_1260 : vector<16xi32>, vector<16xi1> -> vector<16xi32>
      %reduce_max3A_1265 = arith.xori %reduce_max3A_1264, %reduce_max3A_1262 : vector<16xi32>
      %reduce_max3A_1266 = vector.extract %reduce_max3A_1265[15] : i32 from vector<16xi32>
      %add3A_1267 = arith.addi %add3A_1185, %reduce_max3A_1266 : i32
      %reduce_max3A_1268 = arith.constant true
      %reduce_max3A_1269 = vector.broadcast %reduce_max3A_1268 : i1 to vector<16xi1>
      %reduce_max3A_1270 = tpu.scan <max>, %get3A_1193 masked %reduce_max3A_1269 : vector<16xf32>, vector<16xi1> -> vector<16xf32>
      %reduce_max3A_1271 = vector.extract %reduce_max3A_1270[15] : f32 from vector<16xf32>
      %max3A_1272 = arith.maximumf %max3A_1190, %reduce_max3A_1271 : f32
      %get3A_1273 = arith.index_cast %scan3A_30 : i32 to index
      %get3A_1274 = arith.constant 240 : index
      %get3A_1275 = tpu.vector_load %arg6[%get3A_1273, %get3A_1274] {strides = array<i32>} : memref<64x256xf32, #tpu.memory_space<vmem>>, vector<16xf32>,
      %add3A_1276 = arith.constant 240 : i32
      %add3A_1277 = vector.broadcast %add3A_1276 : i32 to vector<16xi32>
      %add3A_1278 = arith.addi %iota3A, %add3A_1277 : vector<16xi32>
      %ge3A_1279 = arith.constant 0.000000e+00 : f32
      %ge3A_1280 = vector.broadcast %ge3A_1279 : f32 to vector<16xf32>
      %ge3A_1281 = arith.cmpf oge, %get3A_1275, %ge3A_1280 : vector<16xf32>
      %jit3A_1282 = arith.constant -1 : i32
      %broadcast_in_dim3A_1283 = vector.broadcast %jit3A_1282 : i32 to vector<16xi32>
      %select_n3A_1284 = arith.select %ge3A_1281, %add3A_1278, %broadcast_in_dim3A_1283 : vector<16xi1>, vector<16xi32>
      %broadcast_in_dim3A_1285 = arith.constant true
      %broadcast_in_dim3A_1286 = vector.broadcast %broadcast_in_dim3A_1285 : i1 to vector<16xi1>
      %masked_cummax3A_1287 = arith.constant -2147483648 : i32
      %masked_cummax3A_1288 = vector.broadcast %masked_cummax3A_1287 : i32 to vector<16xi32>
      %masked_cummax3A_1289 = arith.xori %select_n3A_1284, %masked_cummax3A_1288 : vector<16xi32>
      %masked_cummax3A_1290 = tpu.scan <max>, %masked_cummax3A_1289 masked %broadcast_in_dim3A_1286 : vector<16xi32>, vector<16xi1> -> vector<16xi32>
      %masked_cummax3A_1291 = arith.xori %masked_cummax3A_1290, %masked_cummax3A_1288 : vector<16xi32>
      %lt3A_1292 = arith.constant 0 : i32
      %lt3A_1293 = vector.broadcast %lt3A_1292 : i32 to vector<16xi32>
      %lt3A_1294 = arith.cmpi slt, %max3A_4, %lt3A_1293 : vector<16xi32>
      %add3A_1295 = arith.constant 16 : i32
      %add3A_1296 = vector.broadcast %add3A_1295 : i32 to vector<16xi32>
      %add3A_1297 = arith.addi %max3A_4, %add3A_1296 : vector<16xi32>
      %select_n3A_1298 = arith.select %lt3A_1294, %add3A_1297, %max3A_4 : vector<16xi1>, vector<16xi32>
      %reshape3A_1299 = vector.shape_cast %select_n3A_1298 : vector<16xi32> to vector<16x1xi32>
      %gather3A_1300 = vector.shape_cast %reshape3A_1299 : vector<16x1xi32> to vector<16xi32>
      %gather3A_1301 = tpu.dynamic_gather %masked_cummax3A_1291[%gather3A_1300] in [0] : vector<16xi32>, vector<16xi32> -> vector<16xi32>
      %ge3A_1302 = arith.constant 1 : i32
      %ge3A_1303 = vector.broadcast %ge3A_1302 : i32 to vector<16xi32>
      %ge3A_1304 = arith.cmpi sge, %iota3A, %ge3A_1303 : vector<16xi32>
      %jit3A_1305 = arith.constant -1 : i32
      %broadcast_in_dim3A_1306 = vector.broadcast %jit3A_1305 : i32 to vector<16xi32>
      %select_n3A_1307 = arith.select %ge3A_1304, %gather3A_1301, %broadcast_in_dim3A_1306 : vector<16xi1>, vector<16xi32>
      %max3A_1308 = vector.broadcast %max3A_1258 : i32 to vector<16xi32>
      %max3A_1309 = arith.maxsi %select_n3A_1307, %max3A_1308 : vector<16xi32>
      %lt3A_1310 = arith.constant 0 : i32
      %lt3A_1311 = vector.broadcast %lt3A_1310 : i32 to vector<16xi32>
      %lt3A_1312 = arith.cmpi slt, %max3A_1309, %lt3A_1311 : vector<16xi32>
      %sub3A_1313 = arith.subi %add3A_1278, %max3A_1309 : vector<16xi32>
      %gt3A_1314 = arith.constant 5 : i32
      %gt3A_1315 = vector.broadcast %gt3A_1314 : i32 to vector<16xi32>
      %gt3A_1316 = arith.cmpi sgt, %sub3A_1313, %gt3A_1315 : vector<16xi32>
      %or3A_1317 = arith.ori %lt3A_1312, %gt3A_1316 : vector<16xi1>
      %and3A_1318 = arith.andi %ge3A_1281, %or3A_1317 : vector<16xi1>
      %jit3A_1319 = arith.constant 1 : i32
      %jit3A_1320 = arith.constant 0 : i32
      %broadcast_in_dim3A_1321 = vector.broadcast %jit3A_1319 : i32 to vector<16xi32>
      %broadcast_in_dim3A_1322 = vector.broadcast %jit3A_1320 : i32 to vector<16xi32>
      %select_n3A_1323 = arith.select %and3A_1318, %broadcast_in_dim3A_1321, %broadcast_in_dim3A_1322 : vector<16xi1>, vector<16xi32>
      %broadcast_in_dim3A_1324 = arith.constant true
      %broadcast_in_dim3A_1325 = vector.broadcast %broadcast_in_dim3A_1324 : i1 to vector<16xi1>
      %masked_cumsum3A_1326 = tpu.scan <sum>, %select_n3A_1323 masked %broadcast_in_dim3A_1325 : vector<16xi32>, vector<16xi1> -> vector<16xi32>
      %sub3A_1327 = arith.constant 1 : i32
      %sub3A_1328 = vector.broadcast %sub3A_1327 : i32 to vector<16xi32>
      %sub3A_1329 = arith.subi %masked_cumsum3A_1326, %sub3A_1328 : vector<16xi32>
      %add3A_1330 = vector.broadcast %add3A_1267 : i32 to vector<16xi32>
      %add3A_1331 = arith.addi %sub3A_1329, %add3A_1330 : vector<16xi32>
      tpu.vector_store_idx %arg8[%add3A_1331], %select_n3A masked %ge3A_1281 {add = true} : memref<48xi32, #tpu.memory_space<vmem>>[vector<16xi32>], vector<16xi32>, vector<16xi1>
      tpu.vector_store_idx %arg9[%add3A_1331], %add3A_1278 masked %and3A_1318 : memref<48xi32, #tpu.memory_space<vmem>>[vector<16xi32>], vector<16xi32>, vector<16xi1>
      %reduce_max3A_1332 = arith.constant true
      %reduce_max3A_1333 = vector.broadcast %reduce_max3A_1332 : i1 to vector<16xi1>
      %reduce_max3A_1334 = arith.constant -2147483648 : i32
      %reduce_max3A_1335 = vector.broadcast %reduce_max3A_1334 : i32 to vector<16xi32>
      %reduce_max3A_1336 = arith.xori %select_n3A_1284, %reduce_max3A_1335 : vector<16xi32>
      %reduce_max3A_1337 = tpu.scan <max>, %reduce_max3A_1336 masked %reduce_max3A_1333 : vector<16xi32>, vector<16xi1> -> vector<16xi32>
      %reduce_max3A_1338 = arith.xori %reduce_max3A_1337, %reduce_max3A_1335 : vector<16xi32>
      %reduce_max3A_1339 = vector.extract %reduce_max3A_1338[15] : i32 from vector<16xi32>
      %max3A_1340 = arith.maxsi %max3A_1258, %reduce_max3A_1339 : i32
      %reduce_max3A_1341 = arith.constant true
      %reduce_max3A_1342 = vector.broadcast %reduce_max3A_1341 : i1 to vector<16xi1>
      %reduce_max3A_1343 = arith.constant -2147483648 : i32
      %reduce_max3A_1344 = vector.broadcast %reduce_max3A_1343 : i32 to vector<16xi32>
      %reduce_max3A_1345 = arith.xori %masked_cumsum3A_1326, %reduce_max3A_1344 : vector<16xi32>
      %reduce_max3A_1346 = tpu.scan <max>, %reduce_max3A_1345 masked %reduce_max3A_1342 : vector<16xi32>, vector<16xi1> -> vector<16xi32>
      %reduce_max3A_1347 = arith.xori %reduce_max3A_1346, %reduce_max3A_1344 : vector<16xi32>
      %reduce_max3A_1348 = vector.extract %reduce_max3A_1347[15] : i32 from vector<16xi32>
      %add3A_1349 = arith.addi %add3A_1267, %reduce_max3A_1348 : i32
      %reduce_max3A_1350 = arith.constant true
      %reduce_max3A_1351 = vector.broadcast %reduce_max3A_1350 : i1 to vector<16xi1>
      %reduce_max3A_1352 = tpu.scan <max>, %get3A_1275 masked %reduce_max3A_1351 : vector<16xf32>, vector<16xi1> -> vector<16xf32>
      %reduce_max3A_1353 = vector.extract %reduce_max3A_1352[15] : f32 from vector<16xf32>
      %max3A_1354 = arith.maximumf %max3A_1272, %reduce_max3A_1353 : f32
      %get3A_1355 = arith.constant 0 : index
      %get3A_1356 = tpu.vector_load %arg8[%get3A_1355] {strides = array<i32>} : memref<48xi32, #tpu.memory_space<vmem>>, vector<16xi32>,
      %add3A_1357 = arith.constant 0 : i32
      %add3A_1358 = vector.broadcast %add3A_1357 : i32 to vector<16xi32>
      %add3A_1359 = arith.addi %iota3A, %add3A_1358 : vector<16xi32>
      %lt3A_1360 = vector.broadcast %add3A_1349 : i32 to vector<16xi32>
      %lt3A_1361 = arith.cmpi slt, %add3A_1359, %lt3A_1360 : vector<16xi32>
      %mul3A_1362 = arith.constant 512 : i32
      %mul3A_1363 = vector.broadcast %mul3A_1362 : i32 to vector<16xi32>
      %mul3A_1364 = arith.muli %get3A_1356, %mul3A_1363 : vector<16xi32>
      %add3A_1365 = arith.addi %mul3A_1364, %add3A_1359 : vector<16xi32>
      %jit3A_1366 = arith.constant 1073741824 : i32
      %broadcast_in_dim3A_1367 = vector.broadcast %jit3A_1366 : i32 to vector<16xi32>
      %select_n3A_1368 = arith.select %lt3A_1361, %add3A_1365, %broadcast_in_dim3A_1367 : vector<16xi1>, vector<16xi32>
      %reduce_min3A = arith.constant true
      %reduce_min3A_1369 = vector.broadcast %reduce_min3A : i1 to vector<16xi1>
      %reduce_min3A_1370 = arith.constant -2147483648 : i32
      %reduce_min3A_1371 = vector.broadcast %reduce_min3A_1370 : i32 to vector<16xi32>
      %reduce_min3A_1372 = arith.xori %select_n3A_1368, %reduce_min3A_1371 : vector<16xi32>
      %reduce_min3A_1373 = tpu.scan <min>, %reduce_min3A_1372 masked %reduce_min3A_1369 : vector<16xi32>, vector<16xi1> -> vector<16xi32>
      %reduce_min3A_1374 = arith.xori %reduce_min3A_1373, %reduce_min3A_1371 : vector<16xi32>
      %reduce_min3A_1375 = vector.extract %reduce_min3A_1374[15] : i32 from vector<16xi32>
      %min3A = arith.constant 1073741824 : i32
      %min3A_1376 = arith.minsi %min3A, %reduce_min3A_1375 : i32
      %get3A_1377 = arith.constant 16 : index
      %get3A_1378 = tpu.vector_load %arg8[%get3A_1377] {strides = array<i32>} : memref<48xi32, #tpu.memory_space<vmem>>, vector<16xi32>,
      %add3A_1379 = arith.constant 16 : i32
      %add3A_1380 = vector.broadcast %add3A_1379 : i32 to vector<16xi32>
      %add3A_1381 = arith.addi %iota3A, %add3A_1380 : vector<16xi32>
      %lt3A_1382 = vector.broadcast %add3A_1349 : i32 to vector<16xi32>
      %lt3A_1383 = arith.cmpi slt, %add3A_1381, %lt3A_1382 : vector<16xi32>
      %mul3A_1384 = arith.constant 512 : i32
      %mul3A_1385 = vector.broadcast %mul3A_1384 : i32 to vector<16xi32>
      %mul3A_1386 = arith.muli %get3A_1378, %mul3A_1385 : vector<16xi32>
      %add3A_1387 = arith.addi %mul3A_1386, %add3A_1381 : vector<16xi32>
      %jit3A_1388 = arith.constant 1073741824 : i32
      %broadcast_in_dim3A_1389 = vector.broadcast %jit3A_1388 : i32 to vector<16xi32>
      %select_n3A_1390 = arith.select %lt3A_1383, %add3A_1387, %broadcast_in_dim3A_1389 : vector<16xi1>, vector<16xi32>
      %reduce_min3A_1391 = arith.constant true
      %reduce_min3A_1392 = vector.broadcast %reduce_min3A_1391 : i1 to vector<16xi1>
      %reduce_min3A_1393 = arith.constant -2147483648 : i32
      %reduce_min3A_1394 = vector.broadcast %reduce_min3A_1393 : i32 to vector<16xi32>
      %reduce_min3A_1395 = arith.xori %select_n3A_1390, %reduce_min3A_1394 : vector<16xi32>
      %reduce_min3A_1396 = tpu.scan <min>, %reduce_min3A_1395 masked %reduce_min3A_1392 : vector<16xi32>, vector<16xi1> -> vector<16xi32>
      %reduce_min3A_1397 = arith.xori %reduce_min3A_1396, %reduce_min3A_1394 : vector<16xi32>
      %reduce_min3A_1398 = vector.extract %reduce_min3A_1397[15] : i32 from vector<16xi32>
      %min3A_1399 = arith.minsi %min3A_1376, %reduce_min3A_1398 : i32
      %get3A_1400 = arith.constant 32 : index
      %get3A_1401 = tpu.vector_load %arg8[%get3A_1400] {strides = array<i32>} : memref<48xi32, #tpu.memory_space<vmem>>, vector<16xi32>,
      %add3A_1402 = arith.constant 32 : i32
      %add3A_1403 = vector.broadcast %add3A_1402 : i32 to vector<16xi32>
      %add3A_1404 = arith.addi %iota3A, %add3A_1403 : vector<16xi32>
      %lt3A_1405 = vector.broadcast %add3A_1349 : i32 to vector<16xi32>
      %lt3A_1406 = arith.cmpi slt, %add3A_1404, %lt3A_1405 : vector<16xi32>
      %mul3A_1407 = arith.constant 512 : i32
      %mul3A_1408 = vector.broadcast %mul3A_1407 : i32 to vector<16xi32>
      %mul3A_1409 = arith.muli %get3A_1401, %mul3A_1408 : vector<16xi32>
      %add3A_1410 = arith.addi %mul3A_1409, %add3A_1404 : vector<16xi32>
      %jit3A_1411 = arith.constant 1073741824 : i32
      %broadcast_in_dim3A_1412 = vector.broadcast %jit3A_1411 : i32 to vector<16xi32>
      %select_n3A_1413 = arith.select %lt3A_1406, %add3A_1410, %broadcast_in_dim3A_1412 : vector<16xi1>, vector<16xi32>
      %reduce_min3A_1414 = arith.constant true
      %reduce_min3A_1415 = vector.broadcast %reduce_min3A_1414 : i1 to vector<16xi1>
      %reduce_min3A_1416 = arith.constant -2147483648 : i32
      %reduce_min3A_1417 = vector.broadcast %reduce_min3A_1416 : i32 to vector<16xi32>
      %reduce_min3A_1418 = arith.xori %select_n3A_1413, %reduce_min3A_1417 : vector<16xi32>
      %reduce_min3A_1419 = tpu.scan <min>, %reduce_min3A_1418 masked %reduce_min3A_1415 : vector<16xi32>, vector<16xi1> -> vector<16xi32>
      %reduce_min3A_1420 = arith.xori %reduce_min3A_1419, %reduce_min3A_1417 : vector<16xi32>
      %reduce_min3A_1421 = vector.extract %reduce_min3A_1420[15] : i32 from vector<16xi32>
      %min3A_1422 = arith.minsi %min3A_1399, %reduce_min3A_1421 : i32
      %and3A_1423 = arith.constant 511 : i32
      %and3A_1424 = arith.andi %min3A_1422, %and3A_1423 : i32
      %min3A_1425 = arith.constant 47 : i32
      %min3A_1426 = arith.minsi %and3A_1424, %min3A_1425 : i32
      %broadcast_in_dim3A_1427 = vector.broadcast %min3A_1426 : i32 to vector<16xi32>
      %gather3A_1428 = tpu.vector_load_idx %arg9[%broadcast_in_dim3A_1427] : memref<48xi32, #tpu.memory_space<vmem>>[vector<16xi32>], vector<16xi32>,
      %add3A_1429 = arith.constant 1 : i32
      %add3A_1430 = arith.addi %min3A_1426, %add3A_1429 : i32
      %min3A_1431 = arith.constant 47 : i32
      %min3A_1432 = arith.minsi %add3A_1430, %min3A_1431 : i32
      %broadcast_in_dim3A_1433 = vector.broadcast %min3A_1432 : i32 to vector<16xi32>
      %gather3A_1434 = tpu.vector_load_idx %arg9[%broadcast_in_dim3A_1433] : memref<48xi32, #tpu.memory_space<vmem>>[vector<16xi32>], vector<16xi32>,
      %gt3A_1435 = arith.constant 0 : i32
      %gt3A_1436 = arith.cmpi sgt, %add3A_1349, %gt3A_1435 : i32
      %reduce_max3A_1437 = arith.constant true
      %reduce_max3A_1438 = vector.broadcast %reduce_max3A_1437 : i1 to vector<16xi1>
      %reduce_max3A_1439 = arith.constant -2147483648 : i32
      %reduce_max3A_1440 = vector.broadcast %reduce_max3A_1439 : i32 to vector<16xi32>
      %reduce_max3A_1441 = arith.xori %gather3A_1428, %reduce_max3A_1440 : vector<16xi32>
      %reduce_max3A_1442 = tpu.scan <max>, %reduce_max3A_1441 masked %reduce_max3A_1438 : vector<16xi32>, vector<16xi1> -> vector<16xi32>
      %reduce_max3A_1443 = arith.xori %reduce_max3A_1442, %reduce_max3A_1440 : vector<16xi32>
      %reduce_max3A_1444 = vector.extract %reduce_max3A_1443[15] : i32 from vector<16xi32>
      %jit3A_1445 = arith.constant 257 : i32
      %select_n3A_1446 = arith.select %gt3A_1436, %reduce_max3A_1444, %jit3A_1445 : i32
      %add3A_1447 = arith.constant 1 : i32
      %add3A_1448 = arith.addi %and3A_1424, %add3A_1447 : i32
      %lt3A_1449 = arith.cmpi slt, %add3A_1448, %add3A_1349 : i32
      %reduce_max3A_1450 = arith.constant true
      %reduce_max3A_1451 = vector.broadcast %reduce_max3A_1450 : i1 to vector<16xi1>
      %reduce_max3A_1452 = arith.constant -2147483648 : i32
      %reduce_max3A_1453 = vector.broadcast %reduce_max3A_1452 : i32 to vector<16xi32>
      %reduce_max3A_1454 = arith.xori %gather3A_1434, %reduce_max3A_1453 : vector<16xi32>
      %reduce_max3A_1455 = tpu.scan <max>, %reduce_max3A_1454 masked %reduce_max3A_1451 : vector<16xi32>, vector<16xi1> -> vector<16xi32>
      %reduce_max3A_1456 = arith.xori %reduce_max3A_1455, %reduce_max3A_1453 : vector<16xi32>
      %reduce_max3A_1457 = vector.extract %reduce_max3A_1456[15] : i32 from vector<16xi32>
      %jit3A_1458 = arith.constant 256 : i32
      %select_n3A_1459 = arith.select %lt3A_1449, %reduce_max3A_1457, %jit3A_1458 : i32
      %get3A_1460 = arith.index_cast %scan3A_30 : i32 to index
      %get3A_1461 = arith.constant 0 : index
      %get3A_1462 = tpu.vector_load %arg6[%get3A_1460, %get3A_1461] {strides = array<i32>} : memref<64x256xf32, #tpu.memory_space<vmem>>, vector<16xf32>,
      %add3A_1463 = arith.constant 0 : i32
      %add3A_1464 = vector.broadcast %add3A_1463 : i32 to vector<16xi32>
      %add3A_1465 = arith.addi %iota3A, %add3A_1464 : vector<16xi32>
      %ge3A_1466 = vector.broadcast %select_n3A_1446 : i32 to vector<16xi32>
      %ge3A_1467 = arith.cmpi sge, %add3A_1465, %ge3A_1466 : vector<16xi32>
      %lt3A_1468 = vector.broadcast %select_n3A_1459 : i32 to vector<16xi32>
      %lt3A_1469 = arith.cmpi slt, %add3A_1465, %lt3A_1468 : vector<16xi32>
      %and3A_1470 = arith.andi %ge3A_1467, %lt3A_1469 : vector<16xi1>
      %jit3A_1471 = arith.constant -3.000000e+38 : f32
      %broadcast_in_dim3A_1472 = vector.broadcast %jit3A_1471 : f32 to vector<16xf32>
      %select_n3A_1473 = arith.select %and3A_1470, %get3A_1462, %broadcast_in_dim3A_1472 : vector<16xi1>, vector<16xf32>
      %reduce_max3A_1474 = arith.constant true
      %reduce_max3A_1475 = vector.broadcast %reduce_max3A_1474 : i1 to vector<16xi1>
      %reduce_max3A_1476 = tpu.scan <max>, %select_n3A_1473 masked %reduce_max3A_1475 : vector<16xf32>, vector<16xi1> -> vector<16xf32>
      %reduce_max3A_1477 = vector.extract %reduce_max3A_1476[15] : f32 from vector<16xf32>
      %max3A_1478 = arith.constant -3.000000e+38 : f32
      %max3A_1479 = arith.maximumf %max3A_1478, %reduce_max3A_1477 : f32
      %get3A_1480 = arith.index_cast %scan3A_30 : i32 to index
      %get3A_1481 = arith.constant 16 : index
      %get3A_1482 = tpu.vector_load %arg6[%get3A_1480, %get3A_1481] {strides = array<i32>} : memref<64x256xf32, #tpu.memory_space<vmem>>, vector<16xf32>,
      %add3A_1483 = arith.constant 16 : i32
      %add3A_1484 = vector.broadcast %add3A_1483 : i32 to vector<16xi32>
      %add3A_1485 = arith.addi %iota3A, %add3A_1484 : vector<16xi32>
      %ge3A_1486 = vector.broadcast %select_n3A_1446 : i32 to vector<16xi32>
      %ge3A_1487 = arith.cmpi sge, %add3A_1485, %ge3A_1486 : vector<16xi32>
      %lt3A_1488 = vector.broadcast %select_n3A_1459 : i32 to vector<16xi32>
      %lt3A_1489 = arith.cmpi slt, %add3A_1485, %lt3A_1488 : vector<16xi32>
      %and3A_1490 = arith.andi %ge3A_1487, %lt3A_1489 : vector<16xi1>
      %jit3A_1491 = arith.constant -3.000000e+38 : f32
      %broadcast_in_dim3A_1492 = vector.broadcast %jit3A_1491 : f32 to vector<16xf32>
      %select_n3A_1493 = arith.select %and3A_1490, %get3A_1482, %broadcast_in_dim3A_1492 : vector<16xi1>, vector<16xf32>
      %reduce_max3A_1494 = arith.constant true
      %reduce_max3A_1495 = vector.broadcast %reduce_max3A_1494 : i1 to vector<16xi1>
      %reduce_max3A_1496 = tpu.scan <max>, %select_n3A_1493 masked %reduce_max3A_1495 : vector<16xf32>, vector<16xi1> -> vector<16xf32>
      %reduce_max3A_1497 = vector.extract %reduce_max3A_1496[15] : f32 from vector<16xf32>
      %max3A_1498 = arith.maximumf %max3A_1479, %reduce_max3A_1497 : f32
      %get3A_1499 = arith.index_cast %scan3A_30 : i32 to index
      %get3A_1500 = arith.constant 32 : index
      %get3A_1501 = tpu.vector_load %arg6[%get3A_1499, %get3A_1500] {strides = array<i32>} : memref<64x256xf32, #tpu.memory_space<vmem>>, vector<16xf32>,
      %add3A_1502 = arith.constant 32 : i32
      %add3A_1503 = vector.broadcast %add3A_1502 : i32 to vector<16xi32>
      %add3A_1504 = arith.addi %iota3A, %add3A_1503 : vector<16xi32>
      %ge3A_1505 = vector.broadcast %select_n3A_1446 : i32 to vector<16xi32>
      %ge3A_1506 = arith.cmpi sge, %add3A_1504, %ge3A_1505 : vector<16xi32>
      %lt3A_1507 = vector.broadcast %select_n3A_1459 : i32 to vector<16xi32>
      %lt3A_1508 = arith.cmpi slt, %add3A_1504, %lt3A_1507 : vector<16xi32>
      %and3A_1509 = arith.andi %ge3A_1506, %lt3A_1508 : vector<16xi1>
      %jit3A_1510 = arith.constant -3.000000e+38 : f32
      %broadcast_in_dim3A_1511 = vector.broadcast %jit3A_1510 : f32 to vector<16xf32>
      %select_n3A_1512 = arith.select %and3A_1509, %get3A_1501, %broadcast_in_dim3A_1511 : vector<16xi1>, vector<16xf32>
      %reduce_max3A_1513 = arith.constant true
      %reduce_max3A_1514 = vector.broadcast %reduce_max3A_1513 : i1 to vector<16xi1>
      %reduce_max3A_1515 = tpu.scan <max>, %select_n3A_1512 masked %reduce_max3A_1514 : vector<16xf32>, vector<16xi1> -> vector<16xf32>
      %reduce_max3A_1516 = vector.extract %reduce_max3A_1515[15] : f32 from vector<16xf32>
      %max3A_1517 = arith.maximumf %max3A_1498, %reduce_max3A_1516 : f32
      %get3A_1518 = arith.index_cast %scan3A_30 : i32 to index
      %get3A_1519 = arith.constant 48 : index
      %get3A_1520 = tpu.vector_load %arg6[%get3A_1518, %get3A_1519] {strides = array<i32>} : memref<64x256xf32, #tpu.memory_space<vmem>>, vector<16xf32>,
      %add3A_1521 = arith.constant 48 : i32
      %add3A_1522 = vector.broadcast %add3A_1521 : i32 to vector<16xi32>
      %add3A_1523 = arith.addi %iota3A, %add3A_1522 : vector<16xi32>
      %ge3A_1524 = vector.broadcast %select_n3A_1446 : i32 to vector<16xi32>
      %ge3A_1525 = arith.cmpi sge, %add3A_1523, %ge3A_1524 : vector<16xi32>
      %lt3A_1526 = vector.broadcast %select_n3A_1459 : i32 to vector<16xi32>
      %lt3A_1527 = arith.cmpi slt, %add3A_1523, %lt3A_1526 : vector<16xi32>
      %and3A_1528 = arith.andi %ge3A_1525, %lt3A_1527 : vector<16xi1>
      %jit3A_1529 = arith.constant -3.000000e+38 : f32
      %broadcast_in_dim3A_1530 = vector.broadcast %jit3A_1529 : f32 to vector<16xf32>
      %select_n3A_1531 = arith.select %and3A_1528, %get3A_1520, %broadcast_in_dim3A_1530 : vector<16xi1>, vector<16xf32>
      %reduce_max3A_1532 = arith.constant true
      %reduce_max3A_1533 = vector.broadcast %reduce_max3A_1532 : i1 to vector<16xi1>
      %reduce_max3A_1534 = tpu.scan <max>, %select_n3A_1531 masked %reduce_max3A_1533 : vector<16xf32>, vector<16xi1> -> vector<16xf32>
      %reduce_max3A_1535 = vector.extract %reduce_max3A_1534[15] : f32 from vector<16xf32>
      %max3A_1536 = arith.maximumf %max3A_1517, %reduce_max3A_1535 : f32
      %get3A_1537 = arith.index_cast %scan3A_30 : i32 to index
      %get3A_1538 = arith.constant 64 : index
      %get3A_1539 = tpu.vector_load %arg6[%get3A_1537, %get3A_1538] {strides = array<i32>} : memref<64x256xf32, #tpu.memory_space<vmem>>, vector<16xf32>,
      %add3A_1540 = arith.constant 64 : i32
      %add3A_1541 = vector.broadcast %add3A_1540 : i32 to vector<16xi32>
      %add3A_1542 = arith.addi %iota3A, %add3A_1541 : vector<16xi32>
      %ge3A_1543 = vector.broadcast %select_n3A_1446 : i32 to vector<16xi32>
      %ge3A_1544 = arith.cmpi sge, %add3A_1542, %ge3A_1543 : vector<16xi32>
      %lt3A_1545 = vector.broadcast %select_n3A_1459 : i32 to vector<16xi32>
      %lt3A_1546 = arith.cmpi slt, %add3A_1542, %lt3A_1545 : vector<16xi32>
      %and3A_1547 = arith.andi %ge3A_1544, %lt3A_1546 : vector<16xi1>
      %jit3A_1548 = arith.constant -3.000000e+38 : f32
      %broadcast_in_dim3A_1549 = vector.broadcast %jit3A_1548 : f32 to vector<16xf32>
      %select_n3A_1550 = arith.select %and3A_1547, %get3A_1539, %broadcast_in_dim3A_1549 : vector<16xi1>, vector<16xf32>
      %reduce_max3A_1551 = arith.constant true
      %reduce_max3A_1552 = vector.broadcast %reduce_max3A_1551 : i1 to vector<16xi1>
      %reduce_max3A_1553 = tpu.scan <max>, %select_n3A_1550 masked %reduce_max3A_1552 : vector<16xf32>, vector<16xi1> -> vector<16xf32>
      %reduce_max3A_1554 = vector.extract %reduce_max3A_1553[15] : f32 from vector<16xf32>
      %max3A_1555 = arith.maximumf %max3A_1536, %reduce_max3A_1554 : f32
      %get3A_1556 = arith.index_cast %scan3A_30 : i32 to index
      %get3A_1557 = arith.constant 80 : index
      %get3A_1558 = tpu.vector_load %arg6[%get3A_1556, %get3A_1557] {strides = array<i32>} : memref<64x256xf32, #tpu.memory_space<vmem>>, vector<16xf32>,
      %add3A_1559 = arith.constant 80 : i32
      %add3A_1560 = vector.broadcast %add3A_1559 : i32 to vector<16xi32>
      %add3A_1561 = arith.addi %iota3A, %add3A_1560 : vector<16xi32>
      %ge3A_1562 = vector.broadcast %select_n3A_1446 : i32 to vector<16xi32>
      %ge3A_1563 = arith.cmpi sge, %add3A_1561, %ge3A_1562 : vector<16xi32>
      %lt3A_1564 = vector.broadcast %select_n3A_1459 : i32 to vector<16xi32>
      %lt3A_1565 = arith.cmpi slt, %add3A_1561, %lt3A_1564 : vector<16xi32>
      %and3A_1566 = arith.andi %ge3A_1563, %lt3A_1565 : vector<16xi1>
      %jit3A_1567 = arith.constant -3.000000e+38 : f32
      %broadcast_in_dim3A_1568 = vector.broadcast %jit3A_1567 : f32 to vector<16xf32>
      %select_n3A_1569 = arith.select %and3A_1566, %get3A_1558, %broadcast_in_dim3A_1568 : vector<16xi1>, vector<16xf32>
      %reduce_max3A_1570 = arith.constant true
      %reduce_max3A_1571 = vector.broadcast %reduce_max3A_1570 : i1 to vector<16xi1>
      %reduce_max3A_1572 = tpu.scan <max>, %select_n3A_1569 masked %reduce_max3A_1571 : vector<16xf32>, vector<16xi1> -> vector<16xf32>
      %reduce_max3A_1573 = vector.extract %reduce_max3A_1572[15] : f32 from vector<16xf32>
      %max3A_1574 = arith.maximumf %max3A_1555, %reduce_max3A_1573 : f32
      %get3A_1575 = arith.index_cast %scan3A_30 : i32 to index
      %get3A_1576 = arith.constant 96 : index
      %get3A_1577 = tpu.vector_load %arg6[%get3A_1575, %get3A_1576] {strides = array<i32>} : memref<64x256xf32, #tpu.memory_space<vmem>>, vector<16xf32>,
      %add3A_1578 = arith.constant 96 : i32
      %add3A_1579 = vector.broadcast %add3A_1578 : i32 to vector<16xi32>
      %add3A_1580 = arith.addi %iota3A, %add3A_1579 : vector<16xi32>
      %ge3A_1581 = vector.broadcast %select_n3A_1446 : i32 to vector<16xi32>
      %ge3A_1582 = arith.cmpi sge, %add3A_1580, %ge3A_1581 : vector<16xi32>
      %lt3A_1583 = vector.broadcast %select_n3A_1459 : i32 to vector<16xi32>
      %lt3A_1584 = arith.cmpi slt, %add3A_1580, %lt3A_1583 : vector<16xi32>
      %and3A_1585 = arith.andi %ge3A_1582, %lt3A_1584 : vector<16xi1>
      %jit3A_1586 = arith.constant -3.000000e+38 : f32
      %broadcast_in_dim3A_1587 = vector.broadcast %jit3A_1586 : f32 to vector<16xf32>
      %select_n3A_1588 = arith.select %and3A_1585, %get3A_1577, %broadcast_in_dim3A_1587 : vector<16xi1>, vector<16xf32>
      %reduce_max3A_1589 = arith.constant true
      %reduce_max3A_1590 = vector.broadcast %reduce_max3A_1589 : i1 to vector<16xi1>
      %reduce_max3A_1591 = tpu.scan <max>, %select_n3A_1588 masked %reduce_max3A_1590 : vector<16xf32>, vector<16xi1> -> vector<16xf32>
      %reduce_max3A_1592 = vector.extract %reduce_max3A_1591[15] : f32 from vector<16xf32>
      %max3A_1593 = arith.maximumf %max3A_1574, %reduce_max3A_1592 : f32
      %get3A_1594 = arith.index_cast %scan3A_30 : i32 to index
      %get3A_1595 = arith.constant 112 : index
      %get3A_1596 = tpu.vector_load %arg6[%get3A_1594, %get3A_1595] {strides = array<i32>} : memref<64x256xf32, #tpu.memory_space<vmem>>, vector<16xf32>,
      %add3A_1597 = arith.constant 112 : i32
      %add3A_1598 = vector.broadcast %add3A_1597 : i32 to vector<16xi32>
      %add3A_1599 = arith.addi %iota3A, %add3A_1598 : vector<16xi32>
      %ge3A_1600 = vector.broadcast %select_n3A_1446 : i32 to vector<16xi32>
      %ge3A_1601 = arith.cmpi sge, %add3A_1599, %ge3A_1600 : vector<16xi32>
      %lt3A_1602 = vector.broadcast %select_n3A_1459 : i32 to vector<16xi32>
      %lt3A_1603 = arith.cmpi slt, %add3A_1599, %lt3A_1602 : vector<16xi32>
      %and3A_1604 = arith.andi %ge3A_1601, %lt3A_1603 : vector<16xi1>
      %jit3A_1605 = arith.constant -3.000000e+38 : f32
      %broadcast_in_dim3A_1606 = vector.broadcast %jit3A_1605 : f32 to vector<16xf32>
      %select_n3A_1607 = arith.select %and3A_1604, %get3A_1596, %broadcast_in_dim3A_1606 : vector<16xi1>, vector<16xf32>
      %reduce_max3A_1608 = arith.constant true
      %reduce_max3A_1609 = vector.broadcast %reduce_max3A_1608 : i1 to vector<16xi1>
      %reduce_max3A_1610 = tpu.scan <max>, %select_n3A_1607 masked %reduce_max3A_1609 : vector<16xf32>, vector<16xi1> -> vector<16xf32>
      %reduce_max3A_1611 = vector.extract %reduce_max3A_1610[15] : f32 from vector<16xf32>
      %max3A_1612 = arith.maximumf %max3A_1593, %reduce_max3A_1611 : f32
      %get3A_1613 = arith.index_cast %scan3A_30 : i32 to index
      %get3A_1614 = arith.constant 128 : index
      %get3A_1615 = tpu.vector_load %arg6[%get3A_1613, %get3A_1614] {strides = array<i32>} : memref<64x256xf32, #tpu.memory_space<vmem>>, vector<16xf32>,
      %add3A_1616 = arith.constant 128 : i32
      %add3A_1617 = vector.broadcast %add3A_1616 : i32 to vector<16xi32>
      %add3A_1618 = arith.addi %iota3A, %add3A_1617 : vector<16xi32>
      %ge3A_1619 = vector.broadcast %select_n3A_1446 : i32 to vector<16xi32>
      %ge3A_1620 = arith.cmpi sge, %add3A_1618, %ge3A_1619 : vector<16xi32>
      %lt3A_1621 = vector.broadcast %select_n3A_1459 : i32 to vector<16xi32>
      %lt3A_1622 = arith.cmpi slt, %add3A_1618, %lt3A_1621 : vector<16xi32>
      %and3A_1623 = arith.andi %ge3A_1620, %lt3A_1622 : vector<16xi1>
      %jit3A_1624 = arith.constant -3.000000e+38 : f32
      %broadcast_in_dim3A_1625 = vector.broadcast %jit3A_1624 : f32 to vector<16xf32>
      %select_n3A_1626 = arith.select %and3A_1623, %get3A_1615, %broadcast_in_dim3A_1625 : vector<16xi1>, vector<16xf32>
      %reduce_max3A_1627 = arith.constant true
      %reduce_max3A_1628 = vector.broadcast %reduce_max3A_1627 : i1 to vector<16xi1>
      %reduce_max3A_1629 = tpu.scan <max>, %select_n3A_1626 masked %reduce_max3A_1628 : vector<16xf32>, vector<16xi1> -> vector<16xf32>
      %reduce_max3A_1630 = vector.extract %reduce_max3A_1629[15] : f32 from vector<16xf32>
      %max3A_1631 = arith.maximumf %max3A_1612, %reduce_max3A_1630 : f32
      %get3A_1632 = arith.index_cast %scan3A_30 : i32 to index
      %get3A_1633 = arith.constant 144 : index
      %get3A_1634 = tpu.vector_load %arg6[%get3A_1632, %get3A_1633] {strides = array<i32>} : memref<64x256xf32, #tpu.memory_space<vmem>>, vector<16xf32>,
      %add3A_1635 = arith.constant 144 : i32
      %add3A_1636 = vector.broadcast %add3A_1635 : i32 to vector<16xi32>
      %add3A_1637 = arith.addi %iota3A, %add3A_1636 : vector<16xi32>
      %ge3A_1638 = vector.broadcast %select_n3A_1446 : i32 to vector<16xi32>
      %ge3A_1639 = arith.cmpi sge, %add3A_1637, %ge3A_1638 : vector<16xi32>
      %lt3A_1640 = vector.broadcast %select_n3A_1459 : i32 to vector<16xi32>
      %lt3A_1641 = arith.cmpi slt, %add3A_1637, %lt3A_1640 : vector<16xi32>
      %and3A_1642 = arith.andi %ge3A_1639, %lt3A_1641 : vector<16xi1>
      %jit3A_1643 = arith.constant -3.000000e+38 : f32
      %broadcast_in_dim3A_1644 = vector.broadcast %jit3A_1643 : f32 to vector<16xf32>
      %select_n3A_1645 = arith.select %and3A_1642, %get3A_1634, %broadcast_in_dim3A_1644 : vector<16xi1>, vector<16xf32>
      %reduce_max3A_1646 = arith.constant true
      %reduce_max3A_1647 = vector.broadcast %reduce_max3A_1646 : i1 to vector<16xi1>
      %reduce_max3A_1648 = tpu.scan <max>, %select_n3A_1645 masked %reduce_max3A_1647 : vector<16xf32>, vector<16xi1> -> vector<16xf32>
      %reduce_max3A_1649 = vector.extract %reduce_max3A_1648[15] : f32 from vector<16xf32>
      %max3A_1650 = arith.maximumf %max3A_1631, %reduce_max3A_1649 : f32
      %get3A_1651 = arith.index_cast %scan3A_30 : i32 to index
      %get3A_1652 = arith.constant 160 : index
      %get3A_1653 = tpu.vector_load %arg6[%get3A_1651, %get3A_1652] {strides = array<i32>} : memref<64x256xf32, #tpu.memory_space<vmem>>, vector<16xf32>,
      %add3A_1654 = arith.constant 160 : i32
      %add3A_1655 = vector.broadcast %add3A_1654 : i32 to vector<16xi32>
      %add3A_1656 = arith.addi %iota3A, %add3A_1655 : vector<16xi32>
      %ge3A_1657 = vector.broadcast %select_n3A_1446 : i32 to vector<16xi32>
      %ge3A_1658 = arith.cmpi sge, %add3A_1656, %ge3A_1657 : vector<16xi32>
      %lt3A_1659 = vector.broadcast %select_n3A_1459 : i32 to vector<16xi32>
      %lt3A_1660 = arith.cmpi slt, %add3A_1656, %lt3A_1659 : vector<16xi32>
      %and3A_1661 = arith.andi %ge3A_1658, %lt3A_1660 : vector<16xi1>
      %jit3A_1662 = arith.constant -3.000000e+38 : f32
      %broadcast_in_dim3A_1663 = vector.broadcast %jit3A_1662 : f32 to vector<16xf32>
      %select_n3A_1664 = arith.select %and3A_1661, %get3A_1653, %broadcast_in_dim3A_1663 : vector<16xi1>, vector<16xf32>
      %reduce_max3A_1665 = arith.constant true
      %reduce_max3A_1666 = vector.broadcast %reduce_max3A_1665 : i1 to vector<16xi1>
      %reduce_max3A_1667 = tpu.scan <max>, %select_n3A_1664 masked %reduce_max3A_1666 : vector<16xf32>, vector<16xi1> -> vector<16xf32>
      %reduce_max3A_1668 = vector.extract %reduce_max3A_1667[15] : f32 from vector<16xf32>
      %max3A_1669 = arith.maximumf %max3A_1650, %reduce_max3A_1668 : f32
      %get3A_1670 = arith.index_cast %scan3A_30 : i32 to index
      %get3A_1671 = arith.constant 176 : index
      %get3A_1672 = tpu.vector_load %arg6[%get3A_1670, %get3A_1671] {strides = array<i32>} : memref<64x256xf32, #tpu.memory_space<vmem>>, vector<16xf32>,
      %add3A_1673 = arith.constant 176 : i32
      %add3A_1674 = vector.broadcast %add3A_1673 : i32 to vector<16xi32>
      %add3A_1675 = arith.addi %iota3A, %add3A_1674 : vector<16xi32>
      %ge3A_1676 = vector.broadcast %select_n3A_1446 : i32 to vector<16xi32>
      %ge3A_1677 = arith.cmpi sge, %add3A_1675, %ge3A_1676 : vector<16xi32>
      %lt3A_1678 = vector.broadcast %select_n3A_1459 : i32 to vector<16xi32>
      %lt3A_1679 = arith.cmpi slt, %add3A_1675, %lt3A_1678 : vector<16xi32>
      %and3A_1680 = arith.andi %ge3A_1677, %lt3A_1679 : vector<16xi1>
      %jit3A_1681 = arith.constant -3.000000e+38 : f32
      %broadcast_in_dim3A_1682 = vector.broadcast %jit3A_1681 : f32 to vector<16xf32>
      %select_n3A_1683 = arith.select %and3A_1680, %get3A_1672, %broadcast_in_dim3A_1682 : vector<16xi1>, vector<16xf32>
      %reduce_max3A_1684 = arith.constant true
      %reduce_max3A_1685 = vector.broadcast %reduce_max3A_1684 : i1 to vector<16xi1>
      %reduce_max3A_1686 = tpu.scan <max>, %select_n3A_1683 masked %reduce_max3A_1685 : vector<16xf32>, vector<16xi1> -> vector<16xf32>
      %reduce_max3A_1687 = vector.extract %reduce_max3A_1686[15] : f32 from vector<16xf32>
      %max3A_1688 = arith.maximumf %max3A_1669, %reduce_max3A_1687 : f32
      %get3A_1689 = arith.index_cast %scan3A_30 : i32 to index
      %get3A_1690 = arith.constant 192 : index
      %get3A_1691 = tpu.vector_load %arg6[%get3A_1689, %get3A_1690] {strides = array<i32>} : memref<64x256xf32, #tpu.memory_space<vmem>>, vector<16xf32>,
      %add3A_1692 = arith.constant 192 : i32
      %add3A_1693 = vector.broadcast %add3A_1692 : i32 to vector<16xi32>
      %add3A_1694 = arith.addi %iota3A, %add3A_1693 : vector<16xi32>
      %ge3A_1695 = vector.broadcast %select_n3A_1446 : i32 to vector<16xi32>
      %ge3A_1696 = arith.cmpi sge, %add3A_1694, %ge3A_1695 : vector<16xi32>
      %lt3A_1697 = vector.broadcast %select_n3A_1459 : i32 to vector<16xi32>
      %lt3A_1698 = arith.cmpi slt, %add3A_1694, %lt3A_1697 : vector<16xi32>
      %and3A_1699 = arith.andi %ge3A_1696, %lt3A_1698 : vector<16xi1>
      %jit3A_1700 = arith.constant -3.000000e+38 : f32
      %broadcast_in_dim3A_1701 = vector.broadcast %jit3A_1700 : f32 to vector<16xf32>
      %select_n3A_1702 = arith.select %and3A_1699, %get3A_1691, %broadcast_in_dim3A_1701 : vector<16xi1>, vector<16xf32>
      %reduce_max3A_1703 = arith.constant true
      %reduce_max3A_1704 = vector.broadcast %reduce_max3A_1703 : i1 to vector<16xi1>
      %reduce_max3A_1705 = tpu.scan <max>, %select_n3A_1702 masked %reduce_max3A_1704 : vector<16xf32>, vector<16xi1> -> vector<16xf32>
      %reduce_max3A_1706 = vector.extract %reduce_max3A_1705[15] : f32 from vector<16xf32>
      %max3A_1707 = arith.maximumf %max3A_1688, %reduce_max3A_1706 : f32
      %get3A_1708 = arith.index_cast %scan3A_30 : i32 to index
      %get3A_1709 = arith.constant 208 : index
      %get3A_1710 = tpu.vector_load %arg6[%get3A_1708, %get3A_1709] {strides = array<i32>} : memref<64x256xf32, #tpu.memory_space<vmem>>, vector<16xf32>,
      %add3A_1711 = arith.constant 208 : i32
      %add3A_1712 = vector.broadcast %add3A_1711 : i32 to vector<16xi32>
      %add3A_1713 = arith.addi %iota3A, %add3A_1712 : vector<16xi32>
      %ge3A_1714 = vector.broadcast %select_n3A_1446 : i32 to vector<16xi32>
      %ge3A_1715 = arith.cmpi sge, %add3A_1713, %ge3A_1714 : vector<16xi32>
      %lt3A_1716 = vector.broadcast %select_n3A_1459 : i32 to vector<16xi32>
      %lt3A_1717 = arith.cmpi slt, %add3A_1713, %lt3A_1716 : vector<16xi32>
      %and3A_1718 = arith.andi %ge3A_1715, %lt3A_1717 : vector<16xi1>
      %jit3A_1719 = arith.constant -3.000000e+38 : f32
      %broadcast_in_dim3A_1720 = vector.broadcast %jit3A_1719 : f32 to vector<16xf32>
      %select_n3A_1721 = arith.select %and3A_1718, %get3A_1710, %broadcast_in_dim3A_1720 : vector<16xi1>, vector<16xf32>
      %reduce_max3A_1722 = arith.constant true
      %reduce_max3A_1723 = vector.broadcast %reduce_max3A_1722 : i1 to vector<16xi1>
      %reduce_max3A_1724 = tpu.scan <max>, %select_n3A_1721 masked %reduce_max3A_1723 : vector<16xf32>, vector<16xi1> -> vector<16xf32>
      %reduce_max3A_1725 = vector.extract %reduce_max3A_1724[15] : f32 from vector<16xf32>
      %max3A_1726 = arith.maximumf %max3A_1707, %reduce_max3A_1725 : f32
      %get3A_1727 = arith.index_cast %scan3A_30 : i32 to index
      %get3A_1728 = arith.constant 224 : index
      %get3A_1729 = tpu.vector_load %arg6[%get3A_1727, %get3A_1728] {strides = array<i32>} : memref<64x256xf32, #tpu.memory_space<vmem>>, vector<16xf32>,
      %add3A_1730 = arith.constant 224 : i32
      %add3A_1731 = vector.broadcast %add3A_1730 : i32 to vector<16xi32>
      %add3A_1732 = arith.addi %iota3A, %add3A_1731 : vector<16xi32>
      %ge3A_1733 = vector.broadcast %select_n3A_1446 : i32 to vector<16xi32>
      %ge3A_1734 = arith.cmpi sge, %add3A_1732, %ge3A_1733 : vector<16xi32>
      %lt3A_1735 = vector.broadcast %select_n3A_1459 : i32 to vector<16xi32>
      %lt3A_1736 = arith.cmpi slt, %add3A_1732, %lt3A_1735 : vector<16xi32>
      %and3A_1737 = arith.andi %ge3A_1734, %lt3A_1736 : vector<16xi1>
      %jit3A_1738 = arith.constant -3.000000e+38 : f32
      %broadcast_in_dim3A_1739 = vector.broadcast %jit3A_1738 : f32 to vector<16xf32>
      %select_n3A_1740 = arith.select %and3A_1737, %get3A_1729, %broadcast_in_dim3A_1739 : vector<16xi1>, vector<16xf32>
      %reduce_max3A_1741 = arith.constant true
      %reduce_max3A_1742 = vector.broadcast %reduce_max3A_1741 : i1 to vector<16xi1>
      %reduce_max3A_1743 = tpu.scan <max>, %select_n3A_1740 masked %reduce_max3A_1742 : vector<16xf32>, vector<16xi1> -> vector<16xf32>
      %reduce_max3A_1744 = vector.extract %reduce_max3A_1743[15] : f32 from vector<16xf32>
      %max3A_1745 = arith.maximumf %max3A_1726, %reduce_max3A_1744 : f32
      %get3A_1746 = arith.index_cast %scan3A_30 : i32 to index
      %get3A_1747 = arith.constant 240 : index
      %get3A_1748 = tpu.vector_load %arg6[%get3A_1746, %get3A_1747] {strides = array<i32>} : memref<64x256xf32, #tpu.memory_space<vmem>>, vector<16xf32>,
      %add3A_1749 = arith.constant 240 : i32
      %add3A_1750 = vector.broadcast %add3A_1749 : i32 to vector<16xi32>
      %add3A_1751 = arith.addi %iota3A, %add3A_1750 : vector<16xi32>
      %ge3A_1752 = vector.broadcast %select_n3A_1446 : i32 to vector<16xi32>
      %ge3A_1753 = arith.cmpi sge, %add3A_1751, %ge3A_1752 : vector<16xi32>
      %lt3A_1754 = vector.broadcast %select_n3A_1459 : i32 to vector<16xi32>
      %lt3A_1755 = arith.cmpi slt, %add3A_1751, %lt3A_1754 : vector<16xi32>
      %and3A_1756 = arith.andi %ge3A_1753, %lt3A_1755 : vector<16xi1>
      %jit3A_1757 = arith.constant -3.000000e+38 : f32
      %broadcast_in_dim3A_1758 = vector.broadcast %jit3A_1757 : f32 to vector<16xf32>
      %select_n3A_1759 = arith.select %and3A_1756, %get3A_1748, %broadcast_in_dim3A_1758 : vector<16xi1>, vector<16xf32>
      %reduce_max3A_1760 = arith.constant true
      %reduce_max3A_1761 = vector.broadcast %reduce_max3A_1760 : i1 to vector<16xi1>
      %reduce_max3A_1762 = tpu.scan <max>, %select_n3A_1759 masked %reduce_max3A_1761 : vector<16xf32>, vector<16xi1> -> vector<16xf32>
      %reduce_max3A_1763 = vector.extract %reduce_max3A_1762[15] : f32 from vector<16xf32>
      %max3A_1764 = arith.maximumf %max3A_1745, %reduce_max3A_1763 : f32
      %eq3A_1765 = arith.cmpi eq, %reduce_max3A_18, %scan3A_30 : i32
      %jit3A_1766 = arith.constant 1.000000e+00 : f32
      %jit3A_1767 = arith.constant 0.000000e+00 : f32
      %select_n3A_1768 = arith.select %eq3A_1765, %jit3A_1766, %jit3A_1767 : f32
      %convert_element_type3A = arith.sitofp %add3A_1349 : i32 to f32
      %gt3A_1769 = arith.cmpf ogt, %select_n3A_1768, %convert_element_type3A : f32
      %neg3A = arith.constant 0.000000e+00 : f32
      %neg3A_1770 = arith.subf %neg3A, %max3A_1354 : f32
      %jit3A_1771 = arith.constant 0.000000e+00 : f32
      %select_n3A_1772 = arith.select %gt3A_1769, %neg3A_1770, %jit3A_1771 : f32
      %lt3A_1773 = arith.cmpf olt, %select_n3A_1768, %convert_element_type3A : f32
      %jit3A_1774 = arith.constant 0.000000e+00 : f32
      %select_n3A_1775 = arith.select %lt3A_1773, %max3A_1764, %jit3A_1774 : f32
      %add3A_1776 = arith.addf %select_n3A_1772, %select_n3A_1775 : f32
      %broadcast_in_dim3A_1777 = vector.broadcast %scan3A_30 : i32 to vector<16xi32>
      %broadcast_in_dim3A_1778 = vector.broadcast %convert_element_type3A : f32 to vector<16xf32>
      tpu.vector_store_idx %arg10[%broadcast_in_dim3A_1777], %broadcast_in_dim3A_1778 masked %eq3A_10 : memref<64xf32, #tpu.memory_space<vmem>>[vector<16xi32>], vector<16xf32>, vector<16xi1>
      %add3A_1779 = arith.addf %scan3A_31, %add3A_1776 : f32
      scf.yield %add3A_1779 : f32
    }
    %scan3A_24 = arith.constant 64 : i32
    "tpu.region"() ({
      %run_scoped3A = tpu.sem_alloc : memref<!tpu.dma_semaphore, #tpu.memory_space<semaphore_mem>>
      %dma_start3A = arith.constant 0 : i32
      %dma_start3A_30 = tpu.memref_slice %arg4[%add3A, %dma_start3A] : memref<32x64xf32, #tpu.memory_space<hbm>> -> memref<1x64xf32, #tpu.memory_space<hbm>>
      %dma_start3A_31 = tpu.memref_squeeze %dma_start3A_30 : memref<1x64xf32, #tpu.memory_space<hbm>> -> memref<64xf32, #tpu.memory_space<hbm>>
      %dma_start3A_32 = arith.constant 0 : i32
      %dma_start3A_33 = tpu.memref_slice %arg4[%add3A, %dma_start3A_32] : memref<32x64xf32, #tpu.memory_space<hbm>> -> memref<1x64xf32, #tpu.memory_space<hbm>>
      %dma_start3A_34 = tpu.memref_squeeze %dma_start3A_33 : memref<1x64xf32, #tpu.memory_space<hbm>> -> memref<64xf32, #tpu.memory_space<hbm>>
      tpu.enqueue_dma source(%arg10 : memref<64xf32, #tpu.memory_space<vmem>>) target(%dma_start3A_34 : memref<64xf32, #tpu.memory_space<hbm>>) target_semaphore(%run_scoped3A : memref<!tpu.dma_semaphore, #tpu.memory_space<semaphore_mem>>)
      %dma_wait3A = arith.constant 0 : i32
      %dma_wait3A_35 = tpu.memref_slice %arg4[%add3A, %dma_wait3A] : memref<32x64xf32, #tpu.memory_space<hbm>> -> memref<1x64xf32, #tpu.memory_space<hbm>>
      %dma_wait3A_36 = tpu.memref_squeeze %dma_wait3A_35 : memref<1x64xf32, #tpu.memory_space<hbm>> -> memref<64xf32, #tpu.memory_space<hbm>>
      %dma_wait3A_37 = arith.constant 0 : i32
      %dma_wait3A_38 = tpu.memref_slice %arg4[%add3A, %dma_wait3A_37] : memref<32x64xf32, #tpu.memory_space<hbm>> -> memref<1x64xf32, #tpu.memory_space<hbm>>
      %dma_wait3A_39 = tpu.memref_squeeze %dma_wait3A_38 : memref<1x64xf32, #tpu.memory_space<hbm>> -> memref<64xf32, #tpu.memory_space<hbm>>
      tpu.wait_dma2 semaphore(%run_scoped3A : memref<!tpu.dma_semaphore, #tpu.memory_space<semaphore_mem>>) src(%arg10 : memref<64xf32, #tpu.memory_space<vmem>>) dst(%dma_wait3A_39 : memref<64xf32, #tpu.memory_space<hbm>>)
      tpu.yield
    }) : () -> ()
    %jit3A_25 = arith.constant 0.000000e+00 : f32
    %broadcast_in_dim3A_26 = vector.broadcast %scan3A_23 : f32 to vector<16xf32>
    %broadcast_in_dim3A_27 = vector.broadcast %jit3A_25 : f32 to vector<16xf32>
    %select_n3A_28 = arith.select %eq3A_10, %broadcast_in_dim3A_26, %broadcast_in_dim3A_27 : vector<16xi1>, vector<16xf32>
    %swap3A = arith.constant 0 : index
    %swap3A_29 = tpu.vector_load %arg11[%swap3A] {strides = array<i32>} : memref<16xf32, #tpu.memory_space<vmem>>, vector<16xf32>,
    tpu.vector_store %arg11[%swap3A], %select_n3A_28 {strides = array<i32>} : memref<16xf32, #tpu.memory_space<vmem>>, vector<16xf32>,
    "tpu.region"() ({
      %run_scoped3A = tpu.sem_alloc : memref<!tpu.dma_semaphore, #tpu.memory_space<semaphore_mem>>
      %dma_start3A = arith.constant 0 : i32
      %dma_start3A_30 = tpu.memref_slice %arg5[%add3A, %dma_start3A] : memref<32x16xf32, #tpu.memory_space<hbm>> -> memref<1x16xf32, #tpu.memory_space<hbm>>
      %dma_start3A_31 = tpu.memref_squeeze %dma_start3A_30 : memref<1x16xf32, #tpu.memory_space<hbm>> -> memref<16xf32, #tpu.memory_space<hbm>>
      %dma_start3A_32 = arith.constant 0 : i32
      %dma_start3A_33 = tpu.memref_slice %arg5[%add3A, %dma_start3A_32] : memref<32x16xf32, #tpu.memory_space<hbm>> -> memref<1x16xf32, #tpu.memory_space<hbm>>
      %dma_start3A_34 = tpu.memref_squeeze %dma_start3A_33 : memref<1x16xf32, #tpu.memory_space<hbm>> -> memref<16xf32, #tpu.memory_space<hbm>>
      tpu.enqueue_dma source(%arg11 : memref<16xf32, #tpu.memory_space<vmem>>) target(%dma_start3A_34 : memref<16xf32, #tpu.memory_space<hbm>>) target_semaphore(%run_scoped3A : memref<!tpu.dma_semaphore, #tpu.memory_space<semaphore_mem>>)
      %dma_wait3A = arith.constant 0 : i32
      %dma_wait3A_35 = tpu.memref_slice %arg5[%add3A, %dma_wait3A] : memref<32x16xf32, #tpu.memory_space<hbm>> -> memref<1x16xf32, #tpu.memory_space<hbm>>
      %dma_wait3A_36 = tpu.memref_squeeze %dma_wait3A_35 : memref<1x16xf32, #tpu.memory_space<hbm>> -> memref<16xf32, #tpu.memory_space<hbm>>
      %dma_wait3A_37 = arith.constant 0 : i32
      %dma_wait3A_38 = tpu.memref_slice %arg5[%add3A, %dma_wait3A_37] : memref<32x16xf32, #tpu.memory_space<hbm>> -> memref<1x16xf32, #tpu.memory_space<hbm>>
      %dma_wait3A_39 = tpu.memref_squeeze %dma_wait3A_38 : memref<1x16xf32, #tpu.memory_space<hbm>> -> memref<16xf32, #tpu.memory_space<hbm>>
      tpu.wait_dma2 semaphore(%run_scoped3A : memref<!tpu.dma_semaphore, #tpu.memory_space<semaphore_mem>>) src(%arg11 : memref<16xf32, #tpu.memory_space<vmem>>) dst(%dma_wait3A_39 : memref<16xf32, #tpu.memory_space<hbm>>)
      tpu.yield
    }) : () -> ()
    return
  }
}

</mosaic_0001>

<sc_bundles>
// kernel: _sc_call.3.cloned.1.call-start
scs
__scs_entry_jumppad:
0x0: {  	(pc) =	sbr.rel $0x88, $3  }
0x1: {  	(tag) =	ssettag $0x0;
	lr =	simm.s32 $0x1  }
0x2: {  	[smem:$0x3F9F] =	sst lr;
	_ =	strace $0xD0000000  }
0x3: {  	_ = 	snop  }
0x4: {  	_ = 	snop  }
0x5: {  	_ = 	snop  }
0x6: {  	_ = 	snop  }
0x7: {  	_ = 	snop  }
__scs_overlays_trampoline_lowered:
0x8: {  	[smem:$0x3FAE] =	sst s0  }
0x9: {  	[smem:$0x3FAF] =	sst s1  }
0xa: {  	[smem:$0x3FB0] =	sst s2  }
0xb: {  	[smem:$0x3FB1] =	sst s3  }
0xc: {  	[smem:$0x3FB2] =	sst s4  }
0xd: {  	[smem:$0x3FB3] =	sst s5  }
0xe: {  	[smem:$0x3FB4] =	sst s6  }
0xf: {  	[smem:$0x3FB5] =	sst s7  }
0x10: {  	[smem:$0x3FB6] =	sst s8  }
0x11: {  	[smem:$0x3FB7] =	sst s9;
	s0 =	simm.s32 @!p0 $0x0  }
0x12: {  	s1 =	sld [smem:$0x3F9D];
	s0 =	simm.s32 @p0 $0x1  }
0x13: {  	[smem:$0x3FB8] =	sst s0;
	s0 =	simm.s32 @!p1 $0x0  }
0x14: {  	s2 =	sld [smem:$0x3F9C];
	s0 =	simm.s32 @p1 $0x1  }
0x15: {  	[smem:$0x3FB9] =	sst s0;
	s0 =	simm.s32 @!p2 $0x0  }
0x16: {  	s3 =	sld [smem:$0x3FDB];
	s0 =	simm.s32 @p2 $0x1  }
0x17: {  	s4 =	simm.s32 $0x1BF5;
	[smem:$0x3FBB] =	sst s0  }
0x18: {  	s0 =	sld [smem:$0x3F9E];
	_ =	swait.ge [sflag:s4], $0x0  }
0x19: {  	s7 =	sld [smem:$0x3F9F]  }
0x1a: {  	s8 =	sadd.s32 $0xFFFFE003, lr  }
0x1b: {  	s9 =	sadd.s32 $0xFFFFFEF7, lr;
	s5 =	simm.s32 $0xFFFFFFFF;
	p2 =	slt.u32 s8, $0xFFFFF086  }
0x1c: {  	p1 =	slt.u32 s9, $0xF7A;
	s5 =	simm.s32 @!p2 $0x0  }
0x1d: {  	s5 =	simm.s32 @p1 $0x1;
	p0 =	seq.s32 s7, s2  }
0x1e: {  	s7 =	smul.u32 @!p0 $0xF7A, s2;
	p2 =	seq.s32 @!p0 s5, $0x0  }
0x1f: {  	s9 =	smul.u32 $0xF7A, s1;
	s8 =	simm.s32 @!p0 $0x1BF5;
	p2 =	por !p2, p0  }
0x20: {  	[sflag:s8] =	ssyncset.s32 @!p0 $0xFFFFF086;
	s6 =	sadd.s32 @!p0 s3, s7;
	s7 =	simm.s32 @!p0 $0x108  }
0x21: {  	s3 =	sadd.s32 s3, s9;
	s6 =	sadd.s32 @!p0 $0x88, s6;
	s7 =	simm.s32 @p2 $0x1082  }
0x22: {  	[simem:s7], [sflag:s8] =	dma.local @!p0 [hbm:s6], $0xF7A  }
0x23: {  	s9 =	sor.u32 $0xD0000000, s2;
	s6 =	simm.s32 $0x108;
	_ =	swait.ge @!p0 [sflag:s8], $0x0  }
0x24: {  	s3 =	sadd.s32 $0x88, s3;
	s6 =	simm.s32 @!p1 $0x1082;
	[sflag:s4] =	ssyncset.s32 $0xFFFFF086  }
0x25: {  	[simem:s6], [sflag:s4] =	dma.local [hbm:s3], $0xF7A  }
0x26: {  	[smem:$0x3F9F] =	sst s1;
	(tag) =	ssettag s2;
	_ =	strace s9  }
0x27: {  	s1 =	sld [smem:$0x3FAF]  }
0x28: {  	s2 =	sld [smem:$0x3FB0]  }
0x29: {  	s4 =	sld [smem:$0x3FB2]  }
0x2a: {  	p0 =	seq.s32 s5, $0x0;
	s5 =	sld [smem:$0x3FB3]  }
0x2b: {  	s6 =	sld [smem:$0x3FB4]  }
0x2c: {  	s7 =	sld [smem:$0x3FB5]  }
0x2d: {  	s3 =	simm.s32 $0x108;
	s8 =	sld [smem:$0x3FB6]  }
0x2e: {  	s3 =	simm.s32 @!p0 $0x1082;
	s9 =	sld [smem:$0x3FB7]  }
0x2f: {  	lr =	sadd.s32 s0, s3;
	s0 =	sld [smem:$0x3FAE]  }
0x30: {  	s3 =	sld [smem:$0x3FB1]  }
0x31: {  	[smem:$0x3FBA] =	sst s10  }
0x32: {  	s10 =	sld [smem:$0x3FB8];
	_ =	sdelay $0x3  }
0x33: {  	p0 =	seq.s32 s10, $0x1;
	s10 =	sld [smem:$0x3FBA];
	_ =	sdelay $0x3  }
0x34: {  	[smem:$0x3FBA] =	sst s10  }
0x35: {  	s10 =	sld [smem:$0x3FB9];
	_ =	sdelay $0x3  }
0x36: {  	p1 =	seq.s32 s10, $0x1;
	s10 =	sld [smem:$0x3FBA];
	_ =	sdelay $0x3  }
0x37: {  	[smem:$0x3FBA] =	sst s10  }
0x38: {  	s10 =	sld [smem:$0x3FBB]  }
0x39: {  	_ = 	snop;
	(pc) =	sbr.ind lr, $3  }
0x3a: {  	_ = 	snop  }
0x3b: {  	_ = 	snop  }
0x3c: {  	p2 =	seq.s32 s10, $0x1;
	s10 =	sld [smem:$0x3FBA]  }
0x3d: {  	_ =	shalt  }
0x3e: {  	_ =	shalt  }
0x3f: {  	_ =	shalt  }
0x40: {  	_ =	shalt  }
0x41: {  	_ =	shalt  }
0x42: {  	_ =	shalt  }
0x43: {  	_ =	shalt  }
0x44: {  	_ =	shalt  }
0x45: {  	_ =	shalt  }
0x46: {  	_ =	shalt  }
0x47: {  	_ =	shalt  }
0x48: {  	_ =	shalt  }
0x49: {  	_ =	shalt  }
0x4a: {  	_ =	shalt  }
0x4b: {  	_ =	shalt  }
0x4c: {  	_ =	shalt  }
0x4d: {  	_ =	shalt  }
0x4e: {  	_ =	shalt  }
0x4f: {  	_ =	shalt  }
0x50: {  	_ =	shalt  }
0x51: {  	_ =	shalt  }
0x52: {  	_ =	shalt  }
0x53: {  	_ =	shalt  }
0x54: {  	_ =	shalt  }
0x55: {  	_ =	shalt  }
0x56: {  	_ =	shalt  }
0x57: {  	_ =	shalt  }
0x58: {  	_ =	shalt  }
0x59: {  	_ =	shalt  }
0x5a: {  	_ =	shalt  }
0x5b: {  	_ =	shalt  }
0x5c: {  	_ =	shalt  }
0x5d: {  	_ =	shalt  }
0x5e: {  	_ =	shalt  }
0x5f: {  	_ =	shalt  }
0x60: {  	_ =	shalt  }
0x61: {  	_ =	shalt  }
0x62: {  	_ =	shalt  }
0x63: {  	_ =	shalt  }
0x64: {  	_ =	shalt  }
0x65: {  	_ =	shalt  }
0x66: {  	_ =	shalt  }
0x67: {  	_ =	shalt  }
0x68: {  	_ =	shalt  }
0x69: {  	_ =	shalt  }
0x6a: {  	_ =	shalt  }
0x6b: {  	_ =	shalt  }
0x6c: {  	_ =	shalt  }
0x6d: {  	_ =	shalt  }
0x6e: {  	_ =	shalt  }
0x6f: {  	_ =	shalt  }
0x70: {  	_ =	shalt  }
0x71: {  	_ =	shalt  }
0x72: {  	_ =	shalt  }
0x73: {  	_ =	shalt  }
0x74: {  	_ =	shalt  }
0x75: {  	_ =	shalt  }
0x76: {  	_ =	shalt  }
0x77: {  	_ =	shalt  }
0x78: {  	_ =	shalt  }
0x79: {  	_ =	shalt  }
0x7a: {  	_ =	shalt  }
0x7b: {  	_ =	shalt  }
0x7c: {  	_ =	shalt  }
0x7d: {  	_ =	shalt  }
0x7e: {  	_ =	shalt  }
0x7f: {  	_ =	shalt  }
0x80: {  	_ =	shalt  }
0x81: {  	_ =	shalt  }
0x82: {  	_ =	shalt  }
0x83: {  	_ =	shalt  }
0x84: {  	_ =	shalt  }
0x85: {  	_ =	shalt  }
0x86: {  	_ =	shalt  }
0x87: {  	_ =	shalt  }
.Lfunc_end0:
.L_simem_size_0:
called_computation_lowered:
.L_overlay_start_0:
0x88: {  	s2 =	sld [smem:$0x3FD9]  }
0x89: {  	s3 =	sld [smem:$0x3FFE];
	_ =	sdelay $0x1  }
0x8a: {  	s1 =	srdreg.scid  }
0x8b: {  	s0 =	sand.u32 $0x1, s1  }
0x8c: {  	s14 =	sshll.u32 s0, $0xA;
	s2 =	sadd.s32 s3, s2  }
0x8d: {  	s2 =	sadd.s32 s2, s14  }
0x8e: {  	[smem:$0x3FC6] =	sst s2  }
0x8f: {  	_ = 	snop  }
0x90: {  	s2 =	sld [smem:$0x3FD0];
	_ =	sdelay $0x1  }
0x91: {  	s15 =	sld [smem:$0x3FC9]  }
0x92: {  	s5 =	simm.s32 $0xA;
	s6 =	simm.s32 $0x10;
	s4 =	sld [smem:$0x3FC8]  }
0x93: {  	[smem:s6], [sflag:s5] =	dma.local [hbm:s2], $0x1  }
0x94: {  	_ =	swait.eq [sflag:s5], $0x1  }
0x95: {  	[sflag:s5] =	ssyncset.done $0x0  }
0x96: {  	[sflag:s5] =	ssyncadd.s32 $0xFFFFFFFF  }
0x97: {  	s16 =	sld [smem:$0x10];
	(tm) =	ssettm $0x1  }
0x98: {  	s17 =	sld [smem:$0x3FFB];
	_ =	sdelay $0x3  }
0x99: {  	_ =	strace s17  }
0x9a: {  	s5 =	sld [smem:$0x3FFC];
	_ =	sdelay $0x3  }
0x9b: {  	_ =	strace s5  }
0x9c: {  	s5 =	sld [smem:$0x3FFD];
	_ =	sdelay $0x3  }
0x9d: {  	_ =	strace s5  }
0x9e: {  	_ =	strace $0x8FFFFFFF  }
0x9f: {  	s18 =	sld [smem:$0x3FDB];
	_ =	sdelay $0x1  }
0xa0: {  	s19 =	simm.s32 $_scs_section_size  }
0xa1: {  	s7 =	simm.s32 $_size__tile_overlayer_lowered;
	s8 =	simm.s32 $_tile_overlayer_lowered  }
0xa2: {  	s22 =	simm.s32 $0x1BFF;
	s21 =	sshll.u32 s8, $0x1;
	s5 =	sadd.s32 s19, s18  }
0xa3: {  	s9 =	simm.s32 $0x0;
	s20 =	sshll.u32 s7, $0x1;
	s7 =	sadd.s32 s21, s5  }
0xa4: {  	[timem:s9], [sflag:s22] =	dma.local [hbm:s7], s20  }
0xa5: {  	_ =	swait.ge [sflag:s22], s20  }
0xa6: {  	s6 =	ssub.s32 $0x0, s20;
	[sflag:s22] =	ssyncset.done $0x0  }
0xa7: {  	[sflag:s22] =	ssyncadd.s32 s6;
	_ =	sdelay $0x1  }
0xa8: {  	s23 =	simm.s32 $0x1B8B  }
0xa9: {  	_ =	swait.ge [sflag:s23], $0x1  }
0xaa: {  	[sflag:s23] =	ssyncset.done $0x0  }
0xab: {  	s25 =	simm.s32 $0x1B8E;
	s24 =	sld [smem:$0x3FFE];
	[sflag:s23] =	ssyncadd.s32 $0xFFFFFFFF  }
0xac: {  	s26 =	simm.s32 $execute0_lowered;
	[smem:$0x3FD2] =	sst s25  }
0xad: {  	s7 =	sshll.u32 s26, $0x1;
	_ =	strace $0x80000046;
	[dreg:$0x1] =	wrdreg $0xFFFFFFFF  }
0xae: {  	s28 =	simm.s32 $_size_execute0_lowered;
	s5 =	sadd.s32 s5, s7;
	[dreg:$0x0] =	wrdreg $0x0  }
0xaf: {  	s7 =	sshll.u32 s28, $0x1;
	[dreg:$0x2] =	wrdreg s5  }
0xb0: {  	[dreg:$0x3] =	wrdreg s7  }
0xb1: {  	[dreg:$0x4] =	wrdreg $0xC0  }
0xb2: {  	_ =	task [dreg:s9], $0x5FFFF  }
0xb3: {  	[dreg:$0x1] =	wrdreg $0xFFFFFFFF  }
0xb4: {  	[dreg:$0x0] =	wrdreg $0x60  }
0xb5: {  	[dreg:$0x2] =	wrdreg s15  }
0xb6: {  	[dreg:$0x3] =	wrdreg s4  }
0xb7: {  	[dreg:$0x4] =	wrdreg s16  }
0xb8: {  	[dreg:$0x5] =	wrdreg s24  }
0xb9: {  	[dreg:$0x6] =	wrdreg $0x9  }
0xba: {  	_ =	task.clear_ibuf [dreg:s9], $0x7FFFF;
	_ =	strace $0x90000046  }
0xbb: {  	s29 =	simm.s32 $0x9;
	_ =	strace $0x80000048  }
0xbc: {  	_ =	swait.ge [sflag:s29], $0x1  }
0xbd: {  	[sflag:s29] =	ssyncadd.s32 $0xFFFFFFFF  }
0xbe: {  	_ =	strace $0x90000048  }
0xbf: {  	_ =	sfence  }
0xc0: {  	s30 =	sld [smem:$0x0];
	_ =	sdelay $0x2  }
0xc1: {  	s31 =	sshll.u32 s1, $0xD;
	s1 =	sshrl.u32 s1, $0x2  }
0xc2: {  	s3 =	sand.u32 $0x4000, s31;
	s1 =	sadd.s32 s1, s30  }
0xc3: {  	s0 =	sor.u32 s3, s0;
	s1 =	sshll.u32 s1, $0x11  }
0xc4: {  	s0 =	sor.u32 s1, s0  }
0xc5: {  	s0 =	sadd.s32 $0x8F2B, s0  }
0xc6: {  	[sflag:s0] =	ssyncadd.remote.s32 $0x1  }
0xc7: {  	_ =	sfence.sel $0xFFFF  }
0xc8: {  	[dreg:$0x0] =	wrdreg $0xFFFFFFFF;
	(pc) =	sbr.abs _section_cstart, $3  }
0xc9: {  	[dreg:$0x1] =	wrdreg $0xFFFFFFFF  }
0xca: {  	_ =	task.clear_ibuf [dreg:s9], $0x2FFFF;
	_ =	strace $0x9FFFFFFF  }
0xcb: {  	(tm) =	ssettm $0x7FFFFFFF  }
tec
execute0_lowered:
.L_overlay_start_1:
0x0: {  	(tag) =	ssettag $0x1  }
0x1: {  	v0 =	vimm.s32 $0xEDCBA987  }
0x2: {  	v1 =	vimm.s32 $0x65432100;
	v2 =	vlaneseq.u32;
	v6 =	vimm.s32 $0x1  }
0x3: {  	vm0 =	vcmask $0x300;
	v0 =	vunpack.c.l.s4.s8 v0;
	v1 =	vunpack.c.l.s4.s8 v1  }
0x4: {  	v7 =	vor.u32 $0x80000010, v2;
	v8 =	vor.u32 $0x10, v2;
	v9 =	vor.u32 $0x80000020, v2  }
0x5: {  	v10 =	vor.u32 $0x20, v2;
	v11 =	vor.u32 $0x80000030, v2;
	v12 =	vor.u32 $0x30, v2  }
0x6: {  	v13 =	vor.u32 $0x80000040, v2;
	v14 =	vor.u32 $0x40, v2;
	v15 =	vor.u32 $0x80000050, v2  }
0x7: {  	v16 =	vor.u32 $0x50, v2;
	v17 =	vor.u32 $0x80000060, v2;
	v18 =	vor.u32 $0x60, v2  }
0x8: {  	v19 =	vor.u32 $0x80000070, v2;
	v20 =	vor.u32 $0x70, v2;
	v21 =	vor.u32 $0x80000080, v2  }
0x9: {  	v22 =	vor.u32 $0x80, v2;
	v23 =	vor.u32 $0x80000090, v2;
	v24 =	vor.u32 $0x90, v2  }
0xa: {  	s2 =	rddreg [dreg:$0x0];
	v25 =	vor.u32 $0x800000A0, v2;
	v26 =	vor.u32 $0xA0, v2;
	v27 =	vor.u32 $0x800000B0, v2  }
0xb: {  	s0 =	srdreg.scid;
	s4 =	rddreg [dreg:$0x2];
	v28 =	vor.u32 $0xB0, v2;
	v29 =	vor.u32 $0x800000C0, v2;
	v30 =	vor.u32 $0xC0, v2  }
0xc: {  	s1 =	stileid.u32;
	s5 =	rddreg [dreg:$0x3];
	v31 =	vor.u32 $0x800000D0, v2;
	v32 =	vor.u32 $0xD0, v2;
	v33 =	vor.u32 $0x800000E0, v2  }
0xd: {  	s3 =	simm.s32 $0x0;
	s31 =	simm.f32 $1.000000000e+00;
	s10 =	simm.s32 $0x4080;
	v34 =	vor.u32 $0xE0, v2;
	v35 =	vor.u32 $0x800000F0, v2;
	v36 =	vor.u32 $0xF0, v2  }
0xe: {  	s0 =	sand.u32 $0x1, s0;
	s1 =	sshll.u32 s1, $0x1;
	[smem:$0x7FF] =	sst s3;
	v37 =	vadd.s32 $0x1, v2;
	v38 =	vadd.s32 $0x11, v2;
	v39 =	vadd.s32 $0x21, v2  }
0xf: {  	s11 =	simm.s32 $0x4100;
	v40 =	vadd.s32 $0x31, v2;
	v41 =	vadd.s32 $0x41, v2;
	v42 =	vadd.s32 $0x51, v2;
	s1 =	sor.u32 s0, s1;
	_ =	strace $0x80000047  }
0x10: {  	v43 =	vadd.s32 $0x61, v2;
	s0 =	ssub.s32 $0x2, s0;
	v3 =	vunpack.c.0.s8.s32 v0;
	v0 =	vmov s1;
	s6 =	sshll.u32 s1, $0x4;
	s1 =	sshll.u32 s1, $0xB  }
0x11: {  	v44 =	vadd.s32 $0x71, v2;
	v45 =	vadd.s32 $0x81, v2;
	v46 =	vadd.s32 $0x91, v2;
	[dreg:$0x6] =	wrdreg s31;
	s7 =	sshrl.u32 s0, $0x1;
	s1 =	sadd.s32 s2, s1  }
0x12: {  	v47 =	vadd.s32 $0xA1, v2;
	v48 =	vadd.s32 $0xB1, v2;
	v49 =	vadd.s32 $0xC1, v2;
	s8 =	sadd.s32 s6, s5;
	s29 =	sadd.s32 s4, s6;
	[dreg:$0x7] =	wrdreg s1  }
0x13: {  	v50 =	vadd.s32 $0xD1, v2;
	v51 =	vadd.s32 $0xE1, v2;
	v4 =	vunpack.c.0.s8.s32 v1;
	s0 =	ssub.s32 s0, s7;
	[dreg:$0x8] =	wrdreg s29;
	s30 =	sadd.s32 $0x800, s8  }
0x14: {  	s12 =	simm.s32 $0x4180;
	v52 =	vadd.s32 $0xF1, v2;
	v1 =	vimm.s32 $0x0;
	v5 =	vand.u32 $0xF, v3;
	s0 =	smax.u32 s0, $0x1;
	[dreg:$0x9] =	wrdreg s30  }
0x15: {  	s14 =	simm.s32 $0x0;
	v3 =	vor.u32 $0x80000000, v2;
	s8 =	simm.s32 $0x1;
	v4 =	vcombine.low v4, v5;
	v5 =	vadd.s32 $0xFFFFFFFB, v2;
	[dreg:$0xa] =	wrdreg s0  }
.LBB2_1:
0x16: {  	s0 =	rddreg [dreg:$0x7]  }
0x17: {  	[tilespmem:s3], [sflag:$0x1] =	stream.linear.gather [hbm4b:s0+s3], $0x4000, $0x38;
	[tilespmem:$0x4280] =	vst v63  }
0x18: {  	_ =	swait.ge [sflag:s8], $0x4000  }
0x19: {  	[sflag:s8] =	ssyncset.done $0x0  }
0x1a: {  	[sflag:s8] =	ssyncadd.s32 $0xFFFFC000  }
0x1b: {  	s1 =	simm.s32 $0x4000;
	s30 =	rddreg [dreg:$0x1]  }
0x1c: {  	[tilespmem:s1], [sflag:$0x1] =	stream.linear.gather [hbm4b:s30+s3], $0x80, $0x38;
	[tilespmem:$0x4280] =	vst v63  }
0x1d: {  	_ =	swait.ge [sflag:s8], $0x80  }
0x1e: {  	[sflag:s8] =	ssyncset.done $0x0  }
0x1f: {  	[sflag:s8] =	ssyncadd.s32 $0xFFFFFF80  }
0x20: {  	v53 =	vld.idx.msk [tilespmem:v0+s1+$0x0], $0xffff;
	_ =	sdelay $0x4  }
0x21: {  	v53 =	vxor.u32 $0x80000000, v53  }
0x22: {  	(xrf0) =	vmax.scan.msk.u32 $0xffff, v53;
	_ =	sdelay $0x5  }
0x23: {  	v53, _, _ =	vpop (xrf0)  }
0x24: {  	(v2sf) =	vpush v53, $0xF;
	_ =	sdelay $0xe  }
0x25: {  	s15 =	simm.f32 $0.0e+00;
	s16 =	simm.s32 $0x0;
	s31 =	spop (v2sf)  }
0x26: {  	s17 =	simm.s32 $0x0;
	s18 =	simm.s32 $0x0;
	[dreg:$0x5] =	wrdreg s31  }
.LBB2_2:
0x27: {  	[tilespmem:$0x4080] =	vst v1  }
0x28: {  	[tilespmem:$0x4090] =	vst v1;
	s0 =	sand.u32 $0x3800, s16;
	s1 =	sand.u32 $0x380, s17  }
0x29: {  	[tilespmem:$0x40A0] =	vst v1;
	s19 =	sor.u32 s1, s0  }
0x2a: {  	v53 =	vld [tilespmem:s19+$0x0];
	_ =	sdelay $0x4  }
0x2b: {  	vm2 =	vge.f32 v53, $0.0e+00  }
0x2c: {  	v54 =	vnsel vm2, $0x7FFFFFFF, v3  }
0x2d: {  	(xrf0) =	vmax.scan.msk.u32 $0xffff, v54;
	_ =	sdelay $0x5  }
0x2e: {  	v54, _, _ =	vpop (xrf0)  }
0x2f: {  	v54 =	vxor.u32 $0x80000000, v54  }
0x30: {  	v55 =	vperm.xlane v54, v4  }
0x31: {  	vm1 =	veq.s32 v2, $0x0  }
0x32: {  	v55 =	vsel vm1, $0xFFFFFFFF, v55  }
0x33: {  	v56 =	vshra.s32 v55, $0x1F  }
0x34: {  	v56 =	vor.u32 v56, v55  }
0x35: {  	vm3 =	vlt.s32 v55, $0x0;
	vm4 =	vlt.s32 v56, v5  }
0x36: {  	vm3 =	vmor vm3, vm4  }
0x37: {  	vm3 =	vmand vm2, vm3  }
0x38: {  	v62 =	vsel vm3, $0x1, v1  }
0x39: {  	(xrf0) =	vadd.scan.msk.s32 $0xffff, v62;
	_ =	sdelay $0x5  }
0x3a: {  	v55, _, _ =	vpop (xrf0)  }
0x3b: {  	v63 =	vadd.s32 $0xFFFFFFFF, v55;
	_ =	sdelay $0x4  }
0x3c: {  	[tilespmem:v63+s10+$0x0] =	vst.idx.add.s32.msk vm2, v6  }
0x3d: {  	[tilespmem:v63+s11+$0x0] =	vst.idx.msk vm3, v2  }
0x3e: {  	(v2sf) =	vpush v54, $0xF;
	v54 =	vld [tilespmem:s19+$0x10];
	_ =	sdelay $0x2  }
0x3f: {  	v55 =	vxor.u32 $0x80000000, v55  }
0x40: {  	(xrf0) =	vmax.scan.msk.u32 $0xffff, v55  }
0x41: {  	vm2 =	vge.f32 v54, $0.0e+00  }
0x42: {  	(xrf0) =	vmax.scan.msk.f32 $0xffff, v53;
	v57 =	vnsel vm2, $0x7FFFFFFF, v7  }
0x43: {  	(xrf0) =	vmax.scan.msk.u32 $0xffff, v57;
	_ =	sdelay $0x2  }
0x44: {  	v58, _, _ =	vpop (xrf0)  }
0x45: {  	(v2sf) =	vpush v58, $0xF  }
0x46: {  	v53, _, _ =	vpop (xrf0)  }
0x47: {  	v59, _, _ =	vpop (xrf0)  }
0x48: {  	v55 =	vxor.u32 $0x80000000, v59  }
0x49: {  	s21 =	spop (v2sf);
	v60 =	vperm.xlane v55, v4  }
0x4a: {  	s22 =	sshra.s32 s21, $0x1F  }
0x4b: {  	s0 =	sor.u32 s22, s21;
	v56 =	vsel vm1, $0xFFFFFFFF, v60  }
0x4c: {  	vm3 =	vgt.s32 v56, s0  }
0x4d: {  	v56 =	vnsel vm3, s0, v56  }
0x4e: {  	v57 =	vsub.s32 v8, v56  }
0x4f: {  	vm3 =	vlt.s32 v56, $0x0;
	vm9 =	vgt.s32 v57, $0x5  }
0x50: {  	vm3 =	vmor vm3, vm9  }
0x51: {  	vm3 =	vmand vm2, vm3  }
0x52: {  	v61 =	vsel vm3, $0x1, v1  }
0x53: {  	(xrf0) =	vadd.scan.msk.s32 $0xffff, v61  }
0x54: {  	s23 =	spop (v2sf)  }
0x55: {  	s1 =	sxor.u32 $0x80000000, s23  }
0x56: {  	v62 =	vmov s1  }
0x57: {  	v56 =	vadd.s32 $0xFFFFFFFF, v62  }
0x58: {  	v56 =	vbroadcast v56, $0x0  }
0x59: {  	v63, _, _ =	vpop (xrf0)  }
0x5a: {  	v56 =	vadd.s32 v63, v56;
	_ =	sdelay $0x4  }
0x5b: {  	[tilespmem:v56+s10+$0x0] =	vst.idx.add.s32.msk vm2, v6  }
0x5c: {  	(v2sf) =	vpush v53, $0xF;
	[tilespmem:v56+s11+$0x0] =	vst.idx.msk vm3, v8  }
0x5d: {  	(v2sf) =	vpush v55, $0xF;
	v53 =	vld [tilespmem:s19+$0x20];
	_ =	sdelay $0x1  }
0x5e: {  	v59 =	vxor.u32 $0x80000000, v63  }
0x5f: {  	(xrf0) =	vmax.scan.msk.u32 $0xffff, v59;
	_ =	sdelay $0x1  }
0x60: {  	vm2 =	vge.f32 v53, $0.0e+00  }
0x61: {  	(xrf0) =	vmax.scan.msk.f32 $0xffff, v54;
	v60 =	vnsel vm2, $0x7FFFFFFF, v9  }
0x62: {  	(xrf0) =	vmax.scan.msk.u32 $0xffff, v60;
	_ =	sdelay $0x1  }
0x63: {  	v61, _, _ =	vpop (xrf0)  }
0x64: {  	(v2sf) =	vpush v61, $0xF;
	_ =	sdelay $0x1  }
0x65: {  	v54, _, _ =	vpop (xrf0)  }
0x66: {  	v62, _, _ =	vpop (xrf0)  }
0x67: {  	s20 =	spop (v2sf);
	v55 =	vxor.u32 $0x80000000, v62  }
0x68: {  	s2 =	spop (v2sf);
	v63 =	vperm.xlane v55, v4  }
0x69: {  	p0 =	sgt.s32 s0, s2  }
0x6a: {  	s2 =	smov.u32 @p0 s0;
	v56 =	vsel vm1, $0xFFFFFFFF, v63  }
0x6b: {  	vm3 =	vgt.s32 v56, s2  }
0x6c: {  	v56 =	vnsel vm3, s2, v56  }
0x6d: {  	v60 =	vsub.s32 v10, v56  }
0x6e: {  	vm3 =	vlt.s32 v56, $0x0;
	vm10 =	vgt.s32 v60, $0x5  }
0x6f: {  	vm3 =	vmor vm3, vm10  }
0x70: {  	vm3 =	vmand vm2, vm3  }
0x71: {  	v61 =	vsel vm3, $0x1, v1  }
0x72: {  	s24 =	spop (v2sf);
	(xrf0) =	vadd.scan.msk.s32 $0xffff, v61  }
0x73: {  	s0 =	sadd.s32 s24, s1  }
0x74: {  	s0 =	sadd.s32 $0x80000000, s0  }
0x75: {  	v62 =	vmov s0  }
0x76: {  	v56 =	vadd.s32 $0xFFFFFFFF, v62  }
0x77: {  	v56 =	vbroadcast v56, $0x0  }
0x78: {  	v63, _, _ =	vpop (xrf0)  }
0x79: {  	v56 =	vadd.s32 v63, v56;
	_ =	sdelay $0x4  }
0x7a: {  	[tilespmem:v56+s10+$0x0] =	vst.idx.add.s32.msk vm2, v6  }
0x7b: {  	(v2sf) =	vpush v54, $0xF;
	[tilespmem:v56+s11+$0x0] =	vst.idx.msk vm3, v10  }
0x7c: {  	(v2sf) =	vpush v55, $0xF;
	v54 =	vld [tilespmem:s19+$0x30];
	_ =	sdelay $0x1  }
0x7d: {  	v59 =	vxor.u32 $0x80000000, v63  }
0x7e: {  	(xrf0) =	vmax.scan.msk.u32 $0xffff, v59;
	_ =	sdelay $0x1  }
0x7f: {  	vm2 =	vge.f32 v54, $0.0e+00  }
0x80: {  	(xrf0) =	vmax.scan.msk.f32 $0xffff, v53;
	v60 =	vnsel vm2, $0x7FFFFFFF, v11  }
0x81: {  	(xrf0) =	vmax.scan.msk.u32 $0xffff, v60;
	_ =	sdelay $0x1  }
0x82: {  	v61, _, _ =	vpop (xrf0)  }
0x83: {  	(v2sf) =	vpush v61, $0xF;
	_ =	sdelay $0x1  }
0x84: {  	v53, _, _ =	vpop (xrf0)  }
0x85: {  	v62, _, _ =	vpop (xrf0)  }
0x86: {  	s21 =	spop (v2sf);
	v55 =	vxor.u32 $0x80000000, v62  }
0x87: {  	s1 =	spop (v2sf);
	v63 =	vperm.xlane v55, v4  }
0x88: {  	p0 =	sgt.s32 s2, s1  }
0x89: {  	s1 =	smov.u32 @p0 s2;
	v56 =	vsel vm1, $0xFFFFFFFF, v63  }
0x8a: {  	vm3 =	vgt.s32 v56, s1  }
0x8b: {  	v56 =	vnsel vm3, s1, v56  }
0x8c: {  	v60 =	vsub.s32 v12, v56  }
0x8d: {  	vm3 =	vlt.s32 v56, $0x0;
	vm11 =	vgt.s32 v60, $0x5  }
0x8e: {  	vm3 =	vmor vm3, vm11  }
0x8f: {  	vm3 =	vmand vm2, vm3  }
0x90: {  	v61 =	vsel vm3, $0x1, v1  }
0x91: {  	s25 =	spop (v2sf);
	(xrf0) =	vadd.scan.msk.s32 $0xffff, v61  }
0x92: {  	s0 =	sadd.s32 s25, s0  }
0x93: {  	s0 =	sadd.s32 $0x80000000, s0  }
0x94: {  	v62 =	vmov s0  }
0x95: {  	v56 =	vadd.s32 $0xFFFFFFFF, v62  }
0x96: {  	v56 =	vbroadcast v56, $0x0  }
0x97: {  	v63, _, _ =	vpop (xrf0)  }
0x98: {  	v56 =	vadd.s32 v63, v56;
	_ =	sdelay $0x4  }
0x99: {  	[tilespmem:v56+s10+$0x0] =	vst.idx.add.s32.msk vm2, v6  }
0x9a: {  	(v2sf) =	vpush v53, $0xF;
	[tilespmem:v56+s11+$0x0] =	vst.idx.msk vm3, v12  }
0x9b: {  	(v2sf) =	vpush v55, $0xF;
	v53 =	vld [tilespmem:s19+$0x40];
	_ =	sdelay $0x1  }
0x9c: {  	v59 =	vxor.u32 $0x80000000, v63  }
0x9d: {  	(xrf0) =	vmax.scan.msk.u32 $0xffff, v59;
	_ =	sdelay $0x1  }
0x9e: {  	vm2 =	vge.f32 v53, $0.0e+00  }
0x9f: {  	(xrf0) =	vmax.scan.msk.f32 $0xffff, v54;
	v60 =	vnsel vm2, $0x7FFFFFFF, v13  }
0xa0: {  	(xrf0) =	vmax.scan.msk.u32 $0xffff, v60;
	_ =	sdelay $0x1  }
0xa1: {  	v61, _, _ =	vpop (xrf0)  }
0xa2: {  	(v2sf) =	vpush v61, $0xF;
	_ =	sdelay $0x1  }
0xa3: {  	v54, _, _ =	vpop (xrf0)  }
0xa4: {  	v62, _, _ =	vpop (xrf0)  }
0xa5: {  	s22 =	spop (v2sf);
	v55 =	vxor.u32 $0x80000000, v62  }
0xa6: {  	s2 =	spop (v2sf);
	v63 =	vperm.xlane v55, v4  }
0xa7: {  	p0 =	sgt.s32 s1, s2  }
0xa8: {  	s2 =	smov.u32 @p0 s1;
	v56 =	vsel vm1, $0xFFFFFFFF, v63  }
0xa9: {  	vm3 =	vgt.s32 v56, s2  }
0xaa: {  	v56 =	vnsel vm3, s2, v56  }
0xab: {  	v60 =	vsub.s32 v14, v56  }
0xac: {  	vm3 =	vlt.s32 v56, $0x0;
	vm12 =	vgt.s32 v60, $0x5  }
0xad: {  	vm3 =	vmor vm3, vm12  }
0xae: {  	vm3 =	vmand vm2, vm3  }
0xaf: {  	v61 =	vsel vm3, $0x1, v1  }
0xb0: {  	s26 =	spop (v2sf);
	(xrf0) =	vadd.scan.msk.s32 $0xffff, v61  }
0xb1: {  	s0 =	sadd.s32 s26, s0  }
0xb2: {  	s0 =	sadd.s32 $0x80000000, s0  }
0xb3: {  	v62 =	vmov s0  }
0xb4: {  	v56 =	vadd.s32 $0xFFFFFFFF, v62  }
0xb5: {  	v56 =	vbroadcast v56, $0x0  }
0xb6: {  	v63, _, _ =	vpop (xrf0)  }
0xb7: {  	v56 =	vadd.s32 v63, v56;
	_ =	sdelay $0x4  }
0xb8: {  	[tilespmem:v56+s10+$0x0] =	vst.idx.add.s32.msk vm2, v6  }
0xb9: {  	(v2sf) =	vpush v54, $0xF;
	[tilespmem:v56+s11+$0x0] =	vst.idx.msk vm3, v14  }
0xba: {  	(v2sf) =	vpush v55, $0xF;
	v54 =	vld [tilespmem:s19+$0x50];
	_ =	sdelay $0x1  }
0xbb: {  	v59 =	vxor.u32 $0x80000000, v63  }
0xbc: {  	(xrf0) =	vmax.scan.msk.u32 $0xffff, v59;
	_ =	sdelay $0x1  }
0xbd: {  	vm2 =	vge.f32 v54, $0.0e+00  }
0xbe: {  	(xrf0) =	vmax.scan.msk.f32 $0xffff, v53;
	v60 =	vnsel vm2, $0x7FFFFFFF, v15  }
0xbf: {  	(xrf0) =	vmax.scan.msk.u32 $0xffff, v60;
	_ =	sdelay $0x1  }
0xc0: {  	v61, _, _ =	vpop (xrf0)  }
0xc1: {  	(v2sf) =	vpush v61, $0xF;
	_ =	sdelay $0x1  }
0xc2: {  	v53, _, _ =	vpop (xrf0)  }
0xc3: {  	v62, _, _ =	vpop (xrf0)  }
0xc4: {  	s23 =	spop (v2sf);
	v55 =	vxor.u32 $0x80000000, v62  }
0xc5: {  	s1 =	spop (v2sf);
	v63 =	vperm.xlane v55, v4  }
0xc6: {  	p0 =	sgt.s32 s2, s1  }
0xc7: {  	s1 =	smov.u32 @p0 s2;
	v56 =	vsel vm1, $0xFFFFFFFF, v63  }
0xc8: {  	vm3 =	vgt.s32 v56, s1  }
0xc9: {  	v56 =	vnsel vm3, s1, v56  }
0xca: {  	v60 =	vsub.s32 v16, v56  }
0xcb: {  	vm3 =	vlt.s32 v56, $0x0;
	vm13 =	vgt.s32 v60, $0x5  }
0xcc: {  	vm3 =	vmor vm3, vm13  }
0xcd: {  	vm3 =	vmand vm2, vm3  }
0xce: {  	v61 =	vsel vm3, $0x1, v1  }
0xcf: {  	s28 =	spop (v2sf);
	(xrf0) =	vadd.scan.msk.s32 $0xffff, v61  }
0xd0: {  	s0 =	sadd.s32 s28, s0  }
0xd1: {  	s0 =	sadd.s32 $0x80000000, s0  }
0xd2: {  	v62 =	vmov s0  }
0xd3: {  	v56 =	vadd.s32 $0xFFFFFFFF, v62  }
0xd4: {  	v56 =	vbroadcast v56, $0x0  }
0xd5: {  	v63, _, _ =	vpop (xrf0)  }
0xd6: {  	v56 =	vadd.s32 v63, v56;
	_ =	sdelay $0x4  }
0xd7: {  	[tilespmem:v56+s10+$0x0] =	vst.idx.add.s32.msk vm2, v6  }
0xd8: {  	(v2sf) =	vpush v53, $0xF;
	[tilespmem:v56+s11+$0x0] =	vst.idx.msk vm3, v16  }
0xd9: {  	(v2sf) =	vpush v55, $0xF;
	v53 =	vld [tilespmem:s19+$0x60];
	_ =	sdelay $0x1  }
0xda: {  	v59 =	vxor.u32 $0x80000000, v63  }
0xdb: {  	(xrf0) =	vmax.scan.msk.u32 $0xffff, v59;
	_ =	sdelay $0x1  }
0xdc: {  	vm2 =	vge.f32 v53, $0.0e+00  }
0xdd: {  	(xrf0) =	vmax.scan.msk.f32 $0xffff, v54;
	v60 =	vnsel vm2, $0x7FFFFFFF, v17  }
0xde: {  	(xrf0) =	vmax.scan.msk.u32 $0xffff, v60;
	_ =	sdelay $0x1  }
0xdf: {  	v61, _, _ =	vpop (xrf0)  }
0xe0: {  	(v2sf) =	vpush v61, $0xF;
	_ =	sdelay $0x1  }
0xe1: {  	v54, _, _ =	vpop (xrf0)  }
0xe2: {  	v62, _, _ =	vpop (xrf0)  }
0xe3: {  	s24 =	spop (v2sf);
	v55 =	vxor.u32 $0x80000000, v62  }
0xe4: {  	s2 =	spop (v2sf);
	v63 =	vperm.xlane v55, v4  }
0xe5: {  	p0 =	sgt.s32 s1, s2  }
0xe6: {  	s2 =	smov.u32 @p0 s1;
	v56 =	vsel vm1, $0xFFFFFFFF, v63  }
0xe7: {  	vm3 =	vgt.s32 v56, s2  }
0xe8: {  	v56 =	vnsel vm3, s2, v56  }
0xe9: {  	v60 =	vsub.s32 v18, v56  }
0xea: {  	vm3 =	vlt.s32 v56, $0x0;
	vm14 =	vgt.s32 v60, $0x5  }
0xeb: {  	vm3 =	vmor vm3, vm14  }
0xec: {  	vm3 =	vmand vm2, vm3  }
0xed: {  	v61 =	vsel vm3, $0x1, v1  }
0xee: {  	s29 =	spop (v2sf);
	(xrf0) =	vadd.scan.msk.s32 $0xffff, v61  }
0xef: {  	s0 =	sadd.s32 s29, s0  }
0xf0: {  	s0 =	sadd.s32 $0x80000000, s0  }
0xf1: {  	v62 =	vmov s0  }
0xf2: {  	v56 =	vadd.s32 $0xFFFFFFFF, v62  }
0xf3: {  	v56 =	vbroadcast v56, $0x0  }
0xf4: {  	v63, _, _ =	vpop (xrf0)  }
0xf5: {  	v56 =	vadd.s32 v63, v56;
	_ =	sdelay $0x4  }
0xf6: {  	[tilespmem:v56+s10+$0x0] =	vst.idx.add.s32.msk vm2, v6  }
0xf7: {  	(v2sf) =	vpush v54, $0xF;
	[tilespmem:v56+s11+$0x0] =	vst.idx.msk vm3, v18  }
0xf8: {  	(v2sf) =	vpush v55, $0xF;
	v54 =	vld [tilespmem:s19+$0x70];
	_ =	sdelay $0x1  }
0xf9: {  	v59 =	vxor.u32 $0x80000000, v63  }
0xfa: {  	(xrf0) =	vmax.scan.msk.u32 $0xffff, v59;
	_ =	sdelay $0x1  }
0xfb: {  	vm2 =	vge.f32 v54, $0.0e+00  }
0xfc: {  	(xrf0) =	vmax.scan.msk.f32 $0xffff, v53;
	v60 =	vnsel vm2, $0x7FFFFFFF, v19  }
0xfd: {  	(xrf0) =	vmax.scan.msk.u32 $0xffff, v60;
	_ =	sdelay $0x1  }
0xfe: {  	v61, _, _ =	vpop (xrf0)  }
0xff: {  	(v2sf) =	vpush v61, $0xF;
	_ =	sdelay $0x1  }
0x100: {  	v53, _, _ =	vpop (xrf0)  }
0x101: {  	v62, _, _ =	vpop (xrf0)  }
0x102: {  	s25 =	spop (v2sf);
	v55 =	vxor.u32 $0x80000000, v62  }
0x103: {  	s1 =	spop (v2sf);
	v63 =	vperm.xlane v55, v4  }
0x104: {  	p0 =	sgt.s32 s2, s1  }
0x105: {  	s1 =	smov.u32 @p0 s2;
	v56 =	vsel vm1, $0xFFFFFFFF, v63  }
0x106: {  	vm3 =	vgt.s32 v56, s1  }
0x107: {  	v56 =	vnsel vm3, s1, v56  }
0x108: {  	v60 =	vsub.s32 v20, v56  }
0x109: {  	vm3 =	vlt.s32 v56, $0x0;
	vm15 =	vgt.s32 v60, $0x5  }
0x10a: {  	vm3 =	vmor vm3, vm15  }
0x10b: {  	vm3 =	vmand vm2, vm3  }
0x10c: {  	v61 =	vsel vm3, $0x1, v1  }
0x10d: {  	s30 =	spop (v2sf);
	(xrf0) =	vadd.scan.msk.s32 $0xffff, v61  }
0x10e: {  	s0 =	sadd.s32 s30, s0  }
0x10f: {  	s0 =	sadd.s32 $0x80000000, s0  }
0x110: {  	v62 =	vmov s0  }
0x111: {  	v56 =	vadd.s32 $0xFFFFFFFF, v62  }
0x112: {  	v56 =	vbroadcast v56, $0x0  }
0x113: {  	v63, _, _ =	vpop (xrf0)  }
0x114: {  	v56 =	vadd.s32 v63, v56;
	_ =	sdelay $0x4  }
0x115: {  	[tilespmem:v56+s10+$0x0] =	vst.idx.add.s32.msk vm2, v6  }
0x116: {  	(v2sf) =	vpush v53, $0xF;
	[tilespmem:v56+s11+$0x0] =	vst.idx.msk vm3, v20  }
0x117: {  	(v2sf) =	vpush v55, $0xF;
	v53 =	vld [tilespmem:s19+$0x400];
	_ =	sdelay $0x1  }
0x118: {  	v59 =	vxor.u32 $0x80000000, v63  }
0x119: {  	(xrf0) =	vmax.scan.msk.u32 $0xffff, v59;
	_ =	sdelay $0x1  }
0x11a: {  	vm2 =	vge.f32 v53, $0.0e+00  }
0x11b: {  	(xrf0) =	vmax.scan.msk.f32 $0xffff, v54;
	v60 =	vnsel vm2, $0x7FFFFFFF, v21  }
0x11c: {  	(xrf0) =	vmax.scan.msk.u32 $0xffff, v60;
	_ =	sdelay $0x1  }
0x11d: {  	v61, _, _ =	vpop (xrf0)  }
0x11e: {  	(v2sf) =	vpush v61, $0xF;
	_ =	sdelay $0x1  }
0x11f: {  	v54, _, _ =	vpop (xrf0)  }
0x120: {  	v62, _, _ =	vpop (xrf0)  }
0x121: {  	s26 =	spop (v2sf);
	v55 =	vxor.u32 $0x80000000, v62  }
0x122: {  	s2 =	spop (v2sf);
	v63 =	vperm.xlane v55, v4  }
0x123: {  	p0 =	sgt.s32 s1, s2  }
0x124: {  	s2 =	smov.u32 @p0 s1;
	v56 =	vsel vm1, $0xFFFFFFFF, v63  }
0x125: {  	vm3 =	vgt.s32 v56, s2  }
0x126: {  	v56 =	vnsel vm3, s2, v56  }
0x127: {  	v60 =	vsub.s32 v22, v56  }
0x128: {  	vm3 =	vlt.s32 v56, $0x0;
	vm8 =	vgt.s32 v60, $0x5  }
0x129: {  	vm3 =	vmor vm3, vm8  }
0x12a: {  	vm3 =	vmand vm2, vm3  }
0x12b: {  	v61 =	vsel vm3, $0x1, v1  }
0x12c: {  	s31 =	spop (v2sf);
	(xrf0) =	vadd.scan.msk.s32 $0xffff, v61  }
0x12d: {  	s0 =	sadd.s32 s31, s0  }
0x12e: {  	s0 =	sadd.s32 $0x80000000, s0  }
0x12f: {  	v62 =	vmov s0  }
0x130: {  	v56 =	vadd.s32 $0xFFFFFFFF, v62  }
0x131: {  	v56 =	vbroadcast v56, $0x0  }
0x132: {  	v63, _, _ =	vpop (xrf0)  }
0x133: {  	v56 =	vadd.s32 v63, v56;
	_ =	sdelay $0x4  }
0x134: {  	[tilespmem:v56+s10+$0x0] =	vst.idx.add.s32.msk vm2, v6  }
0x135: {  	(v2sf) =	vpush v54, $0xF;
	[tilespmem:v56+s11+$0x0] =	vst.idx.msk vm3, v22  }
0x136: {  	(v2sf) =	vpush v55, $0xF;
	v54 =	vld [tilespmem:s19+$0x410];
	_ =	sdelay $0x1  }
0x137: {  	v59 =	vxor.u32 $0x80000000, v63  }
0x138: {  	(xrf0) =	vmax.scan.msk.u32 $0xffff, v59;
	_ =	sdelay $0x1  }
0x139: {  	vm2 =	vge.f32 v54, $0.0e+00  }
0x13a: {  	(xrf0) =	vmax.scan.msk.f32 $0xffff, v53;
	v60 =	vnsel vm2, $0x7FFFFFFF, v23  }
0x13b: {  	(xrf0) =	vmax.scan.msk.u32 $0xffff, v60;
	_ =	sdelay $0x1  }
0x13c: {  	v61, _, _ =	vpop (xrf0)  }
0x13d: {  	(v2sf) =	vpush v61, $0xF;
	_ =	sdelay $0x1  }
0x13e: {  	v53, _, _ =	vpop (xrf0)  }
0x13f: {  	v62, _, _ =	vpop (xrf0)  }
0x140: {  	s28 =	spop (v2sf);
	v55 =	vxor.u32 $0x80000000, v62  }
0x141: {  	s1 =	spop (v2sf);
	v63 =	vperm.xlane v55, v4  }
0x142: {  	p0 =	sgt.s32 s2, s1  }
0x143: {  	s1 =	smov.u32 @p0 s2;
	v56 =	vsel vm1, $0xFFFFFFFF, v63  }
0x144: {  	vm3 =	vgt.s32 v56, s1  }
0x145: {  	v56 =	vnsel vm3, s1, v56  }
0x146: {  	v60 =	vsub.s32 v24, v56  }
0x147: {  	vm3 =	vlt.s32 v56, $0x0;
	vm9 =	vgt.s32 v60, $0x5  }
0x148: {  	vm3 =	vmor vm3, vm9  }
0x149: {  	vm3 =	vmand vm2, vm3  }
0x14a: {  	v61 =	vsel vm3, $0x1, v1  }
0x14b: {  	s4 =	spop (v2sf);
	(xrf0) =	vadd.scan.msk.s32 $0xffff, v61  }
0x14c: {  	s0 =	sadd.s32 s4, s0  }
0x14d: {  	s0 =	sadd.s32 $0x80000000, s0  }
0x14e: {  	v62 =	vmov s0  }
0x14f: {  	v56 =	vadd.s32 $0xFFFFFFFF, v62  }
0x150: {  	v56 =	vbroadcast v56, $0x0  }
0x151: {  	v63, _, _ =	vpop (xrf0)  }
0x152: {  	v56 =	vadd.s32 v63, v56;
	_ =	sdelay $0x4  }
0x153: {  	[tilespmem:v56+s10+$0x0] =	vst.idx.add.s32.msk vm2, v6  }
0x154: {  	(v2sf) =	vpush v53, $0xF;
	[tilespmem:v56+s11+$0x0] =	vst.idx.msk vm3, v24  }
0x155: {  	(v2sf) =	vpush v55, $0xF;
	v53 =	vld [tilespmem:s19+$0x420];
	_ =	sdelay $0x1  }
0x156: {  	v59 =	vxor.u32 $0x80000000, v63  }
0x157: {  	(xrf0) =	vmax.scan.msk.u32 $0xffff, v59;
	_ =	sdelay $0x1  }
0x158: {  	vm2 =	vge.f32 v53, $0.0e+00  }
0x159: {  	(xrf0) =	vmax.scan.msk.f32 $0xffff, v54;
	v60 =	vnsel vm2, $0x7FFFFFFF, v25  }
0x15a: {  	(xrf0) =	vmax.scan.msk.u32 $0xffff, v60;
	_ =	sdelay $0x1  }
0x15b: {  	v61, _, _ =	vpop (xrf0)  }
0x15c: {  	(v2sf) =	vpush v61, $0xF;
	_ =	sdelay $0x1  }
0x15d: {  	v54, _, _ =	vpop (xrf0)  }
0x15e: {  	v62, _, _ =	vpop (xrf0)  }
0x15f: {  	s29 =	spop (v2sf);
	v55 =	vxor.u32 $0x80000000, v62  }
0x160: {  	s2 =	spop (v2sf);
	v63 =	vperm.xlane v55, v4  }
0x161: {  	p0 =	sgt.s32 s1, s2  }
0x162: {  	s2 =	smov.u32 @p0 s1;
	v56 =	vsel vm1, $0xFFFFFFFF, v63  }
0x163: {  	vm3 =	vgt.s32 v56, s2  }
0x164: {  	v56 =	vnsel vm3, s2, v56  }
0x165: {  	v60 =	vsub.s32 v26, v56  }
0x166: {  	vm3 =	vlt.s32 v56, $0x0;
	vm10 =	vgt.s32 v60, $0x5  }
0x167: {  	vm3 =	vmor vm3, vm10  }
0x168: {  	vm3 =	vmand vm2, vm3  }
0x169: {  	v61 =	vsel vm3, $0x1, v1  }
0x16a: {  	s5 =	spop (v2sf);
	(xrf0) =	vadd.scan.msk.s32 $0xffff, v61  }
0x16b: {  	s0 =	sadd.s32 s5, s0  }
0x16c: {  	s0 =	sadd.s32 $0x80000000, s0  }
0x16d: {  	v62 =	vmov s0  }
0x16e: {  	v56 =	vadd.s32 $0xFFFFFFFF, v62  }
0x16f: {  	v56 =	vbroadcast v56, $0x0  }
0x170: {  	v63, _, _ =	vpop (xrf0)  }
0x171: {  	v56 =	vadd.s32 v63, v56;
	_ =	sdelay $0x4  }
0x172: {  	[tilespmem:v56+s10+$0x0] =	vst.idx.add.s32.msk vm2, v6  }
0x173: {  	(v2sf) =	vpush v54, $0xF;
	[tilespmem:v56+s11+$0x0] =	vst.idx.msk vm3, v26  }
0x174: {  	(v2sf) =	vpush v55, $0xF;
	v54 =	vld [tilespmem:s19+$0x430];
	_ =	sdelay $0x1  }
0x175: {  	v59 =	vxor.u32 $0x80000000, v63  }
0x176: {  	(xrf0) =	vmax.scan.msk.u32 $0xffff, v59;
	_ =	sdelay $0x1  }
0x177: {  	vm2 =	vge.f32 v54, $0.0e+00  }
0x178: {  	(xrf0) =	vmax.scan.msk.f32 $0xffff, v53;
	v60 =	vnsel vm2, $0x7FFFFFFF, v27  }
0x179: {  	(xrf0) =	vmax.scan.msk.u32 $0xffff, v60;
	_ =	sdelay $0x1  }
0x17a: {  	v61, _, _ =	vpop (xrf0)  }
0x17b: {  	(v2sf) =	vpush v61, $0xF;
	_ =	sdelay $0x1  }
0x17c: {  	v53, _, _ =	vpop (xrf0)  }
0x17d: {  	v62, _, _ =	vpop (xrf0)  }
0x17e: {  	s30 =	spop (v2sf);
	v55 =	vxor.u32 $0x80000000, v62  }
0x17f: {  	s1 =	spop (v2sf);
	v63 =	vperm.xlane v55, v4  }
0x180: {  	p0 =	sgt.s32 s2, s1  }
0x181: {  	s1 =	smov.u32 @p0 s2;
	v56 =	vsel vm1, $0xFFFFFFFF, v63  }
0x182: {  	vm3 =	vgt.s32 v56, s1  }
0x183: {  	v56 =	vnsel vm3, s1, v56  }
0x184: {  	v60 =	vsub.s32 v28, v56  }
0x185: {  	vm3 =	vlt.s32 v56, $0x0;
	vm11 =	vgt.s32 v60, $0x5  }
0x186: {  	vm3 =	vmor vm3, vm11  }
0x187: {  	vm3 =	vmand vm2, vm3  }
0x188: {  	v61 =	vsel vm3, $0x1, v1  }
0x189: {  	s6 =	spop (v2sf);
	(xrf0) =	vadd.scan.msk.s32 $0xffff, v61  }
0x18a: {  	s0 =	sadd.s32 s6, s0  }
0x18b: {  	s0 =	sadd.s32 $0x80000000, s0  }
0x18c: {  	v62 =	vmov s0  }
0x18d: {  	v56 =	vadd.s32 $0xFFFFFFFF, v62  }
0x18e: {  	v56 =	vbroadcast v56, $0x0  }
0x18f: {  	v63, _, _ =	vpop (xrf0)  }
0x190: {  	v56 =	vadd.s32 v63, v56;
	_ =	sdelay $0x4  }
0x191: {  	[tilespmem:v56+s10+$0x0] =	vst.idx.add.s32.msk vm2, v6  }
0x192: {  	(v2sf) =	vpush v53, $0xF;
	[tilespmem:v56+s11+$0x0] =	vst.idx.msk vm3, v28  }
0x193: {  	(v2sf) =	vpush v55, $0xF;
	v53 =	vld [tilespmem:s19+$0x440];
	_ =	sdelay $0x1  }
0x194: {  	v59 =	vxor.u32 $0x80000000, v63  }
0x195: {  	(xrf0) =	vmax.scan.msk.u32 $0xffff, v59;
	_ =	sdelay $0x1  }
0x196: {  	vm2 =	vge.f32 v53, $0.0e+00  }
0x197: {  	(xrf0) =	vmax.scan.msk.f32 $0xffff, v54;
	v60 =	vnsel vm2, $0x7FFFFFFF, v29  }
0x198: {  	(xrf0) =	vmax.scan.msk.u32 $0xffff, v60;
	_ =	sdelay $0x1  }
0x199: {  	v61, _, _ =	vpop (xrf0)  }
0x19a: {  	(v2sf) =	vpush v61, $0xF;
	_ =	sdelay $0x1  }
0x19b: {  	v54, _, _ =	vpop (xrf0)  }
0x19c: {  	v62, _, _ =	vpop (xrf0)  }
0x19d: {  	s31 =	spop (v2sf);
	v55 =	vxor.u32 $0x80000000, v62  }
0x19e: {  	s4 =	spop (v2sf);
	v63 =	vperm.xlane v55, v4  }
0x19f: {  	p0 =	sgt.s32 s1, s4  }
0x1a0: {  	s4 =	smov.u32 @p0 s1;
	v56 =	vsel vm1, $0xFFFFFFFF, v63  }
0x1a1: {  	vm3 =	vgt.s32 v56, s4  }
0x1a2: {  	v56 =	vnsel vm3, s4, v56  }
0x1a3: {  	v60 =	vsub.s32 v30, v56  }
0x1a4: {  	vm3 =	vlt.s32 v56, $0x0;
	vm12 =	vgt.s32 v60, $0x5  }
0x1a5: {  	vm3 =	vmor vm3, vm12  }
0x1a6: {  	vm3 =	vmand vm2, vm3  }
0x1a7: {  	v61 =	vsel vm3, $0x1, v1  }
0x1a8: {  	s7 =	spop (v2sf);
	(xrf0) =	vadd.scan.msk.s32 $0xffff, v61  }
0x1a9: {  	s0 =	sadd.s32 s7, s0  }
0x1aa: {  	s0 =	sadd.s32 $0x80000000, s0  }
0x1ab: {  	v62 =	vmov s0  }
0x1ac: {  	v56 =	vadd.s32 $0xFFFFFFFF, v62  }
0x1ad: {  	v56 =	vbroadcast v56, $0x0  }
0x1ae: {  	v63, _, _ =	vpop (xrf0)  }
0x1af: {  	v56 =	vadd.s32 v63, v56;
	_ =	sdelay $0x4  }
0x1b0: {  	[tilespmem:v56+s10+$0x0] =	vst.idx.add.s32.msk vm2, v6  }
0x1b1: {  	(v2sf) =	vpush v54, $0xF;
	[tilespmem:v56+s11+$0x0] =	vst.idx.msk vm3, v30  }
0x1b2: {  	(v2sf) =	vpush v55, $0xF;
	v54 =	vld [tilespmem:s19+$0x450];
	_ =	sdelay $0x1  }
0x1b3: {  	v58 =	vxor.u32 $0x80000000, v63  }
0x1b4: {  	(xrf0) =	vmax.scan.msk.u32 $0xffff, v58;
	_ =	sdelay $0x1  }
0x1b5: {  	vm2 =	vge.f32 v54, $0.0e+00  }
0x1b6: {  	(xrf0) =	vmax.scan.msk.f32 $0xffff, v53;
	v59 =	vnsel vm2, $0x7FFFFFFF, v31  }
0x1b7: {  	(xrf0) =	vmax.scan.msk.u32 $0xffff, v59;
	_ =	sdelay $0x1  }
0x1b8: {  	v60, _, _ =	vpop (xrf0)  }
0x1b9: {  	(v2sf) =	vpush v60, $0xF;
	_ =	sdelay $0x1  }
0x1ba: {  	v53, _, _ =	vpop (xrf0)  }
0x1bb: {  	v61, _, _ =	vpop (xrf0)  }
0x1bc: {  	s2 =	spop (v2sf);
	v55 =	vxor.u32 $0x80000000, v61  }
0x1bd: {  	s1 =	spop (v2sf);
	v62 =	vperm.xlane v55, v4  }
0x1be: {  	p0 =	sgt.s32 s4, s1  }
0x1bf: {  	s1 =	smov.u32 @p0 s4;
	v56 =	vsel vm1, $0xFFFFFFFF, v62  }
0x1c0: {  	vm3 =	vgt.s32 v56, s1  }
0x1c1: {  	v56 =	vnsel vm3, s1, v56  }
0x1c2: {  	v63 =	vsub.s32 v32, v56  }
0x1c3: {  	vm3 =	vlt.s32 v56, $0x0;
	vm13 =	vgt.s32 v63, $0x5  }
0x1c4: {  	vm3 =	vmor vm3, vm13  }
0x1c5: {  	vm3 =	vmand vm2, vm3  }
0x1c6: {  	v60 =	vsel vm3, $0x1, v1  }
0x1c7: {  	s9 =	spop (v2sf);
	(xrf0) =	vadd.scan.msk.s32 $0xffff, v60  }
0x1c8: {  	s0 =	sadd.s32 s9, s0  }
0x1c9: {  	s4 =	sadd.s32 $0x80000000, s0  }
0x1ca: {  	v61 =	vmov s4  }
0x1cb: {  	v56 =	vadd.s32 $0xFFFFFFFF, v61  }
0x1cc: {  	v56 =	vbroadcast v56, $0x0  }
0x1cd: {  	v62, _, _ =	vpop (xrf0)  }
0x1ce: {  	v56 =	vadd.s32 v62, v56;
	_ =	sdelay $0x4  }
0x1cf: {  	[tilespmem:v56+s10+$0x0] =	vst.idx.add.s32.msk vm2, v6  }
0x1d0: {  	(v2sf) =	vpush v53, $0xF;
	[tilespmem:v56+s11+$0x0] =	vst.idx.msk vm3, v32  }
0x1d1: {  	(v2sf) =	vpush v55, $0xF;
	v53 =	vld [tilespmem:s19+$0x460];
	_ =	sdelay $0x1  }
0x1d2: {  	v63 =	vxor.u32 $0x80000000, v62  }
0x1d3: {  	(xrf0) =	vmax.scan.msk.u32 $0xffff, v63;
	_ =	sdelay $0x1  }
0x1d4: {  	vm2 =	vge.f32 v53, $0.0e+00  }
0x1d5: {  	(xrf0) =	vmax.scan.msk.f32 $0xffff, v54;
	v57 =	vnsel vm2, $0x7FFFFFFF, v33  }
0x1d6: {  	(xrf0) =	vmax.scan.msk.u32 $0xffff, v57;
	_ =	sdelay $0x1  }
0x1d7: {  	v58, _, _ =	vpop (xrf0)  }
0x1d8: {  	(v2sf) =	vpush v58, $0xF;
	_ =	sdelay $0x1  }
0x1d9: {  	v54, _, _ =	vpop (xrf0)  }
0x1da: {  	v59, _, _ =	vpop (xrf0)  }
0x1db: {  	s0 =	spop (v2sf);
	v55 =	vxor.u32 $0x80000000, v59  }
0x1dc: {  	s9 =	spop (v2sf);
	v60 =	vperm.xlane v55, v4  }
0x1dd: {  	p0 =	sgt.s32 s1, s9  }
0x1de: {  	s9 =	smov.u32 @p0 s1;
	v56 =	vsel vm1, $0xFFFFFFFF, v60  }
0x1df: {  	vm3 =	vgt.s32 v56, s9  }
0x1e0: {  	v56 =	vnsel vm3, s9, v56  }
0x1e1: {  	v61 =	vsub.s32 v34, v56  }
0x1e2: {  	vm3 =	vlt.s32 v56, $0x0;
	vm14 =	vgt.s32 v61, $0x5  }
0x1e3: {  	vm3 =	vmor vm3, vm14  }
0x1e4: {  	vm3 =	vmand vm2, vm3  }
0x1e5: {  	v62 =	vsel vm3, $0x1, v1  }
0x1e6: {  	s13 =	spop (v2sf);
	(xrf0) =	vadd.scan.msk.s32 $0xffff, v62  }
0x1e7: {  	s1 =	sadd.s32 s13, s4  }
0x1e8: {  	s4 =	sadd.s32 $0x80000000, s1  }
0x1e9: {  	v63 =	vmov s4  }
0x1ea: {  	v56 =	vadd.s32 $0xFFFFFFFF, v63  }
0x1eb: {  	v56 =	vbroadcast v56, $0x0  }
0x1ec: {  	v60, _, _ =	vpop (xrf0)  }
0x1ed: {  	v56 =	vadd.s32 v60, v56;
	_ =	sdelay $0x4  }
0x1ee: {  	[tilespmem:v56+s10+$0x0] =	vst.idx.add.s32.msk vm2, v6  }
0x1ef: {  	(v2sf) =	vpush v54, $0xF;
	[tilespmem:v56+s11+$0x0] =	vst.idx.msk vm3, v34  }
0x1f0: {  	(v2sf) =	vpush v55, $0xF;
	v54 =	vld [tilespmem:s19+$0x470];
	_ =	sdelay $0x3  }
0x1f1: {  	v61 =	vxor.u32 $0x80000000, v60  }
0x1f2: {  	(xrf0) =	vmax.scan.msk.u32 $0xffff, v61;
	vm2 =	vge.f32 v54, $0.0e+00  }
0x1f3: {  	(xrf0) =	vmax.scan.msk.f32 $0xffff, v53;
	v62 =	vnsel vm2, $0x7FFFFFFF, v35  }
0x1f4: {  	(xrf0) =	vmax.scan.msk.u32 $0xffff, v62;
	_ =	sdelay $0x3  }
0x1f5: {  	v63, _, _ =	vpop (xrf0)  }
0x1f6: {  	v55, _, _ =	vpop (xrf0)  }
0x1f7: {  	v60, _, _ =	vpop (xrf0)  }
0x1f8: {  	s1 =	spop (v2sf);
	v56 =	vxor.u32 $0x80000000, v60  }
0x1f9: {  	s13 =	spop (v2sf);
	v56 =	vperm.xlane v56, v4  }
0x1fa: {  	p0 =	sgt.s32 s9, s13  }
0x1fb: {  	s13 =	smov.u32 @p0 s9;
	v56 =	vsel vm1, $0xFFFFFFFF, v56  }
0x1fc: {  	vm1 =	vgt.s32 v56, s13  }
0x1fd: {  	v56 =	vnsel vm1, s13, v56  }
0x1fe: {  	v61 =	vsub.s32 v36, v56  }
0x1ff: {  	vm1 =	vlt.s32 v56, $0x0;
	vm3 =	vgt.s32 v61, $0x5  }
0x200: {  	vm1 =	vmor vm1, vm3  }
0x201: {  	vm1 =	vmand vm2, vm1  }
0x202: {  	(v2sf) =	vpush v63, $0xF;
	v62 =	vsel vm1, $0x1, v1  }
0x203: {  	(xrf0) =	vadd.scan.msk.s32 $0xffff, v62;
	_ =	sdelay $0x5  }
0x204: {  	v53, _, _ =	vpop (xrf0)  }
0x205: {  	v63 =	vxor.u32 $0x80000000, v53  }
0x206: {  	(xrf0) =	vmax.scan.msk.u32 $0xffff, v63;
	_ =	sdelay $0x5  }
0x207: {  	(v2sf) =	vpush v55, $0xF;
	s5 =	spop (v2sf);
	v60, _, _ =	vpop (xrf0)  }
0x208: {  	s4 =	sadd.s32 s5, s4;
	(v2sf) =	vpush v60, $0xF  }
0x209: {  	s4 =	sadd.s32 $0x80000000, s4  }
0x20a: {  	v61 =	vmov s4  }
0x20b: {  	v55 =	vadd.s32 $0xFFFFFFFF, v61  }
0x20c: {  	v55 =	vbroadcast v55, $0x0;
	_ =	sdelay $0x1  }
0x20d: {  	v53 =	vadd.s32 v53, v55;
	_ =	sdelay $0x4  }
0x20e: {  	[tilespmem:v53+s10+$0x0] =	vst.idx.add.s32.msk vm2, v6  }
0x20f: {  	[tilespmem:v53+s11+$0x0] =	vst.idx.msk vm1, v36  }
0x210: {  	v53 =	vld [tilespmem:$0x4080]  }
0x211: {  	s9 =	spop (v2sf);
	v62 =	vld [tilespmem:$0x4090]  }
0x212: {  	s6 =	spop (v2sf)  }
0x213: {  	v63 =	vld [tilespmem:$0x40A0];
	s4 =	sadd.s32 s6, s4  }
0x214: {  	s13 =	sadd.s32 $0x80000000, s4  }
0x215: {  	v53 =	vshll.u32 v53, $0x9;
	v60 =	vmov s13  }
0x216: {  	v55 =	vshll.u32 v62, $0x9;
	v53 =	vxor.u32 v3, v53;
	vm1 =	vgt.s32 v60, v2  }
0x217: {  	(xrf0) =	vmax.scan.msk.f32 $0xffff, v54;
	v61 =	vxor.u32 v7, v55;
	v53 =	vnsel vm1, $0xC0000000, v53;
	vm1 =	vgt.s32 v60, v8  }
0x218: {  	v63 =	vshll.u32 v63, $0x9;
	(xrf0) =	vmin.scan.msk.u32 $0xffff, v53;
	v62 =	vnsel vm1, $0xC0000000, v61  }
0x219: {  	v58 =	vxor.u32 v9, v63;
	vm1 =	vgt.s32 v60, v10;
	(xrf0) =	vmin.scan.msk.u32 $0xffff, v62  }
0x21a: {  	v53 =	vnsel vm1, $0xC0000000, v58  }
0x21b: {  	(xrf0) =	vmin.scan.msk.u32 $0xffff, v53;
	_ =	sdelay $0x1  }
0x21c: {  	v59, _, _ =	vpop (xrf0)  }
0x21d: {  	(v2sf) =	vpush v59, $0xF;
	v60, _, _ =	vpop (xrf0)  }
0x21e: {  	(v2sf) =	vpush v60, $0xF;
	v61, _, _ =	vpop (xrf0)  }
0x21f: {  	(v2sf) =	vpush v61, $0xF  }
0x220: {  	v62, _, _ =	vpop (xrf0)  }
0x221: {  	(v2sf) =	vpush v62, $0xF;
	_ =	sdelay $0xa  }
0x222: {  	s4 =	spop (v2sf)  }
0x223: {  	s5 =	spop (v2sf)  }
0x224: {  	s6 =	spop (v2sf)  }
0x225: {  	s5 =	sxor.u32 $0x80000000, s5;
	s6 =	sxor.u32 $0x80000000, s6  }
0x226: {  	s7 =	spop (v2sf);
	p0 =	slt.s32 s5, s6  }
0x227: {  	s6 =	smov.u32 @p0 s5;
	s5 =	sxor.u32 $0x80000000, s7  }
0x228: {  	p0 =	slt.s32 s6, s5  }
0x229: {  	s5 =	smov.u32 @p0 s6  }
0x22a: {  	p0 =	slt.s32 s5, $0x40000000  }
0x22b: {  	s5 =	simm.s32 @!p0 $0x40000000  }
0x22c: {  	s5 =	sand.u32 $0x1FF, s5  }
0x22d: {  	s6 =	smin.u32 s5, $0x2F;
	s7 =	smin.u32 s5, $0x2E  }
0x22e: {  	v63 =	vmov s6;
	s7 =	sadd.s32 $0x1, s7  }
0x22f: {  	v57 =	vmov s7;
	_ =	sdelay $0x3  }
0x230: {  	v53 =	vld.idx.msk [tilespmem:v63+s11+$0x0], $0xffff  }
0x231: {  	v54 =	vld.idx.msk [tilespmem:v57+s11+$0x0], $0xffff;
	_ =	sdelay $0x3  }
0x232: {  	v53 =	vxor.u32 $0x80000000, v53  }
0x233: {  	(xrf0) =	vmax.scan.msk.u32 $0xffff, v53;
	v58 =	vxor.u32 $0x80000000, v54  }
0x234: {  	(xrf0) =	vmax.scan.msk.u32 $0xffff, v58;
	_ =	sdelay $0x4  }
0x235: {  	v59, _, _ =	vpop (xrf0)  }
0x236: {  	(v2sf) =	vpush v59, $0xF;
	v60, _, _ =	vpop (xrf0)  }
0x237: {  	(v2sf) =	vpush v60, $0xF;
	_ =	sdelay $0xd  }
0x238: {  	s6 =	spop (v2sf)  }
0x239: {  	p1 =	sgt.s32 s13, $0x0;
	s5 =	sadd.s32 $0x1, s5;
	s7 =	spop (v2sf)  }
0x23a: {  	v61 =	vld [tilespmem:s19+$0x0];
	p0 =	slt.s32 s5, s13;
	s6 =	sxor.u32 $0x80000000, s6;
	s5 =	sxor.u32 $0x80000000, s7  }
0x23b: {  	s6 =	simm.s32 @!p1 $0x101;
	s5 =	simm.s32 @!p0 $0x100  }
0x23c: {  	v62 =	vld [tilespmem:s19+$0x10];
	v54 =	vmov s6;
	v55 =	vmov s5  }
0x23d: {  	v63 =	vld [tilespmem:s19+$0x20];
	vm1 =	vlt.s32 v54, v37;
	vm2 =	vgt.s32 v55, v2  }
0x23e: {  	vm1 =	vmand vm1, vm2  }
0x23f: {  	v58 =	vld [tilespmem:s19+$0x30];
	vm2 =	vgt.s32 v55, v8;
	v53 =	vnsel vm1, $0xFF61B1E6, v61;
	vm1 =	vlt.s32 v54, v38  }
0x240: {  	vm3 =	vgt.s32 v55, v10;
	vm1 =	vmand vm1, vm2;
	vm2 =	vlt.s32 v54, v39  }
0x241: {  	v59 =	vnsel vm1, $0xFF61B1E6, v62;
	vm1 =	vmand vm2, vm3  }
0x242: {  	(xrf0) =	vmax.scan.msk.f32 $0xffff, v53;
	vm2 =	vgt.s32 v55, v12;
	v60 =	vnsel vm1, $0xFF61B1E6, v63;
	vm1 =	vlt.s32 v54, v40  }
0x243: {  	(xrf0) =	vmax.scan.msk.f32 $0xffff, v59;
	vm1 =	vmand vm1, vm2  }
0x244: {  	(xrf0) =	vmax.scan.msk.f32 $0xffff, v60;
	v61 =	vnsel vm1, $0xFF61B1E6, v58  }
0x245: {  	v53 =	vld [tilespmem:s19+$0x40];
	(xrf0) =	vmax.scan.msk.f32 $0xffff, v61;
	_ =	sdelay $0x1  }
0x246: {  	v57 =	vld [tilespmem:s19+$0x50]  }
0x247: {  	vm2 =	vgt.s32 v55, v14;
	vm1 =	vlt.s32 v54, v41;
	v62, _, _ =	vpop (xrf0)  }
0x248: {  	v59 =	vld [tilespmem:s19+$0x70];
	vm1 =	vmand vm1, vm2;
	v63, _, _ =	vpop (xrf0)  }
0x249: {  	v61 =	vld [tilespmem:s19+$0x60];
	vm2 =	vgt.s32 v55, v16;
	v53 =	vnsel vm1, $0xFF61B1E6, v53;
	vm1 =	vlt.s32 v54, v42;
	v60, _, _ =	vpop (xrf0)  }
0x24a: {  	(v2sf) =	vpush v62, $0xF;
	vm1 =	vmand vm1, vm2;
	vm2 =	vgt.s32 v55, v18;
	v62, _, _ =	vpop (xrf0);
	(xrf0) =	vmax.scan.msk.f32 $0xffff, v53  }
0x24b: {  	v57 =	vnsel vm1, $0xFF61B1E6, v57;
	vm1 =	vlt.s32 v54, v43;
	(v2sf) =	vpush v63, $0xF;
	v63 =	vld [tilespmem:s19+$0x400]  }
0x24c: {  	vm3 =	vgt.s32 v55, v20;
	vm1 =	vmand vm1, vm2;
	vm2 =	vlt.s32 v54, v44  }
0x24d: {  	vm15 =	vgt.s32 v55, v22;
	v58 =	vld [tilespmem:s19+$0x410];
	(v2sf) =	vpush v60, $0xF;
	vm2 =	vmand vm2, vm3;
	(xrf0) =	vmax.scan.msk.f32 $0xffff, v57  }
0x24e: {  	vm3 =	vlt.s32 v54, v45;
	v56 =	vnsel vm1, $0xFF61B1E6, v61;
	v59 =	vnsel vm2, $0xFF61B1E6, v59;
	v57 =	vld [tilespmem:s19+$0x420]  }
0x24f: {  	vm1 =	vmand vm3, vm15;
	vm2 =	vgt.s32 v55, v24;
	vm3 =	vgt.s32 v55, v26;
	(xrf0) =	vmax.scan.msk.f32 $0xffff, v56  }
0x250: {  	(v2sf) =	vpush v62, $0xF;
	v56 =	vld [tilespmem:s19+$0x430];
	v53 =	vnsel vm1, $0xFF61B1E6, v63;
	vm1 =	vlt.s32 v54, v46;
	(xrf0) =	vmax.scan.msk.f32 $0xffff, v59;
	v60, _, _ =	vpop (xrf0)  }
0x251: {  	v59 =	vld [tilespmem:s19+$0x440];
	vm1 =	vmand vm1, vm2;
	vm2 =	vlt.s32 v54, v47;
	(v2sf) =	vpush v60, $0xF  }
0x252: {  	(xrf0) =	vmax.scan.msk.f32 $0xffff, v53;
	v60 =	vnsel vm1, $0xFF61B1E6, v58;
	vm1 =	vmand vm2, vm3;
	vm2 =	vgt.s32 v55, v28  }
0x253: {  	s20 =	smax.f32 s20, $-3.000000010e+38;
	v62, _, _ =	vpop (xrf0);
	vm3 =	vgt.s32 v55, v30;
	v61 =	vnsel vm1, $0xFF61B1E6, v57;
	vm1 =	vlt.s32 v54, v48;
	v57 =	vld [tilespmem:s19+$0x450]  }
0x254: {  	s5 =	smax.f32 s20, s21;
	(xrf0) =	vmax.scan.msk.f32 $0xffff, v60;
	(v2sf) =	vpush v62, $0xF;
	vm1 =	vmand vm1, vm2;
	vm2 =	vlt.s32 v54, v49  }
0x255: {  	s5 =	smax.f32 s5, s22;
	v58 =	vld [tilespmem:s19+$0x460];
	(xrf0) =	vmax.scan.msk.f32 $0xffff, v61;
	v63 =	vnsel vm1, $0xFF61B1E6, v56;
	vm1 =	vmand vm2, vm3;
	v60, _, _ =	vpop (xrf0);
	vm2 =	vgt.s32 v55, v32  }
0x256: {  	s5 =	smax.f32 s5, s23;
	(xrf0) =	vmax.scan.msk.f32 $0xffff, v63;
	v61 =	vnsel vm1, $0xFF61B1E6, v59;
	vm1 =	vlt.s32 v54, v50;
	(v2sf) =	vpush v60, $0xF;
	v62, _, _ =	vpop (xrf0)  }
0x257: {  	s5 =	smax.f32 s5, s24;
	v59 =	vld [tilespmem:s19+$0x470];
	(xrf0) =	vmax.scan.msk.f32 $0xffff, v61;
	vm1 =	vmand vm1, vm2;
	(v2sf) =	vpush v62, $0xF  }
0x258: {  	s5 =	smax.f32 s5, s25;
	vm2 =	vgt.s32 v55, v34;
	v63, _, _ =	vpop (xrf0);
	v60 =	vnsel vm1, $0xFF61B1E6, v57;
	vm1 =	vlt.s32 v54, v51  }
0x259: {  	s5 =	smax.f32 s5, s26;
	(v2sf) =	vpush v63, $0xF;
	vm1 =	vmand vm1, vm2  }
0x25a: {  	s5 =	smax.f32 s5, s28;
	v61, _, _ =	vpop (xrf0);
	vm2 =	vlt.s32 v54, v52;
	v63 =	vnsel vm1, $0xFF61B1E6, v58;
	vm1 =	vgt.s32 v55, v36  }
0x25b: {  	s5 =	smax.f32 s5, s29;
	(xrf0) =	vmax.scan.msk.f32 $0xffff, v60;
	v62, _, _ =	vpop (xrf0);
	vm1 =	vmand vm2, vm1  }
0x25c: {  	s5 =	smax.f32 s5, s30;
	(xrf0) =	vmax.scan.msk.f32 $0xffff, v63;
	v56, _, _ =	vpop (xrf0);
	v58 =	vnsel vm1, $0xFF61B1E6, v59  }
0x25d: {  	s5 =	smax.f32 s5, s31;
	v57, _, _ =	vpop (xrf0);
	(xrf0) =	vmax.scan.msk.f32 $0xffff, v58  }
0x25e: {  	s2 =	smax.f32 s5, s2;
	(v2sf) =	vpush v61, $0xF  }
0x25f: {  	s6 =	rddreg [dreg:$0x6];
	s0 =	smax.f32 s2, s0;
	(v2sf) =	vpush v62, $0xF  }
0x260: {  	s25 =	rddreg [dreg:$0x5];
	s0 =	smax.f32 s0, s1;
	(v2sf) =	vpush v56, $0xF  }
0x261: {  	s0 =	smax.f32 s0, s9;
	s26 =	spop (v2sf);
	(v2sf) =	vpush v57, $0xF;
	v59, _, _ =	vpop (xrf0)  }
0x262: {  	s5 =	smax.f32 s26, $-3.000000010e+38;
	s28 =	spop (v2sf);
	(v2sf) =	vpush v59, $0xF;
	v60, _, _ =	vpop (xrf0)  }
0x263: {  	s29 =	spop (v2sf);
	s2 =	smax.f32 s5, s28;
	(v2sf) =	vpush v60, $0xF;
	v61, _, _ =	vpop (xrf0)  }
0x264: {  	s28 =	sxor.u32 s25, s18;
	s1 =	smax.f32 s2, s29;
	s30 =	spop (v2sf);
	(v2sf) =	vpush v61, $0xF  }
0x265: {  	p0 =	seq.s32 s28, $0x80000000;
	s1 =	smax.f32 s1, s30;
	s30 =	scvt.s32.f32 s13  }
0x266: {  	s0 =	smax.f32 s0, s4;
	s6 =	simm.s32 @!p0 $0x0  }
0x267: {  	s0 =	ssub.f32 $0.0e+00, s0;
	p0 =	sgt.f32 s6, s30  }
0x268: {  	p1 =	slt.f32 s6, s30;
	s31 =	spop (v2sf)  }
0x269: {  	s7 =	spop (v2sf);
	s1 =	smax.f32 s1, s31  }
0x26a: {  	s1 =	smax.f32 s1, s7;
	s9 =	spop (v2sf)  }
0x26b: {  	s19 =	spop (v2sf);
	s1 =	smax.f32 s1, s9  }
0x26c: {  	s1 =	smax.f32 s1, s19;
	s20 =	spop (v2sf)  }
0x26d: {  	s21 =	spop (v2sf);
	s1 =	smax.f32 s1, s20  }
0x26e: {  	s22 =	spop (v2sf);
	s1 =	smax.f32 s1, s21  }
0x26f: {  	s1 =	smax.f32 s1, s22;
	s23 =	spop (v2sf)  }
0x270: {  	s24 =	spop (v2sf);
	s1 =	smax.f32 s1, s23  }
0x271: {  	s1 =	smax.f32 s1, s24;
	s26 =	spop (v2sf)  }
0x272: {  	s0 =	simm.s32 @!p0 $0x0;
	s1 =	smax.f32 s1, s26;
	s29 =	spop (v2sf)  }
0x273: {  	v62 =	vmov s18;
	p0 =	sne.s32 s18, $0x3F;
	s1 =	smax.f32 s1, s29;
	s31 =	spop (v2sf)  }
.Ltmp0:
0x274: {  	s1 =	smax.f32 s1, s31;
	(pc) =	sbr.rel @p0 .LBB2_2-.Ltmp0, $4  }
0x275: {  	s1 =	simm.s32 @!p1 $0x0  }
0x276: {  	s0 =	sadd.f32 s1, s0  }
0x277: {  	s17 =	sadd.s32 $0x80, s17;
	v63 =	vmov s30  }
0x278: {  	s16 =	sadd.s32 $0x100, s16;
	[tilespmem:v62+s12+$0x0] =	vst.idx.msk $0x1, v63;
	s18 =	sadd.s32 $0x1, s18;
	s15 =	sadd.f32 s0, s15  }
0x279: {  	s0 =	rddreg [dreg:$0x8]  }
0x27a: {  	[hbm4b:s0+s3] =	stream.linear.scatter [tilespmem:s12], [sflag:$0x1], $0x80, $0x38;
	[tilespmem:$0x4280] =	vst v63  }
0x27b: {  	_ =	swait.ge [sflag:s8], $0x80  }
0x27c: {  	v53 =	vmov s15;
	[sflag:s8] =	ssyncset.done $0x0  }
0x27d: {  	v53 =	vnsel vm0, $0x0, v53;
	[sflag:s8] =	ssyncadd.s32 $0xFFFFFF80  }
0x27e: {  	s1 =	simm.s32 $0x4200;
	s30 =	rddreg [dreg:$0x9];
	[tilespmem:$0x4200] =	vst v53  }
0x27f: {  	[hbm4b:s30+s3] =	stream.linear.scatter [tilespmem:s1], [sflag:$0x1], $0x80, $0x38;
	[tilespmem:$0x4280] =	vst v63  }
0x280: {  	_ =	swait.ge [sflag:s8], $0x80  }
0x281: {  	s14 =	sadd.s32 $0x1, s14;
	s31 =	rddreg [dreg:$0xa]  }
0x282: {  	p0 =	sne.s32 s14, s31  }
.Ltmp1:
0x283: {  	_ = 	snop;
	(pc) =	sbr.rel @p0 .LBB2_1-.Ltmp1, $3  }
0x284: {  	_ =	sdelay $0x1  }
0x285: {  	[sflag:s8] =	ssyncset.done $0x0  }
0x286: {  	[sflag:s8] =	ssyncadd.s32 $0xFFFFFF80  }
0x287: {  	_ =	sfence.sel $0x180000  }
0x288: {  	[bflag:$0x0] =	sbarrier.arrive $0xFFFF  }
0x289: {  	_ =	strace $0x90000047  }
0x28a: {  	s0 =	stileid.u32;
	[bflag:$0x2] =	sbarrier.arrive $0xFFFF  }
0x28b: {  	p0 =	sne.s32 s0, $0x0;
	s0 =	rddreg [dreg:$0x4]  }
0x28c: {  	s0 =	sadd.s32 @!p0 $0x100000, s0  }
0x28d: {  	[sflag:s0] =	ssyncadd.tile.s32 @!p0 $0x1;
	_ =	shalt  }
.Lfunc_end2:
_tile_overlayer_lowered:
.L_overlay_start_2:
0x28e: {  	(tag) =	ssettag $0x2  }
0x28f: {  	s0 =	rddreg [dreg:$0x0];
	s2 =	stileid.u32  }
0x290: {  	s1 =	rddreg [dreg:$0x1];
	p0 =	sne.s32 s2, $0x0  }
0x291: {  	s3 =	rddreg [dreg:$0x2];
	[bflag:$0x3] =	sbarrier.arrive $0xFFFF;
	s2 =	simm.s32 @!p0 $0x1C01  }
0x292: {  	[timem:s3], [sflag:s2] =	dma.local @!p0 [hbm:s0], s1  }
0x293: {  	s0 =	simm.s32 @!p0 $0x1  }
0x294: {  	_ =	swait.ge @!p0 [sflag:s0], s1  }
0x295: {  	s1 =	ssub.s32 @!p0 $0x0, s1;
	[sflag:s0] =	ssyncset.done @!p0 $0x0  }
0x296: {  	[sflag:s0] =	ssyncadd.s32 @!p0 s1  }
0x297: {  	[bflag:$0x3] =	sbarrier.arrive $0xFFFF  }
0x298: {  	_ =	shalt  }

</sc_bundles>
